<compile_context>
chip_gen: v7x
topology: tpu7x:2x2x1
jax: 0.10.2.dev20260603
libtpu: 0.0.44.dev20260713+nightly
codegen_flags: <defaults>
</compile_context>

<pallas_src>
import functools

import jax
import jax.numpy as jnp
from jax import lax
from jax.experimental import pallas as pl
from jax.experimental.pallas import tpu as pltpu
from jax.experimental.pallas import tpu_sc as plsc

N = 10000
D = 128
NP = 10112
NC, NS, LANES = 2, 16, 16
NW = NC * NS
CB = 128
RPT = NP // NS
BR = 2528
G = NP // BR

_MESH = dict(core_axis_name="c", subcore_axis_name="s")



def _zero_slab(buf, sh, base):
    full, rem = divmod(RPT, CB)
    for k in range(full):
        pltpu.sync_copy(buf, sh.at[pl.ds(base + k * CB, CB)])
    if rem:
        pltpu.sync_copy(buf.at[pl.ds(0, rem)],
                        sh.at[pl.ds(base + full * CB, rem)])


@functools.lru_cache(maxsize=None)
def _sc_deg(ec):

    @functools.partial(
        pl.kernel,
        out_type=jax.ShapeDtypeStruct((NC, NP, LANES), jnp.float32),
        mesh=plsc.VectorSubcoreMesh(**_MESH),
        scratch_types=[
            pltpu.VMEM((ec, CB), jnp.int32),
            pltpu.VMEM((CB, LANES), jnp.float32),
            pltpu.VMEM_SHARED((NP, LANES), jnp.float32),
            pltpu.SemaphoreType.DMA,
        ],
    )
    def deg_kernel(dst_hbm, oz_hbm, deg_hbm, dst_v, ones_v, deg_sh, dgsem):
        cid = lax.axis_index("c")
        sid = lax.axis_index("s")
        w = cid * NS + sid
        base = sid * RPT

        pltpu.sync_copy(oz_hbm.at[0], ones_v)
        _zero_slab(ones_v, deg_sh, base)
        pltpu.sync_copy(oz_hbm.at[1], ones_v)
        plsc.subcore_barrier()

        pltpu.sync_copy(dst_hbm.at[w], dst_v)

        kf = 16
        def batch(g, _):
            s = g * kf
            def fire(c, _):
                pltpu.async_copy(ones_v, deg_sh.at[dst_v.at[c]], dgsem,
                                 add=True)
                return 0
            lax.fori_loop(s, s + kf, fire, 0)
            def drain(c, _):
                pltpu.make_async_copy(ones_v, deg_sh.at[dst_v.at[c]],
                                      dgsem).wait()
                return 0
            lax.fori_loop(s, s + kf, drain, 0)
            return 0
        lax.fori_loop(0, ec // kf, batch, 0)
        def tail(c, _):
            pltpu.sync_copy(ones_v, deg_sh.at[dst_v.at[c]], add=True)
            return 0
        lax.fori_loop(ec // kf * kf, ec, tail, 0)

        plsc.subcore_barrier()
        pltpu.sync_copy(deg_sh.at[pl.ds(base, RPT)],
                        deg_hbm.at[cid, pl.ds(base, RPT)])

    return deg_kernel


@functools.lru_cache(maxsize=None)
def _sc_layer(ec):
    assert ec % 2 == 0 and ec >= 6

    @functools.partial(
        pl.kernel,
        out_type=jax.ShapeDtypeStruct((NC, NP, D), jnp.float32),
        mesh=plsc.VectorSubcoreMesh(**_MESH),
        scratch_types=[
            pltpu.VMEM((2, CB), jnp.int32),
            pltpu.VMEM((2, CB), jnp.int32),
            pltpu.VMEM((2, CB, D), jnp.float32),
            pltpu.VMEM_SHARED((NP, D), jnp.float32),
        ] + [pltpu.SemaphoreType.DMA] * 6,
    )
    def layer_kernel(y_hbm, src_hbm, dst_hbm, zrs_hbm, z_hbm,
                     src_v, dst_v, rows_v, z_sh, *sems):
        rsem = sems[0:2]
        ssem = sems[2:4]
        dsem = sems[4:6]
        cid = lax.axis_index("c")
        sid = lax.axis_index("s")
        w = cid * NS + sid
        base = sid * RPT

        pltpu.sync_copy(zrs_hbm, rows_v.at[0])
        _zero_slab(rows_v.at[0], z_sh, base)
        plsc.subcore_barrier()

        def src_cp(b, c):
            return pltpu.make_async_copy(src_hbm.at[w, c], src_v.at[b],
                                         ssem[b])

        def dst_cp(b, c):
            return pltpu.make_async_copy(dst_hbm.at[w, c], dst_v.at[b],
                                         dsem[b])

        def rows_cp(b):
            return pltpu.make_async_copy(y_hbm.at[src_v.at[b]],
                                         rows_v.at[b], rsem[b])

        def do_chunk(c, b, tail=0):
            if tail < 2:
                src_cp(b ^ 1, c + 1).wait()
            rows_cp(b).wait()
            if tail < 2:
                rows_cp(b ^ 1).start()
            if not tail:
                src_cp(b, c + 2).start()
            dst_cp(b, c).wait()
            pltpu.sync_copy(rows_v.at[b], z_sh.at[dst_v.at[b]], add=True)
            if not tail:
                dst_cp(b, c + 2).start()

        src_cp(0, 0).start()
        dst_cp(0, 0).start()
        src_cp(1, 1).start()
        dst_cp(1, 1).start()
        src_cp(0, 0).wait()
        rows_cp(0).start()

        def group(g, _):
            c0 = g * 2
            do_chunk(c0, 0)
            do_chunk(c0 + 1, 1)
            return 0
        lax.fori_loop(0, ec // 2 - 1, group, 0)

        do_chunk(ec - 2, 0, tail=1)
        do_chunk(ec - 1, 1, tail=2)

        plsc.subcore_barrier()
        pltpu.sync_copy(z_sh.at[pl.ds(base, RPT)],
                        z_hbm.at[cid, pl.ds(base, RPT)])

    return layer_kernel



def _dis_of(d0_ref, d1_ref):
    return lax.rsqrt(d0_ref[:, 0:1] + d1_ref[:, 0:1] + 1.0)


def _tc_first(x, W1, deg0, deg1):
    def body(x_ref, w_ref, d0_ref, d1_ref, y_ref, dis_ref):
        dis = _dis_of(d0_ref, d1_ref)
        h = jnp.dot(x_ref[...], w_ref[...], preferred_element_type=jnp.float32)
        y_ref[...] = h * dis
        dis_ref[...] = jnp.broadcast_to(dis, (BR, D))

    return pl.pallas_call(
        body,
        grid=(G,),
        in_specs=[
            pl.BlockSpec((BR, D), lambda i: (i, 0)),
            pl.BlockSpec((D, D), lambda i: (0, 0)),
            pl.BlockSpec((BR, LANES), lambda i: (i, 0)),
            pl.BlockSpec((BR, LANES), lambda i: (i, 0)),
        ],
        out_specs=[
            pl.BlockSpec((BR, D), lambda i: (i, 0)),
            pl.BlockSpec((BR, D), lambda i: (i, 0)),
        ],
        out_shape=[
            jax.ShapeDtypeStruct((NP, D), jnp.float32),
            jax.ShapeDtypeStruct((NP, D), jnp.float32),
        ],
    )(x, W1, deg0, deg1)


def _tc_mid(z0, z1, y, dis, b, W):
    def body(z0_ref, z1_ref, y_ref, dis_ref, b_ref, w_ref, o_ref):
        i = pl.program_id(0)
        t = dis_ref[...] * (z0_ref[...] + z1_ref[...] + y_ref[...]) + b_ref[...]
        t = jnp.maximum(t, 0.0)
        rows = i * BR + lax.broadcasted_iota(jnp.int32, (BR, 1), 0)
        t = jnp.where(rows < N, t, 0.0)
        o_ref[...] = dis_ref[...] * jnp.dot(
            t, w_ref[...], preferred_element_type=jnp.float32)

    return pl.pallas_call(
        body,
        grid=(G,),
        in_specs=[
            pl.BlockSpec((BR, D), lambda i: (i, 0)),
            pl.BlockSpec((BR, D), lambda i: (i, 0)),
            pl.BlockSpec((BR, D), lambda i: (i, 0)),
            pl.BlockSpec((BR, D), lambda i: (i, 0)),
            pl.BlockSpec((1, D), lambda i: (0, 0)),
            pl.BlockSpec((D, D), lambda i: (0, 0)),
        ],
        out_specs=pl.BlockSpec((BR, D), lambda i: (i, 0)),
        out_shape=jax.ShapeDtypeStruct((NP, D), jnp.float32),
    )(z0, z1, y, dis, b, W)


def _tc_last(z0, z1, y, dis, b, Wp, bp):
    def body(z0_ref, z1_ref, y_ref, dis_ref, b_ref, wp_ref, bp_ref,
             o_ref, acc_ref):
        i = pl.program_id(0)

        @pl.when(i == 0)
        def _():
            acc_ref[...] = jnp.zeros_like(acc_ref)

        t = dis_ref[...] * (z0_ref[...] + z1_ref[...] + y_ref[...]) + b_ref[...]
        t = jnp.maximum(t, 0.0)
        rows = i * BR + lax.broadcasted_iota(jnp.int32, (BR, 1), 0)
        t = jnp.where(rows < N, t, 0.0)
        acc_ref[...] += jnp.sum(t, axis=0, keepdims=True)

        @pl.when(i == G - 1)
        def _():
            o_ref[...] = jnp.dot(acc_ref[...] * (1.0 / N), wp_ref[...],
                                 preferred_element_type=jnp.float32) + bp_ref[...]

    return pl.pallas_call(
        body,
        grid=(G,),
        in_specs=[
            pl.BlockSpec((BR, D), lambda i: (i, 0)),
            pl.BlockSpec((BR, D), lambda i: (i, 0)),
            pl.BlockSpec((BR, D), lambda i: (i, 0)),
            pl.BlockSpec((BR, D), lambda i: (i, 0)),
            pl.BlockSpec((1, D), lambda i: (0, 0)),
            pl.BlockSpec((D, D), lambda i: (0, 0)),
            pl.BlockSpec((1, D), lambda i: (0, 0)),
        ],
        out_specs=pl.BlockSpec((1, D), lambda i: (0, 0)),
        out_shape=jax.ShapeDtypeStruct((1, D), jnp.float32),
        scratch_shapes=[pltpu.VMEM((1, D), jnp.float32)],
    )(z0, z1, y, dis, b, Wp, bp)



def kernel(x, edge_index, W1, b1, W2, b2, Wp, bp):
    e = edge_index.shape[1]
    ec = -(-e // (NW * CB))
    ec = -(-ec // 2) * 2
    ep = NW * CB * ec
    pad_idx = N + (jnp.arange(ep - e, dtype=jnp.int32) % (NP - N))
    src_p = jnp.concatenate([edge_index[0], pad_idx]).reshape(NW, ec, CB)
    dst_p = jnp.concatenate([edge_index[1], pad_idx]).reshape(NW, ec, CB)
    x_p = jnp.concatenate([x, jnp.zeros((NP - N, D), x.dtype)], axis=0)

    oz = jnp.stack([jnp.zeros((CB, LANES), jnp.float32),
                    jnp.ones((CB, LANES), jnp.float32)])
    zrs = jnp.zeros((CB, D), jnp.float32)

    degp = _sc_deg(ec)(dst_p, oz)
    y1, dis = _tc_first(x_p, W1, degp[0], degp[1])
    z1 = _sc_layer(ec)(y1, src_p, dst_p, zrs)
    y2 = _tc_mid(z1[0], z1[1], y1, dis, b1.reshape(1, D), W2)
    z2 = _sc_layer(ec)(y2, src_p, dst_p, zrs)
    return _tc_last(z2[0], z2[1], y2, dis, b2.reshape(1, D), Wp,
                    bp.reshape(1, D))

# --- scband reference (transcript-rebuilt; emitter-appended) ---
"""Pipeline reference for scband-temporal-gcn-1288490189101 (READ-ONLY COPY).

The authoritative reference and input builder live on the scoring server;
editing this copy changes nothing except your own understanding.
"""

import jax, jax.numpy as jnp
import numpy as np

N, E, D, H, O = 10000, 320000, 128, 128, 128


def _gcn_conv(x, src, dst, W, b):
    n = x.shape[0]
    deg = jnp.zeros((n,), x.dtype).at[dst].add(1.0)
    dis = jnp.where(deg > 0, jax.lax.rsqrt(jnp.maximum(deg, 1e-12)), 0.0)
    norm = dis[src] * dis[dst]
    h = x @ W
    msg = h[src] * norm[:, None]
    out = jnp.zeros((n, W.shape[1]), x.dtype).at[dst].add(msg)
    return out + b


def setup_inputs(seed: int = 0) -> dict:
    key = jax.random.key(seed)
    ks = jax.random.split(key, 8)
    x = jax.random.normal(ks[0], (N, D), dtype=jnp.float32)
    edge_index = jax.random.randint(ks[1], (2, E), 0, N, dtype=jnp.int32)
    W1 = jax.random.normal(ks[2], (D, H), dtype=jnp.float32) * (1.0 / np.sqrt(D))
    b1 = jnp.zeros((H,), dtype=jnp.float32)
    W2 = jax.random.normal(ks[3], (H, H), dtype=jnp.float32) * (1.0 / np.sqrt(H))
    b2 = jnp.zeros((H,), dtype=jnp.float32)
    Wp = jax.random.normal(ks[4], (H, O), dtype=jnp.float32) * (1.0 / np.sqrt(H))
    bp = jnp.zeros((O,), dtype=jnp.float32)
    return {"x": x, "edge_index": edge_index, "W1": W1, "b1": b1, "W2": W2, "b2": b2, "Wp": Wp, "bp": bp}


def reference(x, edge_index, W1, b1, W2, b2, Wp, bp):
    # GCNConv default: add self-loops, symmetric normalization deg^-1/2 A deg^-1/2
    n = x.shape[0]
    loop = jnp.arange(n, dtype=edge_index.dtype)
    src = jnp.concatenate([edge_index[0], loop])
    dst = jnp.concatenate([edge_index[1], loop])
    h = jax.nn.relu(_gcn_conv(x, src, dst, W1, b1))
    h = jax.nn.relu(_gcn_conv(h, src, dst, W2, b2))
    # batch is all-zeros -> global_mean_pool is mean over all nodes -> [1, H]
    hg = jnp.mean(h, axis=0, keepdims=True)
    out = hg @ Wp + bp
    return out

if __name__ == "__main__":
    import jax
    _d = setup_inputs()
    print(jax.jit(kernel)(*tuple(_d.values())))

</pallas_src>

<mosaic_0001>
#map = affine_map<(d0, d1) -> (0, 0, 0)>
module attributes {stable_mosaic.version = 14 : i64} {
  func.func @deg_kernel(%arg0: i32, %arg1: i32, %arg2: memref<32x80x128xi32, #tpu.memory_space<hbm>>, %arg3: memref<2x128x16xf32, #tpu.memory_space<hbm>>, %arg4: memref<2x10112x16xf32, #tpu.memory_space<hbm>>, %arg5: memref<80x128xi32, #tpu.memory_space<vmem>>, %arg6: memref<128x16xf32, #tpu.memory_space<vmem>>, %arg7: memref<10112x16xf32, #tpu.memory_space<vmem_shared>>, %arg8: memref<!tpu.dma_semaphore, #tpu.memory_space<semaphore_mem>>) attributes {dimension_semantics = [#tpu.dimension_semantics<core_parallel>, #tpu.dimension_semantics<subcore_parallel>], iteration_bounds = array<i64: 2, 16>, scalar_prefetch = 0 : i64, scratch_operands = 4 : i64, tpu.core_type = #tpu.core_type<sc_vector_subcore>, window_params = [{transform_indices = #map}, {transform_indices = #map}, {transform_indices = #map}]} {
    %mul3A = arith.constant 16 : i32
    %mul3A_0 = arith.muli %arg0, %mul3A : i32
    %add3A = arith.addi %mul3A_0, %arg1 : i32
    %mul3A_1 = arith.constant 632 : i32
    %mul3A_2 = arith.muli %arg1, %mul3A_1 : i32
    %run_scoped3A = arith.constant 0 : i32
    "tpu.region"() ({
      %run_scoped3A_26 = tpu.sem_alloc : memref<!tpu.dma_semaphore, #tpu.memory_space<semaphore_mem>>
      %dma_start3A = arith.constant 0 : i32
      %dma_start3A_27 = arith.constant 0 : i32
      %dma_start3A_28 = tpu.memref_slice %arg3[%run_scoped3A, %dma_start3A, %dma_start3A_27] : memref<2x128x16xf32, #tpu.memory_space<hbm>> -> memref<1x128x16xf32, #tpu.memory_space<hbm>>
      %dma_start3A_29 = tpu.memref_squeeze %dma_start3A_28 : memref<1x128x16xf32, #tpu.memory_space<hbm>> -> memref<128x16xf32, #tpu.memory_space<hbm>>
      %dma_start3A_30 = arith.constant 0 : i32
      %dma_start3A_31 = arith.constant 0 : i32
      %dma_start3A_32 = tpu.memref_slice %arg3[%run_scoped3A, %dma_start3A_30, %dma_start3A_31] : memref<2x128x16xf32, #tpu.memory_space<hbm>> -> memref<1x128x16xf32, #tpu.memory_space<hbm>>
      %dma_start3A_33 = tpu.memref_squeeze %dma_start3A_32 : memref<1x128x16xf32, #tpu.memory_space<hbm>> -> memref<128x16xf32, #tpu.memory_space<hbm>>
      tpu.enqueue_dma source(%dma_start3A_33 : memref<128x16xf32, #tpu.memory_space<hbm>>) target(%arg6 : memref<128x16xf32, #tpu.memory_space<vmem>>) target_semaphore(%run_scoped3A_26 : memref<!tpu.dma_semaphore, #tpu.memory_space<semaphore_mem>>)
      %dma_wait3A = arith.constant 0 : i32
      %dma_wait3A_34 = arith.constant 0 : i32
      %dma_wait3A_35 = tpu.memref_slice %arg3[%run_scoped3A, %dma_wait3A, %dma_wait3A_34] : memref<2x128x16xf32, #tpu.memory_space<hbm>> -> memref<1x128x16xf32, #tpu.memory_space<hbm>>
      %dma_wait3A_36 = tpu.memref_squeeze %dma_wait3A_35 : memref<1x128x16xf32, #tpu.memory_space<hbm>> -> memref<128x16xf32, #tpu.memory_space<hbm>>
      %dma_wait3A_37 = arith.constant 0 : i32
      %dma_wait3A_38 = arith.constant 0 : i32
      %dma_wait3A_39 = tpu.memref_slice %arg3[%run_scoped3A, %dma_wait3A_37, %dma_wait3A_38] : memref<2x128x16xf32, #tpu.memory_space<hbm>> -> memref<1x128x16xf32, #tpu.memory_space<hbm>>
      %dma_wait3A_40 = tpu.memref_squeeze %dma_wait3A_39 : memref<1x128x16xf32, #tpu.memory_space<hbm>> -> memref<128x16xf32, #tpu.memory_space<hbm>>
      tpu.wait_dma2 semaphore(%run_scoped3A_26 : memref<!tpu.dma_semaphore, #tpu.memory_space<semaphore_mem>>) src(%dma_wait3A_40 : memref<128x16xf32, #tpu.memory_space<hbm>>) dst(%arg6 : memref<128x16xf32, #tpu.memory_space<vmem>>)
      tpu.yield
    }) : () -> ()
    %add3A_3 = arith.constant 0 : i32
    %add3A_4 = arith.addi %mul3A_2, %add3A_3 : i32
    "tpu.region"() ({
      %run_scoped3A_26 = tpu.sem_alloc : memref<!tpu.dma_semaphore, #tpu.memory_space<semaphore_mem>>
      %dma_start3A = arith.constant 0 : i32
      %dma_start3A_27 = tpu.memref_slice %arg7[%add3A_4, %dma_start3A] : memref<10112x16xf32, #tpu.memory_space<vmem_shared>> -> memref<128x16xf32, #tpu.memory_space<vmem_shared>>
      %dma_start3A_28 = arith.constant 0 : i32
      %dma_start3A_29 = tpu.memref_slice %arg7[%add3A_4, %dma_start3A_28] : memref<10112x16xf32, #tpu.memory_space<vmem_shared>> -> memref<128x16xf32, #tpu.memory_space<vmem_shared>>
      tpu.enqueue_dma source(%arg6 : memref<128x16xf32, #tpu.memory_space<vmem>>) target(%dma_start3A_29 : memref<128x16xf32, #tpu.memory_space<vmem_shared>>) target_semaphore(%run_scoped3A_26 : memref<!tpu.dma_semaphore, #tpu.memory_space<semaphore_mem>>)
      %dma_wait3A = arith.constant 0 : i32
      %dma_wait3A_30 = tpu.memref_slice %arg7[%add3A_4, %dma_wait3A] : memref<10112x16xf32, #tpu.memory_space<vmem_shared>> -> memref<128x16xf32, #tpu.memory_space<vmem_shared>>
      %dma_wait3A_31 = arith.constant 0 : i32
      %dma_wait3A_32 = tpu.memref_slice %arg7[%add3A_4, %dma_wait3A_31] : memref<10112x16xf32, #tpu.memory_space<vmem_shared>> -> memref<128x16xf32, #tpu.memory_space<vmem_shared>>
      tpu.wait_dma2 semaphore(%run_scoped3A_26 : memref<!tpu.dma_semaphore, #tpu.memory_space<semaphore_mem>>) src(%arg6 : memref<128x16xf32, #tpu.memory_space<vmem>>) dst(%dma_wait3A_32 : memref<128x16xf32, #tpu.memory_space<vmem_shared>>)
      tpu.yield
    }) : () -> ()
    %add3A_5 = arith.constant 128 : i32
    %add3A_6 = arith.addi %mul3A_2, %add3A_5 : i32
    "tpu.region"() ({
      %run_scoped3A_26 = tpu.sem_alloc : memref<!tpu.dma_semaphore, #tpu.memory_space<semaphore_mem>>
      %dma_start3A = arith.constant 0 : i32
      %dma_start3A_27 = tpu.memref_slice %arg7[%add3A_6, %dma_start3A] : memref<10112x16xf32, #tpu.memory_space<vmem_shared>> -> memref<128x16xf32, #tpu.memory_space<vmem_shared>>
      %dma_start3A_28 = arith.constant 0 : i32
      %dma_start3A_29 = tpu.memref_slice %arg7[%add3A_6, %dma_start3A_28] : memref<10112x16xf32, #tpu.memory_space<vmem_shared>> -> memref<128x16xf32, #tpu.memory_space<vmem_shared>>
      tpu.enqueue_dma source(%arg6 : memref<128x16xf32, #tpu.memory_space<vmem>>) target(%dma_start3A_29 : memref<128x16xf32, #tpu.memory_space<vmem_shared>>) target_semaphore(%run_scoped3A_26 : memref<!tpu.dma_semaphore, #tpu.memory_space<semaphore_mem>>)
      %dma_wait3A = arith.constant 0 : i32
      %dma_wait3A_30 = tpu.memref_slice %arg7[%add3A_6, %dma_wait3A] : memref<10112x16xf32, #tpu.memory_space<vmem_shared>> -> memref<128x16xf32, #tpu.memory_space<vmem_shared>>
      %dma_wait3A_31 = arith.constant 0 : i32
      %dma_wait3A_32 = tpu.memref_slice %arg7[%add3A_6, %dma_wait3A_31] : memref<10112x16xf32, #tpu.memory_space<vmem_shared>> -> memref<128x16xf32, #tpu.memory_space<vmem_shared>>
      tpu.wait_dma2 semaphore(%run_scoped3A_26 : memref<!tpu.dma_semaphore, #tpu.memory_space<semaphore_mem>>) src(%arg6 : memref<128x16xf32, #tpu.memory_space<vmem>>) dst(%dma_wait3A_32 : memref<128x16xf32, #tpu.memory_space<vmem_shared>>)
      tpu.yield
    }) : () -> ()
    %add3A_7 = arith.constant 256 : i32
    %add3A_8 = arith.addi %mul3A_2, %add3A_7 : i32
    "tpu.region"() ({
      %run_scoped3A_26 = tpu.sem_alloc : memref<!tpu.dma_semaphore, #tpu.memory_space<semaphore_mem>>
      %dma_start3A = arith.constant 0 : i32
      %dma_start3A_27 = tpu.memref_slice %arg7[%add3A_8, %dma_start3A] : memref<10112x16xf32, #tpu.memory_space<vmem_shared>> -> memref<128x16xf32, #tpu.memory_space<vmem_shared>>
      %dma_start3A_28 = arith.constant 0 : i32
      %dma_start3A_29 = tpu.memref_slice %arg7[%add3A_8, %dma_start3A_28] : memref<10112x16xf32, #tpu.memory_space<vmem_shared>> -> memref<128x16xf32, #tpu.memory_space<vmem_shared>>
      tpu.enqueue_dma source(%arg6 : memref<128x16xf32, #tpu.memory_space<vmem>>) target(%dma_start3A_29 : memref<128x16xf32, #tpu.memory_space<vmem_shared>>) target_semaphore(%run_scoped3A_26 : memref<!tpu.dma_semaphore, #tpu.memory_space<semaphore_mem>>)
      %dma_wait3A = arith.constant 0 : i32
      %dma_wait3A_30 = tpu.memref_slice %arg7[%add3A_8, %dma_wait3A] : memref<10112x16xf32, #tpu.memory_space<vmem_shared>> -> memref<128x16xf32, #tpu.memory_space<vmem_shared>>
      %dma_wait3A_31 = arith.constant 0 : i32
      %dma_wait3A_32 = tpu.memref_slice %arg7[%add3A_8, %dma_wait3A_31] : memref<10112x16xf32, #tpu.memory_space<vmem_shared>> -> memref<128x16xf32, #tpu.memory_space<vmem_shared>>
      tpu.wait_dma2 semaphore(%run_scoped3A_26 : memref<!tpu.dma_semaphore, #tpu.memory_space<semaphore_mem>>) src(%arg6 : memref<128x16xf32, #tpu.memory_space<vmem>>) dst(%dma_wait3A_32 : memref<128x16xf32, #tpu.memory_space<vmem_shared>>)
      tpu.yield
    }) : () -> ()
    %add3A_9 = arith.constant 384 : i32
    %add3A_10 = arith.addi %mul3A_2, %add3A_9 : i32
    "tpu.region"() ({
      %run_scoped3A_26 = tpu.sem_alloc : memref<!tpu.dma_semaphore, #tpu.memory_space<semaphore_mem>>
      %dma_start3A = arith.constant 0 : i32
      %dma_start3A_27 = tpu.memref_slice %arg7[%add3A_10, %dma_start3A] : memref<10112x16xf32, #tpu.memory_space<vmem_shared>> -> memref<128x16xf32, #tpu.memory_space<vmem_shared>>
      %dma_start3A_28 = arith.constant 0 : i32
      %dma_start3A_29 = tpu.memref_slice %arg7[%add3A_10, %dma_start3A_28] : memref<10112x16xf32, #tpu.memory_space<vmem_shared>> -> memref<128x16xf32, #tpu.memory_space<vmem_shared>>
      tpu.enqueue_dma source(%arg6 : memref<128x16xf32, #tpu.memory_space<vmem>>) target(%dma_start3A_29 : memref<128x16xf32, #tpu.memory_space<vmem_shared>>) target_semaphore(%run_scoped3A_26 : memref<!tpu.dma_semaphore, #tpu.memory_space<semaphore_mem>>)
      %dma_wait3A = arith.constant 0 : i32
      %dma_wait3A_30 = tpu.memref_slice %arg7[%add3A_10, %dma_wait3A] : memref<10112x16xf32, #tpu.memory_space<vmem_shared>> -> memref<128x16xf32, #tpu.memory_space<vmem_shared>>
      %dma_wait3A_31 = arith.constant 0 : i32
      %dma_wait3A_32 = tpu.memref_slice %arg7[%add3A_10, %dma_wait3A_31] : memref<10112x16xf32, #tpu.memory_space<vmem_shared>> -> memref<128x16xf32, #tpu.memory_space<vmem_shared>>
      tpu.wait_dma2 semaphore(%run_scoped3A_26 : memref<!tpu.dma_semaphore, #tpu.memory_space<semaphore_mem>>) src(%arg6 : memref<128x16xf32, #tpu.memory_space<vmem>>) dst(%dma_wait3A_32 : memref<128x16xf32, #tpu.memory_space<vmem_shared>>)
      tpu.yield
    }) : () -> ()
    %add3A_11 = arith.constant 512 : i32
    %add3A_12 = arith.addi %mul3A_2, %add3A_11 : i32
    "tpu.region"() ({
      %run_scoped3A_26 = tpu.sem_alloc : memref<!tpu.dma_semaphore, #tpu.memory_space<semaphore_mem>>
      %dma_start3A = arith.constant 0 : i32
      %dma_start3A_27 = arith.constant 0 : i32
      %dma_start3A_28 = tpu.memref_slice %arg6[%dma_start3A, %dma_start3A_27] : memref<128x16xf32, #tpu.memory_space<vmem>> -> memref<120x16xf32, #tpu.memory_space<vmem>>
      %dma_start3A_29 = arith.constant 0 : i32
      %dma_start3A_30 = tpu.memref_slice %arg7[%add3A_12, %dma_start3A_29] : memref<10112x16xf32, #tpu.memory_space<vmem_shared>> -> memref<120x16xf32, #tpu.memory_space<vmem_shared>>
      %dma_start3A_31 = arith.constant 0 : i32
      %dma_start3A_32 = tpu.memref_slice %arg7[%add3A_12, %dma_start3A_31] : memref<10112x16xf32, #tpu.memory_space<vmem_shared>> -> memref<120x16xf32, #tpu.memory_space<vmem_shared>>
      %dma_start3A_33 = arith.constant 0 : i32
      %dma_start3A_34 = arith.constant 0 : i32
      %dma_start3A_35 = tpu.memref_slice %arg6[%dma_start3A_33, %dma_start3A_34] : memref<128x16xf32, #tpu.memory_space<vmem>> -> memref<120x16xf32, #tpu.memory_space<vmem>>
      tpu.enqueue_dma source(%dma_start3A_35 : memref<120x16xf32, #tpu.memory_space<vmem>>) target(%dma_start3A_32 : memref<120x16xf32, #tpu.memory_space<vmem_shared>>) target_semaphore(%run_scoped3A_26 : memref<!tpu.dma_semaphore, #tpu.memory_space<semaphore_mem>>)
      %dma_wait3A = arith.constant 0 : i32
      %dma_wait3A_36 = arith.constant 0 : i32
      %dma_wait3A_37 = tpu.memref_slice %arg6[%dma_wait3A, %dma_wait3A_36] : memref<128x16xf32, #tpu.memory_space<vmem>> -> memref<120x16xf32, #tpu.memory_space<vmem>>
      %dma_wait3A_38 = arith.constant 0 : i32
      %dma_wait3A_39 = tpu.memref_slice %arg7[%add3A_12, %dma_wait3A_38] : memref<10112x16xf32, #tpu.memory_space<vmem_shared>> -> memref<120x16xf32, #tpu.memory_space<vmem_shared>>
      %dma_wait3A_40 = arith.constant 0 : i32
      %dma_wait3A_41 = tpu.memref_slice %arg7[%add3A_12, %dma_wait3A_40] : memref<10112x16xf32, #tpu.memory_space<vmem_shared>> -> memref<120x16xf32, #tpu.memory_space<vmem_shared>>
      %dma_wait3A_42 = arith.constant 0 : i32
      %dma_wait3A_43 = arith.constant 0 : i32
      %dma_wait3A_44 = tpu.memref_slice %arg6[%dma_wait3A_42, %dma_wait3A_43] : memref<128x16xf32, #tpu.memory_space<vmem>> -> memref<120x16xf32, #tpu.memory_space<vmem>>
      tpu.wait_dma2 semaphore(%run_scoped3A_26 : memref<!tpu.dma_semaphore, #tpu.memory_space<semaphore_mem>>) src(%dma_wait3A_44 : memref<120x16xf32, #tpu.memory_space<vmem>>) dst(%dma_wait3A_41 : memref<120x16xf32, #tpu.memory_space<vmem_shared>>)
      tpu.yield
    }) : () -> ()
    %run_scoped3A_13 = arith.constant 1 : i32
    "tpu.region"() ({
      %run_scoped3A_26 = tpu.sem_alloc : memref<!tpu.dma_semaphore, #tpu.memory_space<semaphore_mem>>
      %dma_start3A = arith.constant 0 : i32
      %dma_start3A_27 = arith.constant 0 : i32
      %dma_start3A_28 = tpu.memref_slice %arg3[%run_scoped3A_13, %dma_start3A, %dma_start3A_27] : memref<2x128x16xf32, #tpu.memory_space<hbm>> -> memref<1x128x16xf32, #tpu.memory_space<hbm>>
      %dma_start3A_29 = tpu.memref_squeeze %dma_start3A_28 : memref<1x128x16xf32, #tpu.memory_space<hbm>> -> memref<128x16xf32, #tpu.memory_space<hbm>>
      %dma_start3A_30 = arith.constant 0 : i32
      %dma_start3A_31 = arith.constant 0 : i32
      %dma_start3A_32 = tpu.memref_slice %arg3[%run_scoped3A_13, %dma_start3A_30, %dma_start3A_31] : memref<2x128x16xf32, #tpu.memory_space<hbm>> -> memref<1x128x16xf32, #tpu.memory_space<hbm>>
      %dma_start3A_33 = tpu.memref_squeeze %dma_start3A_32 : memref<1x128x16xf32, #tpu.memory_space<hbm>> -> memref<128x16xf32, #tpu.memory_space<hbm>>
      tpu.enqueue_dma source(%dma_start3A_33 : memref<128x16xf32, #tpu.memory_space<hbm>>) target(%arg6 : memref<128x16xf32, #tpu.memory_space<vmem>>) target_semaphore(%run_scoped3A_26 : memref<!tpu.dma_semaphore, #tpu.memory_space<semaphore_mem>>)
      %dma_wait3A = arith.constant 0 : i32
      %dma_wait3A_34 = arith.constant 0 : i32
      %dma_wait3A_35 = tpu.memref_slice %arg3[%run_scoped3A_13, %dma_wait3A, %dma_wait3A_34] : memref<2x128x16xf32, #tpu.memory_space<hbm>> -> memref<1x128x16xf32, #tpu.memory_space<hbm>>
      %dma_wait3A_36 = tpu.memref_squeeze %dma_wait3A_35 : memref<1x128x16xf32, #tpu.memory_space<hbm>> -> memref<128x16xf32, #tpu.memory_space<hbm>>
      %dma_wait3A_37 = arith.constant 0 : i32
      %dma_wait3A_38 = arith.constant 0 : i32
      %dma_wait3A_39 = tpu.memref_slice %arg3[%run_scoped3A_13, %dma_wait3A_37, %dma_wait3A_38] : memref<2x128x16xf32, #tpu.memory_space<hbm>> -> memref<1x128x16xf32, #tpu.memory_space<hbm>>
      %dma_wait3A_40 = tpu.memref_squeeze %dma_wait3A_39 : memref<1x128x16xf32, #tpu.memory_space<hbm>> -> memref<128x16xf32, #tpu.memory_space<hbm>>
      tpu.wait_dma2 semaphore(%run_scoped3A_26 : memref<!tpu.dma_semaphore, #tpu.memory_space<semaphore_mem>>) src(%dma_wait3A_40 : memref<128x16xf32, #tpu.memory_space<hbm>>) dst(%arg6 : memref<128x16xf32, #tpu.memory_space<vmem>>)
      tpu.yield
    }) : () -> ()
    %barrier3A = arith.constant 0 : index
    tpu.barrier barrier_id(%barrier3A)
    "tpu.region"() ({
      %run_scoped3A_26 = tpu.sem_alloc : memref<!tpu.dma_semaphore, #tpu.memory_space<semaphore_mem>>
      %dma_start3A = arith.constant 0 : i32
      %dma_start3A_27 = arith.constant 0 : i32
      %dma_start3A_28 = tpu.memref_slice %arg2[%add3A, %dma_start3A, %dma_start3A_27] : memref<32x80x128xi32, #tpu.memory_space<hbm>> -> memref<1x80x128xi32, #tpu.memory_space<hbm>>
      %dma_start3A_29 = tpu.memref_squeeze %dma_start3A_28 : memref<1x80x128xi32, #tpu.memory_space<hbm>> -> memref<80x128xi32, #tpu.memory_space<hbm>>
      %dma_start3A_30 = arith.constant 0 : i32
      %dma_start3A_31 = arith.constant 0 : i32
      %dma_start3A_32 = tpu.memref_slice %arg2[%add3A, %dma_start3A_30, %dma_start3A_31] : memref<32x80x128xi32, #tpu.memory_space<hbm>> -> memref<1x80x128xi32, #tpu.memory_space<hbm>>
      %dma_start3A_33 = tpu.memref_squeeze %dma_start3A_32 : memref<1x80x128xi32, #tpu.memory_space<hbm>> -> memref<80x128xi32, #tpu.memory_space<hbm>>
      tpu.enqueue_dma source(%dma_start3A_33 : memref<80x128xi32, #tpu.memory_space<hbm>>) target(%arg5 : memref<80x128xi32, #tpu.memory_space<vmem>>) target_semaphore(%run_scoped3A_26 : memref<!tpu.dma_semaphore, #tpu.memory_space<semaphore_mem>>)
      %dma_wait3A = arith.constant 0 : i32
      %dma_wait3A_34 = arith.constant 0 : i32
      %dma_wait3A_35 = tpu.memref_slice %arg2[%add3A, %dma_wait3A, %dma_wait3A_34] : memref<32x80x128xi32, #tpu.memory_space<hbm>> -> memref<1x80x128xi32, #tpu.memory_space<hbm>>
      %dma_wait3A_36 = tpu.memref_squeeze %dma_wait3A_35 : memref<1x80x128xi32, #tpu.memory_space<hbm>> -> memref<80x128xi32, #tpu.memory_space<hbm>>
      %dma_wait3A_37 = arith.constant 0 : i32
      %dma_wait3A_38 = arith.constant 0 : i32
      %dma_wait3A_39 = tpu.memref_slice %arg2[%add3A, %dma_wait3A_37, %dma_wait3A_38] : memref<32x80x128xi32, #tpu.memory_space<hbm>> -> memref<1x80x128xi32, #tpu.memory_space<hbm>>
      %dma_wait3A_40 = tpu.memref_squeeze %dma_wait3A_39 : memref<1x80x128xi32, #tpu.memory_space<hbm>> -> memref<80x128xi32, #tpu.memory_space<hbm>>
      tpu.wait_dma2 semaphore(%run_scoped3A_26 : memref<!tpu.dma_semaphore, #tpu.memory_space<semaphore_mem>>) src(%dma_wait3A_40 : memref<80x128xi32, #tpu.memory_space<hbm>>) dst(%arg5 : memref<80x128xi32, #tpu.memory_space<vmem>>)
      tpu.yield
    }) : () -> ()
    %scan3A = arith.constant 0 : i32
    %scan3A_14 = arith.constant 0 : i32
    %scan3A_15 = arith.constant 5 : i32
    %scan3A_16 = arith.addi %scan3A_14, %scan3A_15 : i32
    %scan3A_17 = arith.constant 1 : i32
    %scan3A_18 = scf.for %scan3A_26 = %scan3A_14 to %scan3A_16 step %scan3A_17 iter_args(%scan3A_27 = %scan3A) -> (i32)  : i32 {
      %mul3A_28 = arith.constant 16 : i32
      %mul3A_29 = arith.muli %scan3A_26, %mul3A_28 : i32
      %add3A_30 = arith.constant 16 : i32
      %add3A_31 = arith.addi %mul3A_29, %add3A_30 : i32
      %while3A = arith.constant 0 : i32
      %while3A_32 = arith.subi %add3A_31, %mul3A_29 : i32
      %while3A_33 = arith.addi %mul3A_29, %while3A_32 : i32
      %while3A_34 = arith.constant 1 : i32
      %while3A_35 = arith.divsi %while3A_32, %while3A_34 : i32
      %while3A_36 = arith.muli %while3A_35, %while3A_34 : i32
      %while3A_37 = arith.addi %mul3A_29, %while3A_36 : i32
      %while3A_38 = arith.constant 1 : i32
      %while3A_39 = scf.for %while3A_56 = %mul3A_29 to %while3A_37 step %while3A_38 iter_args(%while3A_57 = %while3A) -> (i32)  : i32 {
        %dma_start3A = arith.constant 0 : i32
        %dma_start3A_58 = tpu.memref_slice %arg5[%while3A_56, %dma_start3A] : memref<80x128xi32, #tpu.memory_space<vmem>> -> memref<1x128xi32, #tpu.memory_space<vmem>>
        %dma_start3A_59 = tpu.memref_squeeze %dma_start3A_58 : memref<1x128xi32, #tpu.memory_space<vmem>> -> memref<128xi32, #tpu.memory_space<vmem>>
        %dma_start3A_60 = arith.constant 0 : i32
        %dma_start3A_61 = arith.constant 0 : i32
        %dma_start3A_62 = tpu.memref_slice %arg7[%dma_start3A_60, %dma_start3A_61] : memref<10112x16xf32, #tpu.memory_space<vmem_shared>> -> memref<10112x16xf32, #tpu.memory_space<vmem_shared>>
        tpu.enqueue_indirect_dma source(%arg6 : memref<128x16xf32, #tpu.memory_space<vmem>>) target(%dma_start3A_62 : memref<10112x16xf32, #tpu.memory_space<vmem_shared>>) offsets(%dma_start3A_59 : memref<128xi32, #tpu.memory_space<vmem>>) semaphore(%arg8 : memref<!tpu.dma_semaphore, #tpu.memory_space<semaphore_mem>>) {add = true}
        %while3A_63 = arith.constant 0 : i32
        scf.yield %while3A_63 : i32
      }
      %while3A_40 = arith.constant 1 : i32
      %while3A_41 = scf.for %while3A_56 = %while3A_37 to %while3A_33 step %while3A_40 iter_args(%while3A_57 = %while3A_39) -> (i32)  : i32 {
        %dma_start3A = arith.constant 0 : i32
        %dma_start3A_58 = tpu.memref_slice %arg5[%while3A_56, %dma_start3A] : memref<80x128xi32, #tpu.memory_space<vmem>> -> memref<1x128xi32, #tpu.memory_space<vmem>>
        %dma_start3A_59 = tpu.memref_squeeze %dma_start3A_58 : memref<1x128xi32, #tpu.memory_space<vmem>> -> memref<128xi32, #tpu.memory_space<vmem>>
        %dma_start3A_60 = arith.constant 0 : i32
        %dma_start3A_61 = arith.constant 0 : i32
        %dma_start3A_62 = tpu.memref_slice %arg7[%dma_start3A_60, %dma_start3A_61] : memref<10112x16xf32, #tpu.memory_space<vmem_shared>> -> memref<10112x16xf32, #tpu.memory_space<vmem_shared>>
        tpu.enqueue_indirect_dma source(%arg6 : memref<128x16xf32, #tpu.memory_space<vmem>>) target(%dma_start3A_62 : memref<10112x16xf32, #tpu.memory_space<vmem_shared>>) offsets(%dma_start3A_59 : memref<128xi32, #tpu.memory_space<vmem>>) semaphore(%arg8 : memref<!tpu.dma_semaphore, #tpu.memory_space<semaphore_mem>>) {add = true}
        %while3A_63 = arith.constant 0 : i32
        scf.yield %while3A_63 : i32
      }
      %add3A_42 = arith.constant 16 : i32
      %add3A_43 = arith.addi %mul3A_29, %add3A_42 : i32
      %while3A_44 = arith.constant 0 : i32
      %while3A_45 = arith.subi %add3A_43, %mul3A_29 : i32
      %while3A_46 = arith.addi %mul3A_29, %while3A_45 : i32
      %while3A_47 = arith.constant 1 : i32
      %while3A_48 = arith.divsi %while3A_45, %while3A_47 : i32
      %while3A_49 = arith.muli %while3A_48, %while3A_47 : i32
      %while3A_50 = arith.addi %mul3A_29, %while3A_49 : i32
      %while3A_51 = arith.constant 1 : i32
      %while3A_52 = scf.for %while3A_56 = %mul3A_29 to %while3A_50 step %while3A_51 iter_args(%while3A_57 = %while3A_44) -> (i32)  : i32 {
        %dma_wait3A = arith.constant 0 : i32
        %dma_wait3A_58 = tpu.memref_slice %arg5[%while3A_56, %dma_wait3A] : memref<80x128xi32, #tpu.memory_space<vmem>> -> memref<1x128xi32, #tpu.memory_space<vmem>>
        %dma_wait3A_59 = tpu.memref_squeeze %dma_wait3A_58 : memref<1x128xi32, #tpu.memory_space<vmem>> -> memref<128xi32, #tpu.memory_space<vmem>>
        %dma_wait3A_60 = arith.constant 0 : i32
        %dma_wait3A_61 = arith.constant 0 : i32
        %dma_wait3A_62 = tpu.memref_slice %arg7[%dma_wait3A_60, %dma_wait3A_61] : memref<10112x16xf32, #tpu.memory_space<vmem_shared>> -> memref<10112x16xf32, #tpu.memory_space<vmem_shared>>
        tpu.wait_indirect_dma semaphore(%arg8 : memref<!tpu.dma_semaphore, #tpu.memory_space<semaphore_mem>>) src(%arg6 : memref<128x16xf32, #tpu.memory_space<vmem>>) dst(%dma_wait3A_62 : memref<10112x16xf32, #tpu.memory_space<vmem_shared>>)
        %while3A_63 = arith.constant 0 : i32
        scf.yield %while3A_63 : i32
      }
      %while3A_53 = arith.constant 1 : i32
      %while3A_54 = scf.for %while3A_56 = %while3A_50 to %while3A_46 step %while3A_53 iter_args(%while3A_57 = %while3A_52) -> (i32)  : i32 {
        %dma_wait3A = arith.constant 0 : i32
        %dma_wait3A_58 = tpu.memref_slice %arg5[%while3A_56, %dma_wait3A] : memref<80x128xi32, #tpu.memory_space<vmem>> -> memref<1x128xi32, #tpu.memory_space<vmem>>
        %dma_wait3A_59 = tpu.memref_squeeze %dma_wait3A_58 : memref<1x128xi32, #tpu.memory_space<vmem>> -> memref<128xi32, #tpu.memory_space<vmem>>
        %dma_wait3A_60 = arith.constant 0 : i32
        %dma_wait3A_61 = arith.constant 0 : i32
        %dma_wait3A_62 = tpu.memref_slice %arg7[%dma_wait3A_60, %dma_wait3A_61] : memref<10112x16xf32, #tpu.memory_space<vmem_shared>> -> memref<10112x16xf32, #tpu.memory_space<vmem_shared>>
        tpu.wait_indirect_dma semaphore(%arg8 : memref<!tpu.dma_semaphore, #tpu.memory_space<semaphore_mem>>) src(%arg6 : memref<128x16xf32, #tpu.memory_space<vmem>>) dst(%dma_wait3A_62 : memref<10112x16xf32, #tpu.memory_space<vmem_shared>>)
        %while3A_63 = arith.constant 0 : i32
        scf.yield %while3A_63 : i32
      }
      %scan3A_55 = arith.constant 0 : i32
      scf.yield %scan3A_55 : i32
    }
    %scan3A_19 = arith.constant 5 : i32
    %scan3A_20 = arith.constant 0 : i32
    %scan3A_21 = arith.constant 80 : i32
    %scan3A_22 = arith.constant 0 : i32
    %scan3A_23 = arith.addi %scan3A_21, %scan3A_22 : i32
    %scan3A_24 = arith.constant 0 : i32
    %barrier3A_25 = arith.constant 0 : index
    tpu.barrier barrier_id(%barrier3A_25)
    "tpu.region"() ({
      %run_scoped3A_26 = tpu.sem_alloc : memref<!tpu.dma_semaphore, #tpu.memory_space<semaphore_mem>>
      %dma_start3A = arith.constant 0 : i32
      %dma_start3A_27 = tpu.memref_slice %arg4[%arg0, %mul3A_2, %dma_start3A] : memref<2x10112x16xf32, #tpu.memory_space<hbm>> -> memref<1x632x16xf32, #tpu.memory_space<hbm>>
      %dma_start3A_28 = tpu.memref_squeeze %dma_start3A_27 : memref<1x632x16xf32, #tpu.memory_space<hbm>> -> memref<632x16xf32, #tpu.memory_space<hbm>>
      %dma_start3A_29 = arith.constant 0 : i32
      %dma_start3A_30 = tpu.memref_slice %arg7[%mul3A_2, %dma_start3A_29] : memref<10112x16xf32, #tpu.memory_space<vmem_shared>> -> memref<632x16xf32, #tpu.memory_space<vmem_shared>>
      tpu.enqueue_dma source(%dma_start3A_30 : memref<632x16xf32, #tpu.memory_space<vmem_shared>>) target(%dma_start3A_28 : memref<632x16xf32, #tpu.memory_space<hbm>>) target_semaphore(%run_scoped3A_26 : memref<!tpu.dma_semaphore, #tpu.memory_space<semaphore_mem>>)
      %dma_wait3A = arith.constant 0 : i32
      %dma_wait3A_31 = tpu.memref_slice %arg4[%arg0, %mul3A_2, %dma_wait3A] : memref<2x10112x16xf32, #tpu.memory_space<hbm>> -> memref<1x632x16xf32, #tpu.memory_space<hbm>>
      %dma_wait3A_32 = tpu.memref_squeeze %dma_wait3A_31 : memref<1x632x16xf32, #tpu.memory_space<hbm>> -> memref<632x16xf32, #tpu.memory_space<hbm>>
      %dma_wait3A_33 = arith.constant 0 : i32
      %dma_wait3A_34 = tpu.memref_slice %arg7[%mul3A_2, %dma_wait3A_33] : memref<10112x16xf32, #tpu.memory_space<vmem_shared>> -> memref<632x16xf32, #tpu.memory_space<vmem_shared>>
      tpu.wait_dma2 semaphore(%run_scoped3A_26 : memref<!tpu.dma_semaphore, #tpu.memory_space<semaphore_mem>>) src(%dma_wait3A_34 : memref<632x16xf32, #tpu.memory_space<vmem_shared>>) dst(%dma_wait3A_32 : memref<632x16xf32, #tpu.memory_space<hbm>>)
      tpu.yield
    }) : () -> ()
    return
  }
}

#map = affine_map<(d0, d1) -> (0, 0)>
#map1 = affine_map<(d0, d1) -> (0, 0, 0)>
module attributes {stable_mosaic.version = 14 : i64} {
  func.func @layer_kernel(%arg0: i32, %arg1: i32, %arg2: memref<10112x128xf32, #tpu.memory_space<hbm>>, %arg3: memref<32x80x128xi32, #tpu.memory_space<hbm>>, %arg4: memref<32x80x128xi32, #tpu.memory_space<hbm>>, %arg5: memref<128x128xf32, #tpu.memory_space<hbm>>, %arg6: memref<2x10112x128xf32, #tpu.memory_space<hbm>>, %arg7: memref<2x128xi32, #tpu.memory_space<vmem>>, %arg8: memref<2x128xi32, #tpu.memory_space<vmem>>, %arg9: memref<2x128x128xf32, #tpu.memory_space<vmem>>, %arg10: memref<10112x128xf32, #tpu.memory_space<vmem_shared>>, %arg11: memref<!tpu.dma_semaphore, #tpu.memory_space<semaphore_mem>>, %arg12: memref<!tpu.dma_semaphore, #tpu.memory_space<semaphore_mem>>, %arg13: memref<!tpu.dma_semaphore, #tpu.memory_space<semaphore_mem>>, %arg14: memref<!tpu.dma_semaphore, #tpu.memory_space<semaphore_mem>>, %arg15: memref<!tpu.dma_semaphore, #tpu.memory_space<semaphore_mem>>, %arg16: memref<!tpu.dma_semaphore, #tpu.memory_space<semaphore_mem>>) attributes {dimension_semantics = [#tpu.dimension_semantics<core_parallel>, #tpu.dimension_semantics<subcore_parallel>], iteration_bounds = array<i64: 2, 16>, scalar_prefetch = 0 : i64, scratch_operands = 10 : i64, tpu.core_type = #tpu.core_type<sc_vector_subcore>, window_params = [{transform_indices = #map}, {transform_indices = #map1}, {transform_indices = #map1}, {transform_indices = #map}, {transform_indices = #map1}]} {
    %mul3A = arith.constant 16 : i32
    %mul3A_0 = arith.muli %arg0, %mul3A : i32
    %add3A = arith.addi %mul3A_0, %arg1 : i32
    %mul3A_1 = arith.constant 632 : i32
    %mul3A_2 = arith.muli %arg1, %mul3A_1 : i32
    %run_scoped3A = arith.constant 0 : i32
    "tpu.region"() ({
      %run_scoped3A_187 = tpu.sem_alloc : memref<!tpu.dma_semaphore, #tpu.memory_space<semaphore_mem>>
      %dma_start3A_188 = arith.constant 0 : i32
      %dma_start3A_189 = arith.constant 0 : i32
      %dma_start3A_190 = tpu.memref_slice %arg9[%run_scoped3A, %dma_start3A_188, %dma_start3A_189] : memref<2x128x128xf32, #tpu.memory_space<vmem>> -> memref<1x128x128xf32, #tpu.memory_space<vmem>>
      %dma_start3A_191 = tpu.memref_squeeze %dma_start3A_190 : memref<1x128x128xf32, #tpu.memory_space<vmem>> -> memref<128x128xf32, #tpu.memory_space<vmem>>
      %dma_start3A_192 = arith.constant 0 : i32
      %dma_start3A_193 = arith.constant 0 : i32
      %dma_start3A_194 = tpu.memref_slice %arg9[%run_scoped3A, %dma_start3A_192, %dma_start3A_193] : memref<2x128x128xf32, #tpu.memory_space<vmem>> -> memref<1x128x128xf32, #tpu.memory_space<vmem>>
      %dma_start3A_195 = tpu.memref_squeeze %dma_start3A_194 : memref<1x128x128xf32, #tpu.memory_space<vmem>> -> memref<128x128xf32, #tpu.memory_space<vmem>>
      tpu.enqueue_dma source(%arg5 : memref<128x128xf32, #tpu.memory_space<hbm>>) target(%dma_start3A_195 : memref<128x128xf32, #tpu.memory_space<vmem>>) target_semaphore(%run_scoped3A_187 : memref<!tpu.dma_semaphore, #tpu.memory_space<semaphore_mem>>)
      %dma_wait3A_196 = arith.constant 0 : i32
      %dma_wait3A_197 = arith.constant 0 : i32
      %dma_wait3A_198 = tpu.memref_slice %arg9[%run_scoped3A, %dma_wait3A_196, %dma_wait3A_197] : memref<2x128x128xf32, #tpu.memory_space<vmem>> -> memref<1x128x128xf32, #tpu.memory_space<vmem>>
      %dma_wait3A_199 = tpu.memref_squeeze %dma_wait3A_198 : memref<1x128x128xf32, #tpu.memory_space<vmem>> -> memref<128x128xf32, #tpu.memory_space<vmem>>
      %dma_wait3A_200 = arith.constant 0 : i32
      %dma_wait3A_201 = arith.constant 0 : i32
      %dma_wait3A_202 = tpu.memref_slice %arg9[%run_scoped3A, %dma_wait3A_200, %dma_wait3A_201] : memref<2x128x128xf32, #tpu.memory_space<vmem>> -> memref<1x128x128xf32, #tpu.memory_space<vmem>>
      %dma_wait3A_203 = tpu.memref_squeeze %dma_wait3A_202 : memref<1x128x128xf32, #tpu.memory_space<vmem>> -> memref<128x128xf32, #tpu.memory_space<vmem>>
      tpu.wait_dma2 semaphore(%run_scoped3A_187 : memref<!tpu.dma_semaphore, #tpu.memory_space<semaphore_mem>>) src(%arg5 : memref<128x128xf32, #tpu.memory_space<hbm>>) dst(%dma_wait3A_203 : memref<128x128xf32, #tpu.memory_space<vmem>>)
      tpu.yield
    }) : () -> ()
    %add3A_3 = arith.constant 0 : i32
    %add3A_4 = arith.addi %mul3A_2, %add3A_3 : i32
    %run_scoped3A_5 = arith.constant 0 : i32
    "tpu.region"() ({
      %run_scoped3A_187 = tpu.sem_alloc : memref<!tpu.dma_semaphore, #tpu.memory_space<semaphore_mem>>
      %dma_start3A_188 = arith.constant 0 : i32
      %dma_start3A_189 = arith.constant 0 : i32
      %dma_start3A_190 = tpu.memref_slice %arg9[%run_scoped3A_5, %dma_start3A_188, %dma_start3A_189] : memref<2x128x128xf32, #tpu.memory_space<vmem>> -> memref<1x128x128xf32, #tpu.memory_space<vmem>>
      %dma_start3A_191 = tpu.memref_squeeze %dma_start3A_190 : memref<1x128x128xf32, #tpu.memory_space<vmem>> -> memref<128x128xf32, #tpu.memory_space<vmem>>
      %dma_start3A_192 = arith.constant 0 : i32
      %dma_start3A_193 = tpu.memref_slice %arg10[%add3A_4, %dma_start3A_192] : memref<10112x128xf32, #tpu.memory_space<vmem_shared>> -> memref<128x128xf32, #tpu.memory_space<vmem_shared>>
      %dma_start3A_194 = arith.constant 0 : i32
      %dma_start3A_195 = tpu.memref_slice %arg10[%add3A_4, %dma_start3A_194] : memref<10112x128xf32, #tpu.memory_space<vmem_shared>> -> memref<128x128xf32, #tpu.memory_space<vmem_shared>>
      %dma_start3A_196 = arith.constant 0 : i32
      %dma_start3A_197 = arith.constant 0 : i32
      %dma_start3A_198 = tpu.memref_slice %arg9[%run_scoped3A_5, %dma_start3A_196, %dma_start3A_197] : memref<2x128x128xf32, #tpu.memory_space<vmem>> -> memref<1x128x128xf32, #tpu.memory_space<vmem>>
      %dma_start3A_199 = tpu.memref_squeeze %dma_start3A_198 : memref<1x128x128xf32, #tpu.memory_space<vmem>> -> memref<128x128xf32, #tpu.memory_space<vmem>>
      tpu.enqueue_dma source(%dma_start3A_199 : memref<128x128xf32, #tpu.memory_space<vmem>>) target(%dma_start3A_195 : memref<128x128xf32, #tpu.memory_space<vmem_shared>>) target_semaphore(%run_scoped3A_187 : memref<!tpu.dma_semaphore, #tpu.memory_space<semaphore_mem>>)
      %dma_wait3A_200 = arith.constant 0 : i32
      %dma_wait3A_201 = arith.constant 0 : i32
      %dma_wait3A_202 = tpu.memref_slice %arg9[%run_scoped3A_5, %dma_wait3A_200, %dma_wait3A_201] : memref<2x128x128xf32, #tpu.memory_space<vmem>> -> memref<1x128x128xf32, #tpu.memory_space<vmem>>
      %dma_wait3A_203 = tpu.memref_squeeze %dma_wait3A_202 : memref<1x128x128xf32, #tpu.memory_space<vmem>> -> memref<128x128xf32, #tpu.memory_space<vmem>>
      %dma_wait3A_204 = arith.constant 0 : i32
      %dma_wait3A_205 = tpu.memref_slice %arg10[%add3A_4, %dma_wait3A_204] : memref<10112x128xf32, #tpu.memory_space<vmem_shared>> -> memref<128x128xf32, #tpu.memory_space<vmem_shared>>
      %dma_wait3A_206 = arith.constant 0 : i32
      %dma_wait3A_207 = tpu.memref_slice %arg10[%add3A_4, %dma_wait3A_206] : memref<10112x128xf32, #tpu.memory_space<vmem_shared>> -> memref<128x128xf32, #tpu.memory_space<vmem_shared>>
      %dma_wait3A_208 = arith.constant 0 : i32
      %dma_wait3A_209 = arith.constant 0 : i32
      %dma_wait3A_210 = tpu.memref_slice %arg9[%run_scoped3A_5, %dma_wait3A_208, %dma_wait3A_209] : memref<2x128x128xf32, #tpu.memory_space<vmem>> -> memref<1x128x128xf32, #tpu.memory_space<vmem>>
      %dma_wait3A_211 = tpu.memref_squeeze %dma_wait3A_210 : memref<1x128x128xf32, #tpu.memory_space<vmem>> -> memref<128x128xf32, #tpu.memory_space<vmem>>
      tpu.wait_dma2 semaphore(%run_scoped3A_187 : memref<!tpu.dma_semaphore, #tpu.memory_space<semaphore_mem>>) src(%dma_wait3A_211 : memref<128x128xf32, #tpu.memory_space<vmem>>) dst(%dma_wait3A_207 : memref<128x128xf32, #tpu.memory_space<vmem_shared>>)
      tpu.yield
    }) : () -> ()
    %add3A_6 = arith.constant 128 : i32
    %add3A_7 = arith.addi %mul3A_2, %add3A_6 : i32
    %run_scoped3A_8 = arith.constant 0 : i32
    "tpu.region"() ({
      %run_scoped3A_187 = tpu.sem_alloc : memref<!tpu.dma_semaphore, #tpu.memory_space<semaphore_mem>>
      %dma_start3A_188 = arith.constant 0 : i32
      %dma_start3A_189 = arith.constant 0 : i32
      %dma_start3A_190 = tpu.memref_slice %arg9[%run_scoped3A_8, %dma_start3A_188, %dma_start3A_189] : memref<2x128x128xf32, #tpu.memory_space<vmem>> -> memref<1x128x128xf32, #tpu.memory_space<vmem>>
      %dma_start3A_191 = tpu.memref_squeeze %dma_start3A_190 : memref<1x128x128xf32, #tpu.memory_space<vmem>> -> memref<128x128xf32, #tpu.memory_space<vmem>>
      %dma_start3A_192 = arith.constant 0 : i32
      %dma_start3A_193 = tpu.memref_slice %arg10[%add3A_7, %dma_start3A_192] : memref<10112x128xf32, #tpu.memory_space<vmem_shared>> -> memref<128x128xf32, #tpu.memory_space<vmem_shared>>
      %dma_start3A_194 = arith.constant 0 : i32
      %dma_start3A_195 = tpu.memref_slice %arg10[%add3A_7, %dma_start3A_194] : memref<10112x128xf32, #tpu.memory_space<vmem_shared>> -> memref<128x128xf32, #tpu.memory_space<vmem_shared>>
      %dma_start3A_196 = arith.constant 0 : i32
      %dma_start3A_197 = arith.constant 0 : i32
      %dma_start3A_198 = tpu.memref_slice %arg9[%run_scoped3A_8, %dma_start3A_196, %dma_start3A_197] : memref<2x128x128xf32, #tpu.memory_space<vmem>> -> memref<1x128x128xf32, #tpu.memory_space<vmem>>
      %dma_start3A_199 = tpu.memref_squeeze %dma_start3A_198 : memref<1x128x128xf32, #tpu.memory_space<vmem>> -> memref<128x128xf32, #tpu.memory_space<vmem>>
      tpu.enqueue_dma source(%dma_start3A_199 : memref<128x128xf32, #tpu.memory_space<vmem>>) target(%dma_start3A_195 : memref<128x128xf32, #tpu.memory_space<vmem_shared>>) target_semaphore(%run_scoped3A_187 : memref<!tpu.dma_semaphore, #tpu.memory_space<semaphore_mem>>)
      %dma_wait3A_200 = arith.constant 0 : i32
      %dma_wait3A_201 = arith.constant 0 : i32
      %dma_wait3A_202 = tpu.memref_slice %arg9[%run_scoped3A_8, %dma_wait3A_200, %dma_wait3A_201] : memref<2x128x128xf32, #tpu.memory_space<vmem>> -> memref<1x128x128xf32, #tpu.memory_space<vmem>>
      %dma_wait3A_203 = tpu.memref_squeeze %dma_wait3A_202 : memref<1x128x128xf32, #tpu.memory_space<vmem>> -> memref<128x128xf32, #tpu.memory_space<vmem>>
      %dma_wait3A_204 = arith.constant 0 : i32
      %dma_wait3A_205 = tpu.memref_slice %arg10[%add3A_7, %dma_wait3A_204] : memref<10112x128xf32, #tpu.memory_space<vmem_shared>> -> memref<128x128xf32, #tpu.memory_space<vmem_shared>>
      %dma_wait3A_206 = arith.constant 0 : i32
      %dma_wait3A_207 = tpu.memref_slice %arg10[%add3A_7, %dma_wait3A_206] : memref<10112x128xf32, #tpu.memory_space<vmem_shared>> -> memref<128x128xf32, #tpu.memory_space<vmem_shared>>
      %dma_wait3A_208 = arith.constant 0 : i32
      %dma_wait3A_209 = arith.constant 0 : i32
      %dma_wait3A_210 = tpu.memref_slice %arg9[%run_scoped3A_8, %dma_wait3A_208, %dma_wait3A_209] : memref<2x128x128xf32, #tpu.memory_space<vmem>> -> memref<1x128x128xf32, #tpu.memory_space<vmem>>
      %dma_wait3A_211 = tpu.memref_squeeze %dma_wait3A_210 : memref<1x128x128xf32, #tpu.memory_space<vmem>> -> memref<128x128xf32, #tpu.memory_space<vmem>>
      tpu.wait_dma2 semaphore(%run_scoped3A_187 : memref<!tpu.dma_semaphore, #tpu.memory_space<semaphore_mem>>) src(%dma_wait3A_211 : memref<128x128xf32, #tpu.memory_space<vmem>>) dst(%dma_wait3A_207 : memref<128x128xf32, #tpu.memory_space<vmem_shared>>)
      tpu.yield
    }) : () -> ()
    %add3A_9 = arith.constant 256 : i32
    %add3A_10 = arith.addi %mul3A_2, %add3A_9 : i32
    %run_scoped3A_11 = arith.constant 0 : i32
    "tpu.region"() ({
      %run_scoped3A_187 = tpu.sem_alloc : memref<!tpu.dma_semaphore, #tpu.memory_space<semaphore_mem>>
      %dma_start3A_188 = arith.constant 0 : i32
      %dma_start3A_189 = arith.constant 0 : i32
      %dma_start3A_190 = tpu.memref_slice %arg9[%run_scoped3A_11, %dma_start3A_188, %dma_start3A_189] : memref<2x128x128xf32, #tpu.memory_space<vmem>> -> memref<1x128x128xf32, #tpu.memory_space<vmem>>
      %dma_start3A_191 = tpu.memref_squeeze %dma_start3A_190 : memref<1x128x128xf32, #tpu.memory_space<vmem>> -> memref<128x128xf32, #tpu.memory_space<vmem>>
      %dma_start3A_192 = arith.constant 0 : i32
      %dma_start3A_193 = tpu.memref_slice %arg10[%add3A_10, %dma_start3A_192] : memref<10112x128xf32, #tpu.memory_space<vmem_shared>> -> memref<128x128xf32, #tpu.memory_space<vmem_shared>>
      %dma_start3A_194 = arith.constant 0 : i32
      %dma_start3A_195 = tpu.memref_slice %arg10[%add3A_10, %dma_start3A_194] : memref<10112x128xf32, #tpu.memory_space<vmem_shared>> -> memref<128x128xf32, #tpu.memory_space<vmem_shared>>
      %dma_start3A_196 = arith.constant 0 : i32
      %dma_start3A_197 = arith.constant 0 : i32
      %dma_start3A_198 = tpu.memref_slice %arg9[%run_scoped3A_11, %dma_start3A_196, %dma_start3A_197] : memref<2x128x128xf32, #tpu.memory_space<vmem>> -> memref<1x128x128xf32, #tpu.memory_space<vmem>>
      %dma_start3A_199 = tpu.memref_squeeze %dma_start3A_198 : memref<1x128x128xf32, #tpu.memory_space<vmem>> -> memref<128x128xf32, #tpu.memory_space<vmem>>
      tpu.enqueue_dma source(%dma_start3A_199 : memref<128x128xf32, #tpu.memory_space<vmem>>) target(%dma_start3A_195 : memref<128x128xf32, #tpu.memory_space<vmem_shared>>) target_semaphore(%run_scoped3A_187 : memref<!tpu.dma_semaphore, #tpu.memory_space<semaphore_mem>>)
      %dma_wait3A_200 = arith.constant 0 : i32
      %dma_wait3A_201 = arith.constant 0 : i32
      %dma_wait3A_202 = tpu.memref_slice %arg9[%run_scoped3A_11, %dma_wait3A_200, %dma_wait3A_201] : memref<2x128x128xf32, #tpu.memory_space<vmem>> -> memref<1x128x128xf32, #tpu.memory_space<vmem>>
      %dma_wait3A_203 = tpu.memref_squeeze %dma_wait3A_202 : memref<1x128x128xf32, #tpu.memory_space<vmem>> -> memref<128x128xf32, #tpu.memory_space<vmem>>
      %dma_wait3A_204 = arith.constant 0 : i32
      %dma_wait3A_205 = tpu.memref_slice %arg10[%add3A_10, %dma_wait3A_204] : memref<10112x128xf32, #tpu.memory_space<vmem_shared>> -> memref<128x128xf32, #tpu.memory_space<vmem_shared>>
      %dma_wait3A_206 = arith.constant 0 : i32
      %dma_wait3A_207 = tpu.memref_slice %arg10[%add3A_10, %dma_wait3A_206] : memref<10112x128xf32, #tpu.memory_space<vmem_shared>> -> memref<128x128xf32, #tpu.memory_space<vmem_shared>>
      %dma_wait3A_208 = arith.constant 0 : i32
      %dma_wait3A_209 = arith.constant 0 : i32
      %dma_wait3A_210 = tpu.memref_slice %arg9[%run_scoped3A_11, %dma_wait3A_208, %dma_wait3A_209] : memref<2x128x128xf32, #tpu.memory_space<vmem>> -> memref<1x128x128xf32, #tpu.memory_space<vmem>>
      %dma_wait3A_211 = tpu.memref_squeeze %dma_wait3A_210 : memref<1x128x128xf32, #tpu.memory_space<vmem>> -> memref<128x128xf32, #tpu.memory_space<vmem>>
      tpu.wait_dma2 semaphore(%run_scoped3A_187 : memref<!tpu.dma_semaphore, #tpu.memory_space<semaphore_mem>>) src(%dma_wait3A_211 : memref<128x128xf32, #tpu.memory_space<vmem>>) dst(%dma_wait3A_207 : memref<128x128xf32, #tpu.memory_space<vmem_shared>>)
      tpu.yield
    }) : () -> ()
    %add3A_12 = arith.constant 384 : i32
    %add3A_13 = arith.addi %mul3A_2, %add3A_12 : i32
    %run_scoped3A_14 = arith.constant 0 : i32
    "tpu.region"() ({
      %run_scoped3A_187 = tpu.sem_alloc : memref<!tpu.dma_semaphore, #tpu.memory_space<semaphore_mem>>
      %dma_start3A_188 = arith.constant 0 : i32
      %dma_start3A_189 = arith.constant 0 : i32
      %dma_start3A_190 = tpu.memref_slice %arg9[%run_scoped3A_14, %dma_start3A_188, %dma_start3A_189] : memref<2x128x128xf32, #tpu.memory_space<vmem>> -> memref<1x128x128xf32, #tpu.memory_space<vmem>>
      %dma_start3A_191 = tpu.memref_squeeze %dma_start3A_190 : memref<1x128x128xf32, #tpu.memory_space<vmem>> -> memref<128x128xf32, #tpu.memory_space<vmem>>
      %dma_start3A_192 = arith.constant 0 : i32
      %dma_start3A_193 = tpu.memref_slice %arg10[%add3A_13, %dma_start3A_192] : memref<10112x128xf32, #tpu.memory_space<vmem_shared>> -> memref<128x128xf32, #tpu.memory_space<vmem_shared>>
      %dma_start3A_194 = arith.constant 0 : i32
      %dma_start3A_195 = tpu.memref_slice %arg10[%add3A_13, %dma_start3A_194] : memref<10112x128xf32, #tpu.memory_space<vmem_shared>> -> memref<128x128xf32, #tpu.memory_space<vmem_shared>>
      %dma_start3A_196 = arith.constant 0 : i32
      %dma_start3A_197 = arith.constant 0 : i32
      %dma_start3A_198 = tpu.memref_slice %arg9[%run_scoped3A_14, %dma_start3A_196, %dma_start3A_197] : memref<2x128x128xf32, #tpu.memory_space<vmem>> -> memref<1x128x128xf32, #tpu.memory_space<vmem>>
      %dma_start3A_199 = tpu.memref_squeeze %dma_start3A_198 : memref<1x128x128xf32, #tpu.memory_space<vmem>> -> memref<128x128xf32, #tpu.memory_space<vmem>>
      tpu.enqueue_dma source(%dma_start3A_199 : memref<128x128xf32, #tpu.memory_space<vmem>>) target(%dma_start3A_195 : memref<128x128xf32, #tpu.memory_space<vmem_shared>>) target_semaphore(%run_scoped3A_187 : memref<!tpu.dma_semaphore, #tpu.memory_space<semaphore_mem>>)
      %dma_wait3A_200 = arith.constant 0 : i32
      %dma_wait3A_201 = arith.constant 0 : i32
      %dma_wait3A_202 = tpu.memref_slice %arg9[%run_scoped3A_14, %dma_wait3A_200, %dma_wait3A_201] : memref<2x128x128xf32, #tpu.memory_space<vmem>> -> memref<1x128x128xf32, #tpu.memory_space<vmem>>
      %dma_wait3A_203 = tpu.memref_squeeze %dma_wait3A_202 : memref<1x128x128xf32, #tpu.memory_space<vmem>> -> memref<128x128xf32, #tpu.memory_space<vmem>>
      %dma_wait3A_204 = arith.constant 0 : i32
      %dma_wait3A_205 = tpu.memref_slice %arg10[%add3A_13, %dma_wait3A_204] : memref<10112x128xf32, #tpu.memory_space<vmem_shared>> -> memref<128x128xf32, #tpu.memory_space<vmem_shared>>
      %dma_wait3A_206 = arith.constant 0 : i32
      %dma_wait3A_207 = tpu.memref_slice %arg10[%add3A_13, %dma_wait3A_206] : memref<10112x128xf32, #tpu.memory_space<vmem_shared>> -> memref<128x128xf32, #tpu.memory_space<vmem_shared>>
      %dma_wait3A_208 = arith.constant 0 : i32
      %dma_wait3A_209 = arith.constant 0 : i32
      %dma_wait3A_210 = tpu.memref_slice %arg9[%run_scoped3A_14, %dma_wait3A_208, %dma_wait3A_209] : memref<2x128x128xf32, #tpu.memory_space<vmem>> -> memref<1x128x128xf32, #tpu.memory_space<vmem>>
      %dma_wait3A_211 = tpu.memref_squeeze %dma_wait3A_210 : memref<1x128x128xf32, #tpu.memory_space<vmem>> -> memref<128x128xf32, #tpu.memory_space<vmem>>
      tpu.wait_dma2 semaphore(%run_scoped3A_187 : memref<!tpu.dma_semaphore, #tpu.memory_space<semaphore_mem>>) src(%dma_wait3A_211 : memref<128x128xf32, #tpu.memory_space<vmem>>) dst(%dma_wait3A_207 : memref<128x128xf32, #tpu.memory_space<vmem_shared>>)
      tpu.yield
    }) : () -> ()
    %add3A_15 = arith.constant 512 : i32
    %add3A_16 = arith.addi %mul3A_2, %add3A_15 : i32
    %run_scoped3A_17 = arith.constant 0 : i32
    "tpu.region"() ({
      %run_scoped3A_187 = tpu.sem_alloc : memref<!tpu.dma_semaphore, #tpu.memory_space<semaphore_mem>>
      %dma_start3A_188 = arith.constant 0 : i32
      %dma_start3A_189 = arith.constant 0 : i32
      %dma_start3A_190 = tpu.memref_slice %arg9[%run_scoped3A_17, %dma_start3A_188, %dma_start3A_189] : memref<2x128x128xf32, #tpu.memory_space<vmem>> -> memref<1x128x128xf32, #tpu.memory_space<vmem>>
      %dma_start3A_191 = tpu.memref_squeeze %dma_start3A_190 : memref<1x128x128xf32, #tpu.memory_space<vmem>> -> memref<128x128xf32, #tpu.memory_space<vmem>>
      %dma_start3A_192 = arith.constant 0 : i32
      %dma_start3A_193 = arith.constant 0 : i32
      %dma_start3A_194 = tpu.memref_slice %dma_start3A_191[%dma_start3A_192, %dma_start3A_193] : memref<128x128xf32, #tpu.memory_space<vmem>> -> memref<120x128xf32, #tpu.memory_space<vmem>>
      %dma_start3A_195 = arith.constant 0 : i32
      %dma_start3A_196 = tpu.memref_slice %arg10[%add3A_16, %dma_start3A_195] : memref<10112x128xf32, #tpu.memory_space<vmem_shared>> -> memref<120x128xf32, #tpu.memory_space<vmem_shared>>
      %dma_start3A_197 = arith.constant 0 : i32
      %dma_start3A_198 = tpu.memref_slice %arg10[%add3A_16, %dma_start3A_197] : memref<10112x128xf32, #tpu.memory_space<vmem_shared>> -> memref<120x128xf32, #tpu.memory_space<vmem_shared>>
      %dma_start3A_199 = arith.constant 0 : i32
      %dma_start3A_200 = arith.constant 0 : i32
      %dma_start3A_201 = tpu.memref_slice %arg9[%run_scoped3A_17, %dma_start3A_199, %dma_start3A_200] : memref<2x128x128xf32, #tpu.memory_space<vmem>> -> memref<1x128x128xf32, #tpu.memory_space<vmem>>
      %dma_start3A_202 = tpu.memref_squeeze %dma_start3A_201 : memref<1x128x128xf32, #tpu.memory_space<vmem>> -> memref<128x128xf32, #tpu.memory_space<vmem>>
      %dma_start3A_203 = arith.constant 0 : i32
      %dma_start3A_204 = arith.constant 0 : i32
      %dma_start3A_205 = tpu.memref_slice %dma_start3A_202[%dma_start3A_203, %dma_start3A_204] : memref<128x128xf32, #tpu.memory_space<vmem>> -> memref<120x128xf32, #tpu.memory_space<vmem>>
      tpu.enqueue_dma source(%dma_start3A_205 : memref<120x128xf32, #tpu.memory_space<vmem>>) target(%dma_start3A_198 : memref<120x128xf32, #tpu.memory_space<vmem_shared>>) target_semaphore(%run_scoped3A_187 : memref<!tpu.dma_semaphore, #tpu.memory_space<semaphore_mem>>)
      %dma_wait3A_206 = arith.constant 0 : i32
      %dma_wait3A_207 = arith.constant 0 : i32
      %dma_wait3A_208 = tpu.memref_slice %arg9[%run_scoped3A_17, %dma_wait3A_206, %dma_wait3A_207] : memref<2x128x128xf32, #tpu.memory_space<vmem>> -> memref<1x128x128xf32, #tpu.memory_space<vmem>>
      %dma_wait3A_209 = tpu.memref_squeeze %dma_wait3A_208 : memref<1x128x128xf32, #tpu.memory_space<vmem>> -> memref<128x128xf32, #tpu.memory_space<vmem>>
      %dma_wait3A_210 = arith.constant 0 : i32
      %dma_wait3A_211 = arith.constant 0 : i32
      %dma_wait3A_212 = tpu.memref_slice %dma_wait3A_209[%dma_wait3A_210, %dma_wait3A_211] : memref<128x128xf32, #tpu.memory_space<vmem>> -> memref<120x128xf32, #tpu.memory_space<vmem>>
      %dma_wait3A_213 = arith.constant 0 : i32
      %dma_wait3A_214 = tpu.memref_slice %arg10[%add3A_16, %dma_wait3A_213] : memref<10112x128xf32, #tpu.memory_space<vmem_shared>> -> memref<120x128xf32, #tpu.memory_space<vmem_shared>>
      %dma_wait3A_215 = arith.constant 0 : i32
      %dma_wait3A_216 = tpu.memref_slice %arg10[%add3A_16, %dma_wait3A_215] : memref<10112x128xf32, #tpu.memory_space<vmem_shared>> -> memref<120x128xf32, #tpu.memory_space<vmem_shared>>
      %dma_wait3A_217 = arith.constant 0 : i32
      %dma_wait3A_218 = arith.constant 0 : i32
      %dma_wait3A_219 = tpu.memref_slice %arg9[%run_scoped3A_17, %dma_wait3A_217, %dma_wait3A_218] : memref<2x128x128xf32, #tpu.memory_space<vmem>> -> memref<1x128x128xf32, #tpu.memory_space<vmem>>
      %dma_wait3A_220 = tpu.memref_squeeze %dma_wait3A_219 : memref<1x128x128xf32, #tpu.memory_space<vmem>> -> memref<128x128xf32, #tpu.memory_space<vmem>>
      %dma_wait3A_221 = arith.constant 0 : i32
      %dma_wait3A_222 = arith.constant 0 : i32
      %dma_wait3A_223 = tpu.memref_slice %dma_wait3A_220[%dma_wait3A_221, %dma_wait3A_222] : memref<128x128xf32, #tpu.memory_space<vmem>> -> memref<120x128xf32, #tpu.memory_space<vmem>>
      tpu.wait_dma2 semaphore(%run_scoped3A_187 : memref<!tpu.dma_semaphore, #tpu.memory_space<semaphore_mem>>) src(%dma_wait3A_223 : memref<120x128xf32, #tpu.memory_space<vmem>>) dst(%dma_wait3A_216 : memref<120x128xf32, #tpu.memory_space<vmem_shared>>)
      tpu.yield
    }) : () -> ()
    %barrier3A = arith.constant 0 : index
    tpu.barrier barrier_id(%barrier3A)
    %dma_start3A = arith.constant 0 : i32
    %dma_start3A_18 = arith.constant 0 : i32
    %dma_start3A_19 = arith.constant 0 : i32
    %dma_start3A_20 = tpu.memref_slice %arg7[%dma_start3A_18, %dma_start3A_19] : memref<2x128xi32, #tpu.memory_space<vmem>> -> memref<1x128xi32, #tpu.memory_space<vmem>>
    %dma_start3A_21 = tpu.memref_squeeze %dma_start3A_20 : memref<1x128xi32, #tpu.memory_space<vmem>> -> memref<128xi32, #tpu.memory_space<vmem>>
    %dma_start3A_22 = arith.constant 0 : i32
    %dma_start3A_23 = tpu.memref_slice %arg3[%add3A, %dma_start3A, %dma_start3A_22] : memref<32x80x128xi32, #tpu.memory_space<hbm>> -> memref<1x1x128xi32, #tpu.memory_space<hbm>>
    %dma_start3A_24 = tpu.memref_squeeze %dma_start3A_23 : memref<1x1x128xi32, #tpu.memory_space<hbm>> -> memref<128xi32, #tpu.memory_space<hbm>>
    %dma_start3A_25 = arith.constant 0 : i32
    %dma_start3A_26 = tpu.memref_slice %arg7[%dma_start3A_18, %dma_start3A_25] : memref<2x128xi32, #tpu.memory_space<vmem>> -> memref<1x128xi32, #tpu.memory_space<vmem>>
    %dma_start3A_27 = tpu.memref_squeeze %dma_start3A_26 : memref<1x128xi32, #tpu.memory_space<vmem>> -> memref<128xi32, #tpu.memory_space<vmem>>
    %dma_start3A_28 = arith.constant 0 : i32
    %dma_start3A_29 = tpu.memref_slice %arg3[%add3A, %dma_start3A, %dma_start3A_28] : memref<32x80x128xi32, #tpu.memory_space<hbm>> -> memref<1x1x128xi32, #tpu.memory_space<hbm>>
    %dma_start3A_30 = tpu.memref_squeeze %dma_start3A_29 : memref<1x1x128xi32, #tpu.memory_space<hbm>> -> memref<128xi32, #tpu.memory_space<hbm>>
    tpu.enqueue_dma source(%dma_start3A_30 : memref<128xi32, #tpu.memory_space<hbm>>) target(%dma_start3A_27 : memref<128xi32, #tpu.memory_space<vmem>>) target_semaphore(%arg13 : memref<!tpu.dma_semaphore, #tpu.memory_space<semaphore_mem>>)
    %dma_start3A_31 = arith.constant 0 : i32
    %dma_start3A_32 = arith.constant 0 : i32
    %dma_start3A_33 = arith.constant 0 : i32
    %dma_start3A_34 = tpu.memref_slice %arg8[%dma_start3A_32, %dma_start3A_33] : memref<2x128xi32, #tpu.memory_space<vmem>> -> memref<1x128xi32, #tpu.memory_space<vmem>>
    %dma_start3A_35 = tpu.memref_squeeze %dma_start3A_34 : memref<1x128xi32, #tpu.memory_space<vmem>> -> memref<128xi32, #tpu.memory_space<vmem>>
    %dma_start3A_36 = arith.constant 0 : i32
    %dma_start3A_37 = tpu.memref_slice %arg4[%add3A, %dma_start3A_31, %dma_start3A_36] : memref<32x80x128xi32, #tpu.memory_space<hbm>> -> memref<1x1x128xi32, #tpu.memory_space<hbm>>
    %dma_start3A_38 = tpu.memref_squeeze %dma_start3A_37 : memref<1x1x128xi32, #tpu.memory_space<hbm>> -> memref<128xi32, #tpu.memory_space<hbm>>
    %dma_start3A_39 = arith.constant 0 : i32
    %dma_start3A_40 = tpu.memref_slice %arg8[%dma_start3A_32, %dma_start3A_39] : memref<2x128xi32, #tpu.memory_space<vmem>> -> memref<1x128xi32, #tpu.memory_space<vmem>>
    %dma_start3A_41 = tpu.memref_squeeze %dma_start3A_40 : memref<1x128xi32, #tpu.memory_space<vmem>> -> memref<128xi32, #tpu.memory_space<vmem>>
    %dma_start3A_42 = arith.constant 0 : i32
    %dma_start3A_43 = tpu.memref_slice %arg4[%add3A, %dma_start3A_31, %dma_start3A_42] : memref<32x80x128xi32, #tpu.memory_space<hbm>> -> memref<1x1x128xi32, #tpu.memory_space<hbm>>
    %dma_start3A_44 = tpu.memref_squeeze %dma_start3A_43 : memref<1x1x128xi32, #tpu.memory_space<hbm>> -> memref<128xi32, #tpu.memory_space<hbm>>
    tpu.enqueue_dma source(%dma_start3A_44 : memref<128xi32, #tpu.memory_space<hbm>>) target(%dma_start3A_41 : memref<128xi32, #tpu.memory_space<vmem>>) target_semaphore(%arg15 : memref<!tpu.dma_semaphore, #tpu.memory_space<semaphore_mem>>)
    %dma_start3A_45 = arith.constant 1 : i32
    %dma_start3A_46 = arith.constant 1 : i32
    %dma_start3A_47 = arith.constant 0 : i32
    %dma_start3A_48 = tpu.memref_slice %arg7[%dma_start3A_46, %dma_start3A_47] : memref<2x128xi32, #tpu.memory_space<vmem>> -> memref<1x128xi32, #tpu.memory_space<vmem>>
    %dma_start3A_49 = tpu.memref_squeeze %dma_start3A_48 : memref<1x128xi32, #tpu.memory_space<vmem>> -> memref<128xi32, #tpu.memory_space<vmem>>
    %dma_start3A_50 = arith.constant 0 : i32
    %dma_start3A_51 = tpu.memref_slice %arg3[%add3A, %dma_start3A_45, %dma_start3A_50] : memref<32x80x128xi32, #tpu.memory_space<hbm>> -> memref<1x1x128xi32, #tpu.memory_space<hbm>>
    %dma_start3A_52 = tpu.memref_squeeze %dma_start3A_51 : memref<1x1x128xi32, #tpu.memory_space<hbm>> -> memref<128xi32, #tpu.memory_space<hbm>>
    %dma_start3A_53 = arith.constant 0 : i32
    %dma_start3A_54 = tpu.memref_slice %arg7[%dma_start3A_46, %dma_start3A_53] : memref<2x128xi32, #tpu.memory_space<vmem>> -> memref<1x128xi32, #tpu.memory_space<vmem>>
    %dma_start3A_55 = tpu.memref_squeeze %dma_start3A_54 : memref<1x128xi32, #tpu.memory_space<vmem>> -> memref<128xi32, #tpu.memory_space<vmem>>
    %dma_start3A_56 = arith.constant 0 : i32
    %dma_start3A_57 = tpu.memref_slice %arg3[%add3A, %dma_start3A_45, %dma_start3A_56] : memref<32x80x128xi32, #tpu.memory_space<hbm>> -> memref<1x1x128xi32, #tpu.memory_space<hbm>>
    %dma_start3A_58 = tpu.memref_squeeze %dma_start3A_57 : memref<1x1x128xi32, #tpu.memory_space<hbm>> -> memref<128xi32, #tpu.memory_space<hbm>>
    tpu.enqueue_dma source(%dma_start3A_58 : memref<128xi32, #tpu.memory_space<hbm>>) target(%dma_start3A_55 : memref<128xi32, #tpu.memory_space<vmem>>) target_semaphore(%arg14 : memref<!tpu.dma_semaphore, #tpu.memory_space<semaphore_mem>>)
    %dma_start3A_59 = arith.constant 1 : i32
    %dma_start3A_60 = arith.constant 1 : i32
    %dma_start3A_61 = arith.constant 0 : i32
    %dma_start3A_62 = tpu.memref_slice %arg8[%dma_start3A_60, %dma_start3A_61] : memref<2x128xi32, #tpu.memory_space<vmem>> -> memref<1x128xi32, #tpu.memory_space<vmem>>
    %dma_start3A_63 = tpu.memref_squeeze %dma_start3A_62 : memref<1x128xi32, #tpu.memory_space<vmem>> -> memref<128xi32, #tpu.memory_space<vmem>>
    %dma_start3A_64 = arith.constant 0 : i32
    %dma_start3A_65 = tpu.memref_slice %arg4[%add3A, %dma_start3A_59, %dma_start3A_64] : memref<32x80x128xi32, #tpu.memory_space<hbm>> -> memref<1x1x128xi32, #tpu.memory_space<hbm>>
    %dma_start3A_66 = tpu.memref_squeeze %dma_start3A_65 : memref<1x1x128xi32, #tpu.memory_space<hbm>> -> memref<128xi32, #tpu.memory_space<hbm>>
    %dma_start3A_67 = arith.constant 0 : i32
    %dma_start3A_68 = tpu.memref_slice %arg8[%dma_start3A_60, %dma_start3A_67] : memref<2x128xi32, #tpu.memory_space<vmem>> -> memref<1x128xi32, #tpu.memory_space<vmem>>
    %dma_start3A_69 = tpu.memref_squeeze %dma_start3A_68 : memref<1x128xi32, #tpu.memory_space<vmem>> -> memref<128xi32, #tpu.memory_space<vmem>>
    %dma_start3A_70 = arith.constant 0 : i32
    %dma_start3A_71 = tpu.memref_slice %arg4[%add3A, %dma_start3A_59, %dma_start3A_70] : memref<32x80x128xi32, #tpu.memory_space<hbm>> -> memref<1x1x128xi32, #tpu.memory_space<hbm>>
    %dma_start3A_72 = tpu.memref_squeeze %dma_start3A_71 : memref<1x1x128xi32, #tpu.memory_space<hbm>> -> memref<128xi32, #tpu.memory_space<hbm>>
    tpu.enqueue_dma source(%dma_start3A_72 : memref<128xi32, #tpu.memory_space<hbm>>) target(%dma_start3A_69 : memref<128xi32, #tpu.memory_space<vmem>>) target_semaphore(%arg16 : memref<!tpu.dma_semaphore, #tpu.memory_space<semaphore_mem>>)
    %dma_wait3A = arith.constant 0 : i32
    %dma_wait3A_73 = arith.constant 0 : i32
    %dma_wait3A_74 = arith.constant 0 : i32
    %dma_wait3A_75 = tpu.memref_slice %arg7[%dma_wait3A_73, %dma_wait3A_74] : memref<2x128xi32, #tpu.memory_space<vmem>> -> memref<1x128xi32, #tpu.memory_space<vmem>>
    %dma_wait3A_76 = tpu.memref_squeeze %dma_wait3A_75 : memref<1x128xi32, #tpu.memory_space<vmem>> -> memref<128xi32, #tpu.memory_space<vmem>>
    %dma_wait3A_77 = arith.constant 0 : i32
    %dma_wait3A_78 = tpu.memref_slice %arg3[%add3A, %dma_wait3A, %dma_wait3A_77] : memref<32x80x128xi32, #tpu.memory_space<hbm>> -> memref<1x1x128xi32, #tpu.memory_space<hbm>>
    %dma_wait3A_79 = tpu.memref_squeeze %dma_wait3A_78 : memref<1x1x128xi32, #tpu.memory_space<hbm>> -> memref<128xi32, #tpu.memory_space<hbm>>
    %dma_wait3A_80 = arith.constant 0 : i32
    %dma_wait3A_81 = tpu.memref_slice %arg7[%dma_wait3A_73, %dma_wait3A_80] : memref<2x128xi32, #tpu.memory_space<vmem>> -> memref<1x128xi32, #tpu.memory_space<vmem>>
    %dma_wait3A_82 = tpu.memref_squeeze %dma_wait3A_81 : memref<1x128xi32, #tpu.memory_space<vmem>> -> memref<128xi32, #tpu.memory_space<vmem>>
    %dma_wait3A_83 = arith.constant 0 : i32
    %dma_wait3A_84 = tpu.memref_slice %arg3[%add3A, %dma_wait3A, %dma_wait3A_83] : memref<32x80x128xi32, #tpu.memory_space<hbm>> -> memref<1x1x128xi32, #tpu.memory_space<hbm>>
    %dma_wait3A_85 = tpu.memref_squeeze %dma_wait3A_84 : memref<1x1x128xi32, #tpu.memory_space<hbm>> -> memref<128xi32, #tpu.memory_space<hbm>>
    tpu.wait_dma2 semaphore(%arg13 : memref<!tpu.dma_semaphore, #tpu.memory_space<semaphore_mem>>) src(%dma_wait3A_85 : memref<128xi32, #tpu.memory_space<hbm>>) dst(%dma_wait3A_82 : memref<128xi32, #tpu.memory_space<vmem>>)
    %dma_start3A_86 = arith.constant 0 : i32
    %dma_start3A_87 = arith.constant 0 : i32
    %dma_start3A_88 = arith.constant 0 : i32
    %dma_start3A_89 = arith.constant 0 : i32
    %dma_start3A_90 = tpu.memref_slice %arg9[%dma_start3A_87, %dma_start3A_88, %dma_start3A_89] : memref<2x128x128xf32, #tpu.memory_space<vmem>> -> memref<1x128x128xf32, #tpu.memory_space<vmem>>
    %dma_start3A_91 = tpu.memref_squeeze %dma_start3A_90 : memref<1x128x128xf32, #tpu.memory_space<vmem>> -> memref<128x128xf32, #tpu.memory_space<vmem>>
    %dma_start3A_92 = arith.constant 0 : i32
    %dma_start3A_93 = tpu.memref_slice %arg7[%dma_start3A_86, %dma_start3A_92] : memref<2x128xi32, #tpu.memory_space<vmem>> -> memref<1x128xi32, #tpu.memory_space<vmem>>
    %dma_start3A_94 = tpu.memref_squeeze %dma_start3A_93 : memref<1x128xi32, #tpu.memory_space<vmem>> -> memref<128xi32, #tpu.memory_space<vmem>>
    %dma_start3A_95 = arith.constant 0 : i32
    %dma_start3A_96 = arith.constant 0 : i32
    %dma_start3A_97 = tpu.memref_slice %arg2[%dma_start3A_95, %dma_start3A_96] : memref<10112x128xf32, #tpu.memory_space<hbm>> -> memref<10112x128xf32, #tpu.memory_space<hbm>>
    tpu.enqueue_indirect_dma source(%dma_start3A_97 : memref<10112x128xf32, #tpu.memory_space<hbm>>) target(%dma_start3A_91 : memref<128x128xf32, #tpu.memory_space<vmem>>) offsets(%dma_start3A_94 : memref<128xi32, #tpu.memory_space<vmem>>) semaphore(%arg11 : memref<!tpu.dma_semaphore, #tpu.memory_space<semaphore_mem>>)
    %scan3A = arith.constant 0 : i32
    %scan3A_98 = arith.constant 0 : i32
    %scan3A_99 = arith.constant 39 : i32
    %scan3A_100 = arith.addi %scan3A_98, %scan3A_99 : i32
    %scan3A_101 = arith.constant 1 : i32
    %scan3A_102 = scf.for %scan3A_187 = %scan3A_98 to %scan3A_100 step %scan3A_101 iter_args(%scan3A_188 = %scan3A) -> (i32)  : i32 {
      %mul3A_189 = arith.constant 2 : i32
      %mul3A_190 = arith.muli %scan3A_187, %mul3A_189 : i32
      %add3A_191 = arith.constant 1 : i32
      %add3A_192 = arith.addi %mul3A_190, %add3A_191 : i32
      %dma_wait3A_193 = arith.constant 1 : i32
      %dma_wait3A_194 = arith.constant 0 : i32
      %dma_wait3A_195 = tpu.memref_slice %arg7[%dma_wait3A_193, %dma_wait3A_194] : memref<2x128xi32, #tpu.memory_space<vmem>> -> memref<1x128xi32, #tpu.memory_space<vmem>>
      %dma_wait3A_196 = tpu.memref_squeeze %dma_wait3A_195 : memref<1x128xi32, #tpu.memory_space<vmem>> -> memref<128xi32, #tpu.memory_space<vmem>>
      %dma_wait3A_197 = arith.constant 0 : i32
      %dma_wait3A_198 = tpu.memref_slice %arg3[%add3A, %add3A_192, %dma_wait3A_197] : memref<32x80x128xi32, #tpu.memory_space<hbm>> -> memref<1x1x128xi32, #tpu.memory_space<hbm>>
      %dma_wait3A_199 = tpu.memref_squeeze %dma_wait3A_198 : memref<1x1x128xi32, #tpu.memory_space<hbm>> -> memref<128xi32, #tpu.memory_space<hbm>>
      %dma_wait3A_200 = arith.constant 0 : i32
      %dma_wait3A_201 = tpu.memref_slice %arg7[%dma_wait3A_193, %dma_wait3A_200] : memref<2x128xi32, #tpu.memory_space<vmem>> -> memref<1x128xi32, #tpu.memory_space<vmem>>
      %dma_wait3A_202 = tpu.memref_squeeze %dma_wait3A_201 : memref<1x128xi32, #tpu.memory_space<vmem>> -> memref<128xi32, #tpu.memory_space<vmem>>
      %dma_wait3A_203 = arith.constant 0 : i32
      %dma_wait3A_204 = tpu.memref_slice %arg3[%add3A, %add3A_192, %dma_wait3A_203] : memref<32x80x128xi32, #tpu.memory_space<hbm>> -> memref<1x1x128xi32, #tpu.memory_space<hbm>>
      %dma_wait3A_205 = tpu.memref_squeeze %dma_wait3A_204 : memref<1x1x128xi32, #tpu.memory_space<hbm>> -> memref<128xi32, #tpu.memory_space<hbm>>
      tpu.wait_dma2 semaphore(%arg14 : memref<!tpu.dma_semaphore, #tpu.memory_space<semaphore_mem>>) src(%dma_wait3A_205 : memref<128xi32, #tpu.memory_space<hbm>>) dst(%dma_wait3A_202 : memref<128xi32, #tpu.memory_space<vmem>>)
      %dma_wait3A_206 = arith.constant 0 : i32
      %dma_wait3A_207 = arith.constant 0 : i32
      %dma_wait3A_208 = arith.constant 0 : i32
      %dma_wait3A_209 = arith.constant 0 : i32
      %dma_wait3A_210 = tpu.memref_slice %arg9[%dma_wait3A_207, %dma_wait3A_208, %dma_wait3A_209] : memref<2x128x128xf32, #tpu.memory_space<vmem>> -> memref<1x128x128xf32, #tpu.memory_space<vmem>>
      %dma_wait3A_211 = tpu.memref_squeeze %dma_wait3A_210 : memref<1x128x128xf32, #tpu.memory_space<vmem>> -> memref<128x128xf32, #tpu.memory_space<vmem>>
      %dma_wait3A_212 = arith.constant 0 : i32
      %dma_wait3A_213 = tpu.memref_slice %arg7[%dma_wait3A_206, %dma_wait3A_212] : memref<2x128xi32, #tpu.memory_space<vmem>> -> memref<1x128xi32, #tpu.memory_space<vmem>>
      %dma_wait3A_214 = tpu.memref_squeeze %dma_wait3A_213 : memref<1x128xi32, #tpu.memory_space<vmem>> -> memref<128xi32, #tpu.memory_space<vmem>>
      %dma_wait3A_215 = arith.constant 0 : i32
      %dma_wait3A_216 = arith.constant 0 : i32
      %dma_wait3A_217 = tpu.memref_slice %arg2[%dma_wait3A_215, %dma_wait3A_216] : memref<10112x128xf32, #tpu.memory_space<hbm>> -> memref<10112x128xf32, #tpu.memory_space<hbm>>
      tpu.wait_indirect_dma semaphore(%arg11 : memref<!tpu.dma_semaphore, #tpu.memory_space<semaphore_mem>>) src(%dma_wait3A_217 : memref<10112x128xf32, #tpu.memory_space<hbm>>) dst(%dma_wait3A_211 : memref<128x128xf32, #tpu.memory_space<vmem>>)
      %dma_start3A_218 = arith.constant 1 : i32
      %dma_start3A_219 = arith.constant 1 : i32
      %dma_start3A_220 = arith.constant 0 : i32
      %dma_start3A_221 = arith.constant 0 : i32
      %dma_start3A_222 = tpu.memref_slice %arg9[%dma_start3A_219, %dma_start3A_220, %dma_start3A_221] : memref<2x128x128xf32, #tpu.memory_space<vmem>> -> memref<1x128x128xf32, #tpu.memory_space<vmem>>
      %dma_start3A_223 = tpu.memref_squeeze %dma_start3A_222 : memref<1x128x128xf32, #tpu.memory_space<vmem>> -> memref<128x128xf32, #tpu.memory_space<vmem>>
      %dma_start3A_224 = arith.constant 0 : i32
      %dma_start3A_225 = tpu.memref_slice %arg7[%dma_start3A_218, %dma_start3A_224] : memref<2x128xi32, #tpu.memory_space<vmem>> -> memref<1x128xi32, #tpu.memory_space<vmem>>
      %dma_start3A_226 = tpu.memref_squeeze %dma_start3A_225 : memref<1x128xi32, #tpu.memory_space<vmem>> -> memref<128xi32, #tpu.memory_space<vmem>>
      %dma_start3A_227 = arith.constant 0 : i32
      %dma_start3A_228 = arith.constant 0 : i32
      %dma_start3A_229 = tpu.memref_slice %arg2[%dma_start3A_227, %dma_start3A_228] : memref<10112x128xf32, #tpu.memory_space<hbm>> -> memref<10112x128xf32, #tpu.memory_space<hbm>>
      tpu.enqueue_indirect_dma source(%dma_start3A_229 : memref<10112x128xf32, #tpu.memory_space<hbm>>) target(%dma_start3A_223 : memref<128x128xf32, #tpu.memory_space<vmem>>) offsets(%dma_start3A_226 : memref<128xi32, #tpu.memory_space<vmem>>) semaphore(%arg12 : memref<!tpu.dma_semaphore, #tpu.memory_space<semaphore_mem>>)
      %add3A_230 = arith.constant 2 : i32
      %add3A_231 = arith.addi %mul3A_190, %add3A_230 : i32
      %dma_start3A_232 = arith.constant 0 : i32
      %dma_start3A_233 = arith.constant 0 : i32
      %dma_start3A_234 = tpu.memref_slice %arg7[%dma_start3A_232, %dma_start3A_233] : memref<2x128xi32, #tpu.memory_space<vmem>> -> memref<1x128xi32, #tpu.memory_space<vmem>>
      %dma_start3A_235 = tpu.memref_squeeze %dma_start3A_234 : memref<1x128xi32, #tpu.memory_space<vmem>> -> memref<128xi32, #tpu.memory_space<vmem>>
      %dma_start3A_236 = arith.constant 0 : i32
      %dma_start3A_237 = tpu.memref_slice %arg3[%add3A, %add3A_231, %dma_start3A_236] : memref<32x80x128xi32, #tpu.memory_space<hbm>> -> memref<1x1x128xi32, #tpu.memory_space<hbm>>
      %dma_start3A_238 = tpu.memref_squeeze %dma_start3A_237 : memref<1x1x128xi32, #tpu.memory_space<hbm>> -> memref<128xi32, #tpu.memory_space<hbm>>
      %dma_start3A_239 = arith.constant 0 : i32
      %dma_start3A_240 = tpu.memref_slice %arg7[%dma_start3A_232, %dma_start3A_239] : memref<2x128xi32, #tpu.memory_space<vmem>> -> memref<1x128xi32, #tpu.memory_space<vmem>>
      %dma_start3A_241 = tpu.memref_squeeze %dma_start3A_240 : memref<1x128xi32, #tpu.memory_space<vmem>> -> memref<128xi32, #tpu.memory_space<vmem>>
      %dma_start3A_242 = arith.constant 0 : i32
      %dma_start3A_243 = tpu.memref_slice %arg3[%add3A, %add3A_231, %dma_start3A_242] : memref<32x80x128xi32, #tpu.memory_space<hbm>> -> memref<1x1x128xi32, #tpu.memory_space<hbm>>
      %dma_start3A_244 = tpu.memref_squeeze %dma_start3A_243 : memref<1x1x128xi32, #tpu.memory_space<hbm>> -> memref<128xi32, #tpu.memory_space<hbm>>
      tpu.enqueue_dma source(%dma_start3A_244 : memref<128xi32, #tpu.memory_space<hbm>>) target(%dma_start3A_241 : memref<128xi32, #tpu.memory_space<vmem>>) target_semaphore(%arg13 : memref<!tpu.dma_semaphore, #tpu.memory_space<semaphore_mem>>)
      %dma_wait3A_245 = arith.constant 0 : i32
      %dma_wait3A_246 = arith.constant 0 : i32
      %dma_wait3A_247 = tpu.memref_slice %arg8[%dma_wait3A_245, %dma_wait3A_246] : memref<2x128xi32, #tpu.memory_space<vmem>> -> memref<1x128xi32, #tpu.memory_space<vmem>>
      %dma_wait3A_248 = tpu.memref_squeeze %dma_wait3A_247 : memref<1x128xi32, #tpu.memory_space<vmem>> -> memref<128xi32, #tpu.memory_space<vmem>>
      %dma_wait3A_249 = arith.constant 0 : i32
      %dma_wait3A_250 = tpu.memref_slice %arg4[%add3A, %mul3A_190, %dma_wait3A_249] : memref<32x80x128xi32, #tpu.memory_space<hbm>> -> memref<1x1x128xi32, #tpu.memory_space<hbm>>
      %dma_wait3A_251 = tpu.memref_squeeze %dma_wait3A_250 : memref<1x1x128xi32, #tpu.memory_space<hbm>> -> memref<128xi32, #tpu.memory_space<hbm>>
      %dma_wait3A_252 = arith.constant 0 : i32
      %dma_wait3A_253 = tpu.memref_slice %arg8[%dma_wait3A_245, %dma_wait3A_252] : memref<2x128xi32, #tpu.memory_space<vmem>> -> memref<1x128xi32, #tpu.memory_space<vmem>>
      %dma_wait3A_254 = tpu.memref_squeeze %dma_wait3A_253 : memref<1x128xi32, #tpu.memory_space<vmem>> -> memref<128xi32, #tpu.memory_space<vmem>>
      %dma_wait3A_255 = arith.constant 0 : i32
      %dma_wait3A_256 = tpu.memref_slice %arg4[%add3A, %mul3A_190, %dma_wait3A_255] : memref<32x80x128xi32, #tpu.memory_space<hbm>> -> memref<1x1x128xi32, #tpu.memory_space<hbm>>
      %dma_wait3A_257 = tpu.memref_squeeze %dma_wait3A_256 : memref<1x1x128xi32, #tpu.memory_space<hbm>> -> memref<128xi32, #tpu.memory_space<hbm>>
      tpu.wait_dma2 semaphore(%arg15 : memref<!tpu.dma_semaphore, #tpu.memory_space<semaphore_mem>>) src(%dma_wait3A_257 : memref<128xi32, #tpu.memory_space<hbm>>) dst(%dma_wait3A_254 : memref<128xi32, #tpu.memory_space<vmem>>)
      %run_scoped3A_258 = arith.constant 0 : i32
      %run_scoped3A_259 = arith.constant 0 : i32
      "tpu.region"() ({
        %run_scoped3A_362 = tpu.sem_alloc : memref<!tpu.dma_semaphore, #tpu.memory_space<semaphore_mem>>
        %dma_start3A_363 = arith.constant 0 : i32
        %dma_start3A_364 = arith.constant 0 : i32
        %dma_start3A_365 = tpu.memref_slice %arg9[%run_scoped3A_258, %dma_start3A_363, %dma_start3A_364] : memref<2x128x128xf32, #tpu.memory_space<vmem>> -> memref<1x128x128xf32, #tpu.memory_space<vmem>>
        %dma_start3A_366 = tpu.memref_squeeze %dma_start3A_365 : memref<1x128x128xf32, #tpu.memory_space<vmem>> -> memref<128x128xf32, #tpu.memory_space<vmem>>
        %dma_start3A_367 = arith.constant 0 : i32
        %dma_start3A_368 = tpu.memref_slice %arg8[%run_scoped3A_259, %dma_start3A_367] : memref<2x128xi32, #tpu.memory_space<vmem>> -> memref<1x128xi32, #tpu.memory_space<vmem>>
        %dma_start3A_369 = tpu.memref_squeeze %dma_start3A_368 : memref<1x128xi32, #tpu.memory_space<vmem>> -> memref<128xi32, #tpu.memory_space<vmem>>
        %dma_start3A_370 = arith.constant 0 : i32
        %dma_start3A_371 = arith.constant 0 : i32
        %dma_start3A_372 = tpu.memref_slice %arg10[%dma_start3A_370, %dma_start3A_371] : memref<10112x128xf32, #tpu.memory_space<vmem_shared>> -> memref<10112x128xf32, #tpu.memory_space<vmem_shared>>
        tpu.enqueue_indirect_dma source(%dma_start3A_366 : memref<128x128xf32, #tpu.memory_space<vmem>>) target(%dma_start3A_372 : memref<10112x128xf32, #tpu.memory_space<vmem_shared>>) offsets(%dma_start3A_369 : memref<128xi32, #tpu.memory_space<vmem>>) semaphore(%run_scoped3A_362 : memref<!tpu.dma_semaphore, #tpu.memory_space<semaphore_mem>>) {add = true}
        %dma_wait3A_373 = arith.constant 0 : i32
        %dma_wait3A_374 = arith.constant 0 : i32
        %dma_wait3A_375 = tpu.memref_slice %arg9[%run_scoped3A_258, %dma_wait3A_373, %dma_wait3A_374] : memref<2x128x128xf32, #tpu.memory_space<vmem>> -> memref<1x128x128xf32, #tpu.memory_space<vmem>>
        %dma_wait3A_376 = tpu.memref_squeeze %dma_wait3A_375 : memref<1x128x128xf32, #tpu.memory_space<vmem>> -> memref<128x128xf32, #tpu.memory_space<vmem>>
        %dma_wait3A_377 = arith.constant 0 : i32
        %dma_wait3A_378 = tpu.memref_slice %arg8[%run_scoped3A_259, %dma_wait3A_377] : memref<2x128xi32, #tpu.memory_space<vmem>> -> memref<1x128xi32, #tpu.memory_space<vmem>>
        %dma_wait3A_379 = tpu.memref_squeeze %dma_wait3A_378 : memref<1x128xi32, #tpu.memory_space<vmem>> -> memref<128xi32, #tpu.memory_space<vmem>>
        %dma_wait3A_380 = arith.constant 0 : i32
        %dma_wait3A_381 = arith.constant 0 : i32
        %dma_wait3A_382 = tpu.memref_slice %arg10[%dma_wait3A_380, %dma_wait3A_381] : memref<10112x128xf32, #tpu.memory_space<vmem_shared>> -> memref<10112x128xf32, #tpu.memory_space<vmem_shared>>
        tpu.wait_indirect_dma semaphore(%run_scoped3A_362 : memref<!tpu.dma_semaphore, #tpu.memory_space<semaphore_mem>>) src(%dma_wait3A_376 : memref<128x128xf32, #tpu.memory_space<vmem>>) dst(%dma_wait3A_382 : memref<10112x128xf32, #tpu.memory_space<vmem_shared>>)
        tpu.yield
      }) : () -> ()
      %add3A_260 = arith.constant 2 : i32
      %add3A_261 = arith.addi %mul3A_190, %add3A_260 : i32
      %dma_start3A_262 = arith.constant 0 : i32
      %dma_start3A_263 = arith.constant 0 : i32
      %dma_start3A_264 = tpu.memref_slice %arg8[%dma_start3A_262, %dma_start3A_263] : memref<2x128xi32, #tpu.memory_space<vmem>> -> memref<1x128xi32, #tpu.memory_space<vmem>>
      %dma_start3A_265 = tpu.memref_squeeze %dma_start3A_264 : memref<1x128xi32, #tpu.memory_space<vmem>> -> memref<128xi32, #tpu.memory_space<vmem>>
      %dma_start3A_266 = arith.constant 0 : i32
      %dma_start3A_267 = tpu.memref_slice %arg4[%add3A, %add3A_261, %dma_start3A_266] : memref<32x80x128xi32, #tpu.memory_space<hbm>> -> memref<1x1x128xi32, #tpu.memory_space<hbm>>
      %dma_start3A_268 = tpu.memref_squeeze %dma_start3A_267 : memref<1x1x128xi32, #tpu.memory_space<hbm>> -> memref<128xi32, #tpu.memory_space<hbm>>
      %dma_start3A_269 = arith.constant 0 : i32
      %dma_start3A_270 = tpu.memref_slice %arg8[%dma_start3A_262, %dma_start3A_269] : memref<2x128xi32, #tpu.memory_space<vmem>> -> memref<1x128xi32, #tpu.memory_space<vmem>>
      %dma_start3A_271 = tpu.memref_squeeze %dma_start3A_270 : memref<1x128xi32, #tpu.memory_space<vmem>> -> memref<128xi32, #tpu.memory_space<vmem>>
      %dma_start3A_272 = arith.constant 0 : i32
      %dma_start3A_273 = tpu.memref_slice %arg4[%add3A, %add3A_261, %dma_start3A_272] : memref<32x80x128xi32, #tpu.memory_space<hbm>> -> memref<1x1x128xi32, #tpu.memory_space<hbm>>
      %dma_start3A_274 = tpu.memref_squeeze %dma_start3A_273 : memref<1x1x128xi32, #tpu.memory_space<hbm>> -> memref<128xi32, #tpu.memory_space<hbm>>
      tpu.enqueue_dma source(%dma_start3A_274 : memref<128xi32, #tpu.memory_space<hbm>>) target(%dma_start3A_271 : memref<128xi32, #tpu.memory_space<vmem>>) target_semaphore(%arg15 : memref<!tpu.dma_semaphore, #tpu.memory_space<semaphore_mem>>)
      %add3A_275 = arith.constant 1 : i32
      %add3A_276 = arith.addi %mul3A_190, %add3A_275 : i32
      %add3A_277 = arith.constant 1 : i32
      %add3A_278 = arith.addi %add3A_276, %add3A_277 : i32
      %dma_wait3A_279 = arith.constant 0 : i32
      %dma_wait3A_280 = arith.constant 0 : i32
      %dma_wait3A_281 = tpu.memref_slice %arg7[%dma_wait3A_279, %dma_wait3A_280] : memref<2x128xi32, #tpu.memory_space<vmem>> -> memref<1x128xi32, #tpu.memory_space<vmem>>
      %dma_wait3A_282 = tpu.memref_squeeze %dma_wait3A_281 : memref<1x128xi32, #tpu.memory_space<vmem>> -> memref<128xi32, #tpu.memory_space<vmem>>
      %dma_wait3A_283 = arith.constant 0 : i32
      %dma_wait3A_284 = tpu.memref_slice %arg3[%add3A, %add3A_278, %dma_wait3A_283] : memref<32x80x128xi32, #tpu.memory_space<hbm>> -> memref<1x1x128xi32, #tpu.memory_space<hbm>>
      %dma_wait3A_285 = tpu.memref_squeeze %dma_wait3A_284 : memref<1x1x128xi32, #tpu.memory_space<hbm>> -> memref<128xi32, #tpu.memory_space<hbm>>
      %dma_wait3A_286 = arith.constant 0 : i32
      %dma_wait3A_287 = tpu.memref_slice %arg7[%dma_wait3A_279, %dma_wait3A_286] : memref<2x128xi32, #tpu.memory_space<vmem>> -> memref<1x128xi32, #tpu.memory_space<vmem>>
      %dma_wait3A_288 = tpu.memref_squeeze %dma_wait3A_287 : memref<1x128xi32, #tpu.memory_space<vmem>> -> memref<128xi32, #tpu.memory_space<vmem>>
      %dma_wait3A_289 = arith.constant 0 : i32
      %dma_wait3A_290 = tpu.memref_slice %arg3[%add3A, %add3A_278, %dma_wait3A_289] : memref<32x80x128xi32, #tpu.memory_space<hbm>> -> memref<1x1x128xi32, #tpu.memory_space<hbm>>
      %dma_wait3A_291 = tpu.memref_squeeze %dma_wait3A_290 : memref<1x1x128xi32, #tpu.memory_space<hbm>> -> memref<128xi32, #tpu.memory_space<hbm>>
      tpu.wait_dma2 semaphore(%arg13 : memref<!tpu.dma_semaphore, #tpu.memory_space<semaphore_mem>>) src(%dma_wait3A_291 : memref<128xi32, #tpu.memory_space<hbm>>) dst(%dma_wait3A_288 : memref<128xi32, #tpu.memory_space<vmem>>)
      %dma_wait3A_292 = arith.constant 1 : i32
      %dma_wait3A_293 = arith.constant 1 : i32
      %dma_wait3A_294 = arith.constant 0 : i32
      %dma_wait3A_295 = arith.constant 0 : i32
      %dma_wait3A_296 = tpu.memref_slice %arg9[%dma_wait3A_293, %dma_wait3A_294, %dma_wait3A_295] : memref<2x128x128xf32, #tpu.memory_space<vmem>> -> memref<1x128x128xf32, #tpu.memory_space<vmem>>
      %dma_wait3A_297 = tpu.memref_squeeze %dma_wait3A_296 : memref<1x128x128xf32, #tpu.memory_space<vmem>> -> memref<128x128xf32, #tpu.memory_space<vmem>>
      %dma_wait3A_298 = arith.constant 0 : i32
      %dma_wait3A_299 = tpu.memref_slice %arg7[%dma_wait3A_292, %dma_wait3A_298] : memref<2x128xi32, #tpu.memory_space<vmem>> -> memref<1x128xi32, #tpu.memory_space<vmem>>
      %dma_wait3A_300 = tpu.memref_squeeze %dma_wait3A_299 : memref<1x128xi32, #tpu.memory_space<vmem>> -> memref<128xi32, #tpu.memory_space<vmem>>
      %dma_wait3A_301 = arith.constant 0 : i32
      %dma_wait3A_302 = arith.constant 0 : i32
      %dma_wait3A_303 = tpu.memref_slice %arg2[%dma_wait3A_301, %dma_wait3A_302] : memref<10112x128xf32, #tpu.memory_space<hbm>> -> memref<10112x128xf32, #tpu.memory_space<hbm>>
      tpu.wait_indirect_dma semaphore(%arg12 : memref<!tpu.dma_semaphore, #tpu.memory_space<semaphore_mem>>) src(%dma_wait3A_303 : memref<10112x128xf32, #tpu.memory_space<hbm>>) dst(%dma_wait3A_297 : memref<128x128xf32, #tpu.memory_space<vmem>>)
      %dma_start3A_304 = arith.constant 0 : i32
      %dma_start3A_305 = arith.constant 0 : i32
      %dma_start3A_306 = arith.constant 0 : i32
      %dma_start3A_307 = arith.constant 0 : i32
      %dma_start3A_308 = tpu.memref_slice %arg9[%dma_start3A_305, %dma_start3A_306, %dma_start3A_307] : memref<2x128x128xf32, #tpu.memory_space<vmem>> -> memref<1x128x128xf32, #tpu.memory_space<vmem>>
      %dma_start3A_309 = tpu.memref_squeeze %dma_start3A_308 : memref<1x128x128xf32, #tpu.memory_space<vmem>> -> memref<128x128xf32, #tpu.memory_space<vmem>>
      %dma_start3A_310 = arith.constant 0 : i32
      %dma_start3A_311 = tpu.memref_slice %arg7[%dma_start3A_304, %dma_start3A_310] : memref<2x128xi32, #tpu.memory_space<vmem>> -> memref<1x128xi32, #tpu.memory_space<vmem>>
      %dma_start3A_312 = tpu.memref_squeeze %dma_start3A_311 : memref<1x128xi32, #tpu.memory_space<vmem>> -> memref<128xi32, #tpu.memory_space<vmem>>
      %dma_start3A_313 = arith.constant 0 : i32
      %dma_start3A_314 = arith.constant 0 : i32
      %dma_start3A_315 = tpu.memref_slice %arg2[%dma_start3A_313, %dma_start3A_314] : memref<10112x128xf32, #tpu.memory_space<hbm>> -> memref<10112x128xf32, #tpu.memory_space<hbm>>
      tpu.enqueue_indirect_dma source(%dma_start3A_315 : memref<10112x128xf32, #tpu.memory_space<hbm>>) target(%dma_start3A_309 : memref<128x128xf32, #tpu.memory_space<vmem>>) offsets(%dma_start3A_312 : memref<128xi32, #tpu.memory_space<vmem>>) semaphore(%arg11 : memref<!tpu.dma_semaphore, #tpu.memory_space<semaphore_mem>>)
      %add3A_316 = arith.constant 2 : i32
      %add3A_317 = arith.addi %add3A_276, %add3A_316 : i32
      %dma_start3A_318 = arith.constant 1 : i32
      %dma_start3A_319 = arith.constant 0 : i32
      %dma_start3A_320 = tpu.memref_slice %arg7[%dma_start3A_318, %dma_start3A_319] : memref<2x128xi32, #tpu.memory_space<vmem>> -> memref<1x128xi32, #tpu.memory_space<vmem>>
      %dma_start3A_321 = tpu.memref_squeeze %dma_start3A_320 : memref<1x128xi32, #tpu.memory_space<vmem>> -> memref<128xi32, #tpu.memory_space<vmem>>
      %dma_start3A_322 = arith.constant 0 : i32
      %dma_start3A_323 = tpu.memref_slice %arg3[%add3A, %add3A_317, %dma_start3A_322] : memref<32x80x128xi32, #tpu.memory_space<hbm>> -> memref<1x1x128xi32, #tpu.memory_space<hbm>>
      %dma_start3A_324 = tpu.memref_squeeze %dma_start3A_323 : memref<1x1x128xi32, #tpu.memory_space<hbm>> -> memref<128xi32, #tpu.memory_space<hbm>>
      %dma_start3A_325 = arith.constant 0 : i32
      %dma_start3A_326 = tpu.memref_slice %arg7[%dma_start3A_318, %dma_start3A_325] : memref<2x128xi32, #tpu.memory_space<vmem>> -> memref<1x128xi32, #tpu.memory_space<vmem>>
      %dma_start3A_327 = tpu.memref_squeeze %dma_start3A_326 : memref<1x128xi32, #tpu.memory_space<vmem>> -> memref<128xi32, #tpu.memory_space<vmem>>
      %dma_start3A_328 = arith.constant 0 : i32
      %dma_start3A_329 = tpu.memref_slice %arg3[%add3A, %add3A_317, %dma_start3A_328] : memref<32x80x128xi32, #tpu.memory_space<hbm>> -> memref<1x1x128xi32, #tpu.memory_space<hbm>>
      %dma_start3A_330 = tpu.memref_squeeze %dma_start3A_329 : memref<1x1x128xi32, #tpu.memory_space<hbm>> -> memref<128xi32, #tpu.memory_space<hbm>>
      tpu.enqueue_dma source(%dma_start3A_330 : memref<128xi32, #tpu.memory_space<hbm>>) target(%dma_start3A_327 : memref<128xi32, #tpu.memory_space<vmem>>) target_semaphore(%arg14 : memref<!tpu.dma_semaphore, #tpu.memory_space<semaphore_mem>>)
      %dma_wait3A_331 = arith.constant 1 : i32
      %dma_wait3A_332 = arith.constant 0 : i32
      %dma_wait3A_333 = tpu.memref_slice %arg8[%dma_wait3A_331, %dma_wait3A_332] : memref<2x128xi32, #tpu.memory_space<vmem>> -> memref<1x128xi32, #tpu.memory_space<vmem>>
      %dma_wait3A_334 = tpu.memref_squeeze %dma_wait3A_333 : memref<1x128xi32, #tpu.memory_space<vmem>> -> memref<128xi32, #tpu.memory_space<vmem>>
      %dma_wait3A_335 = arith.constant 0 : i32
      %dma_wait3A_336 = tpu.memref_slice %arg4[%add3A, %add3A_276, %dma_wait3A_335] : memref<32x80x128xi32, #tpu.memory_space<hbm>> -> memref<1x1x128xi32, #tpu.memory_space<hbm>>
      %dma_wait3A_337 = tpu.memref_squeeze %dma_wait3A_336 : memref<1x1x128xi32, #tpu.memory_space<hbm>> -> memref<128xi32, #tpu.memory_space<hbm>>
      %dma_wait3A_338 = arith.constant 0 : i32
      %dma_wait3A_339 = tpu.memref_slice %arg8[%dma_wait3A_331, %dma_wait3A_338] : memref<2x128xi32, #tpu.memory_space<vmem>> -> memref<1x128xi32, #tpu.memory_space<vmem>>
      %dma_wait3A_340 = tpu.memref_squeeze %dma_wait3A_339 : memref<1x128xi32, #tpu.memory_space<vmem>> -> memref<128xi32, #tpu.memory_space<vmem>>
      %dma_wait3A_341 = arith.constant 0 : i32
      %dma_wait3A_342 = tpu.memref_slice %arg4[%add3A, %add3A_276, %dma_wait3A_341] : memref<32x80x128xi32, #tpu.memory_space<hbm>> -> memref<1x1x128xi32, #tpu.memory_space<hbm>>
      %dma_wait3A_343 = tpu.memref_squeeze %dma_wait3A_342 : memref<1x1x128xi32, #tpu.memory_space<hbm>> -> memref<128xi32, #tpu.memory_space<hbm>>
      tpu.wait_dma2 semaphore(%arg16 : memref<!tpu.dma_semaphore, #tpu.memory_space<semaphore_mem>>) src(%dma_wait3A_343 : memref<128xi32, #tpu.memory_space<hbm>>) dst(%dma_wait3A_340 : memref<128xi32, #tpu.memory_space<vmem>>)
      %run_scoped3A_344 = arith.constant 1 : i32
      %run_scoped3A_345 = arith.constant 1 : i32
      "tpu.region"() ({
        %run_scoped3A_362 = tpu.sem_alloc : memref<!tpu.dma_semaphore, #tpu.memory_space<semaphore_mem>>
        %dma_start3A_363 = arith.constant 0 : i32
        %dma_start3A_364 = arith.constant 0 : i32
        %dma_start3A_365 = tpu.memref_slice %arg9[%run_scoped3A_344, %dma_start3A_363, %dma_start3A_364] : memref<2x128x128xf32, #tpu.memory_space<vmem>> -> memref<1x128x128xf32, #tpu.memory_space<vmem>>
        %dma_start3A_366 = tpu.memref_squeeze %dma_start3A_365 : memref<1x128x128xf32, #tpu.memory_space<vmem>> -> memref<128x128xf32, #tpu.memory_space<vmem>>
        %dma_start3A_367 = arith.constant 0 : i32
        %dma_start3A_368 = tpu.memref_slice %arg8[%run_scoped3A_345, %dma_start3A_367] : memref<2x128xi32, #tpu.memory_space<vmem>> -> memref<1x128xi32, #tpu.memory_space<vmem>>
        %dma_start3A_369 = tpu.memref_squeeze %dma_start3A_368 : memref<1x128xi32, #tpu.memory_space<vmem>> -> memref<128xi32, #tpu.memory_space<vmem>>
        %dma_start3A_370 = arith.constant 0 : i32
        %dma_start3A_371 = arith.constant 0 : i32
        %dma_start3A_372 = tpu.memref_slice %arg10[%dma_start3A_370, %dma_start3A_371] : memref<10112x128xf32, #tpu.memory_space<vmem_shared>> -> memref<10112x128xf32, #tpu.memory_space<vmem_shared>>
        tpu.enqueue_indirect_dma source(%dma_start3A_366 : memref<128x128xf32, #tpu.memory_space<vmem>>) target(%dma_start3A_372 : memref<10112x128xf32, #tpu.memory_space<vmem_shared>>) offsets(%dma_start3A_369 : memref<128xi32, #tpu.memory_space<vmem>>) semaphore(%run_scoped3A_362 : memref<!tpu.dma_semaphore, #tpu.memory_space<semaphore_mem>>) {add = true}
        %dma_wait3A_373 = arith.constant 0 : i32
        %dma_wait3A_374 = arith.constant 0 : i32
        %dma_wait3A_375 = tpu.memref_slice %arg9[%run_scoped3A_344, %dma_wait3A_373, %dma_wait3A_374] : memref<2x128x128xf32, #tpu.memory_space<vmem>> -> memref<1x128x128xf32, #tpu.memory_space<vmem>>
        %dma_wait3A_376 = tpu.memref_squeeze %dma_wait3A_375 : memref<1x128x128xf32, #tpu.memory_space<vmem>> -> memref<128x128xf32, #tpu.memory_space<vmem>>
        %dma_wait3A_377 = arith.constant 0 : i32
        %dma_wait3A_378 = tpu.memref_slice %arg8[%run_scoped3A_345, %dma_wait3A_377] : memref<2x128xi32, #tpu.memory_space<vmem>> -> memref<1x128xi32, #tpu.memory_space<vmem>>
        %dma_wait3A_379 = tpu.memref_squeeze %dma_wait3A_378 : memref<1x128xi32, #tpu.memory_space<vmem>> -> memref<128xi32, #tpu.memory_space<vmem>>
        %dma_wait3A_380 = arith.constant 0 : i32
        %dma_wait3A_381 = arith.constant 0 : i32
        %dma_wait3A_382 = tpu.memref_slice %arg10[%dma_wait3A_380, %dma_wait3A_381] : memref<10112x128xf32, #tpu.memory_space<vmem_shared>> -> memref<10112x128xf32, #tpu.memory_space<vmem_shared>>
        tpu.wait_indirect_dma semaphore(%run_scoped3A_362 : memref<!tpu.dma_semaphore, #tpu.memory_space<semaphore_mem>>) src(%dma_wait3A_376 : memref<128x128xf32, #tpu.memory_space<vmem>>) dst(%dma_wait3A_382 : memref<10112x128xf32, #tpu.memory_space<vmem_shared>>)
        tpu.yield
      }) : () -> ()
      %add3A_346 = arith.constant 2 : i32
      %add3A_347 = arith.addi %add3A_276, %add3A_346 : i32
      %dma_start3A_348 = arith.constant 1 : i32
      %dma_start3A_349 = arith.constant 0 : i32
      %dma_start3A_350 = tpu.memref_slice %arg8[%dma_start3A_348, %dma_start3A_349] : memref<2x128xi32, #tpu.memory_space<vmem>> -> memref<1x128xi32, #tpu.memory_space<vmem>>
      %dma_start3A_351 = tpu.memref_squeeze %dma_start3A_350 : memref<1x128xi32, #tpu.memory_space<vmem>> -> memref<128xi32, #tpu.memory_space<vmem>>
      %dma_start3A_352 = arith.constant 0 : i32
      %dma_start3A_353 = tpu.memref_slice %arg4[%add3A, %add3A_347, %dma_start3A_352] : memref<32x80x128xi32, #tpu.memory_space<hbm>> -> memref<1x1x128xi32, #tpu.memory_space<hbm>>
      %dma_start3A_354 = tpu.memref_squeeze %dma_start3A_353 : memref<1x1x128xi32, #tpu.memory_space<hbm>> -> memref<128xi32, #tpu.memory_space<hbm>>
      %dma_start3A_355 = arith.constant 0 : i32
      %dma_start3A_356 = tpu.memref_slice %arg8[%dma_start3A_348, %dma_start3A_355] : memref<2x128xi32, #tpu.memory_space<vmem>> -> memref<1x128xi32, #tpu.memory_space<vmem>>
      %dma_start3A_357 = tpu.memref_squeeze %dma_start3A_356 : memref<1x128xi32, #tpu.memory_space<vmem>> -> memref<128xi32, #tpu.memory_space<vmem>>
      %dma_start3A_358 = arith.constant 0 : i32
      %dma_start3A_359 = tpu.memref_slice %arg4[%add3A, %add3A_347, %dma_start3A_358] : memref<32x80x128xi32, #tpu.memory_space<hbm>> -> memref<1x1x128xi32, #tpu.memory_space<hbm>>
      %dma_start3A_360 = tpu.memref_squeeze %dma_start3A_359 : memref<1x1x128xi32, #tpu.memory_space<hbm>> -> memref<128xi32, #tpu.memory_space<hbm>>
      tpu.enqueue_dma source(%dma_start3A_360 : memref<128xi32, #tpu.memory_space<hbm>>) target(%dma_start3A_357 : memref<128xi32, #tpu.memory_space<vmem>>) target_semaphore(%arg16 : memref<!tpu.dma_semaphore, #tpu.memory_space<semaphore_mem>>)
      %scan3A_361 = arith.constant 0 : i32
      scf.yield %scan3A_361 : i32
    }
    %scan3A_103 = arith.constant 39 : i32
    %dma_wait3A_104 = arith.constant 79 : i32
    %dma_wait3A_105 = arith.constant 1 : i32
    %dma_wait3A_106 = arith.constant 0 : i32
    %dma_wait3A_107 = tpu.memref_slice %arg7[%dma_wait3A_105, %dma_wait3A_106] : memref<2x128xi32, #tpu.memory_space<vmem>> -> memref<1x128xi32, #tpu.memory_space<vmem>>
    %dma_wait3A_108 = tpu.memref_squeeze %dma_wait3A_107 : memref<1x128xi32, #tpu.memory_space<vmem>> -> memref<128xi32, #tpu.memory_space<vmem>>
    %dma_wait3A_109 = arith.constant 0 : i32
    %dma_wait3A_110 = tpu.memref_slice %arg3[%add3A, %dma_wait3A_104, %dma_wait3A_109] : memref<32x80x128xi32, #tpu.memory_space<hbm>> -> memref<1x1x128xi32, #tpu.memory_space<hbm>>
    %dma_wait3A_111 = tpu.memref_squeeze %dma_wait3A_110 : memref<1x1x128xi32, #tpu.memory_space<hbm>> -> memref<128xi32, #tpu.memory_space<hbm>>
    %dma_wait3A_112 = arith.constant 0 : i32
    %dma_wait3A_113 = tpu.memref_slice %arg7[%dma_wait3A_105, %dma_wait3A_112] : memref<2x128xi32, #tpu.memory_space<vmem>> -> memref<1x128xi32, #tpu.memory_space<vmem>>
    %dma_wait3A_114 = tpu.memref_squeeze %dma_wait3A_113 : memref<1x128xi32, #tpu.memory_space<vmem>> -> memref<128xi32, #tpu.memory_space<vmem>>
    %dma_wait3A_115 = arith.constant 0 : i32
    %dma_wait3A_116 = tpu.memref_slice %arg3[%add3A, %dma_wait3A_104, %dma_wait3A_115] : memref<32x80x128xi32, #tpu.memory_space<hbm>> -> memref<1x1x128xi32, #tpu.memory_space<hbm>>
    %dma_wait3A_117 = tpu.memref_squeeze %dma_wait3A_116 : memref<1x1x128xi32, #tpu.memory_space<hbm>> -> memref<128xi32, #tpu.memory_space<hbm>>
    tpu.wait_dma2 semaphore(%arg14 : memref<!tpu.dma_semaphore, #tpu.memory_space<semaphore_mem>>) src(%dma_wait3A_117 : memref<128xi32, #tpu.memory_space<hbm>>) dst(%dma_wait3A_114 : memref<128xi32, #tpu.memory_space<vmem>>)
    %dma_wait3A_118 = arith.constant 0 : i32
    %dma_wait3A_119 = arith.constant 0 : i32
    %dma_wait3A_120 = arith.constant 0 : i32
    %dma_wait3A_121 = arith.constant 0 : i32
    %dma_wait3A_122 = tpu.memref_slice %arg9[%dma_wait3A_119, %dma_wait3A_120, %dma_wait3A_121] : memref<2x128x128xf32, #tpu.memory_space<vmem>> -> memref<1x128x128xf32, #tpu.memory_space<vmem>>
    %dma_wait3A_123 = tpu.memref_squeeze %dma_wait3A_122 : memref<1x128x128xf32, #tpu.memory_space<vmem>> -> memref<128x128xf32, #tpu.memory_space<vmem>>
    %dma_wait3A_124 = arith.constant 0 : i32
    %dma_wait3A_125 = tpu.memref_slice %arg7[%dma_wait3A_118, %dma_wait3A_124] : memref<2x128xi32, #tpu.memory_space<vmem>> -> memref<1x128xi32, #tpu.memory_space<vmem>>
    %dma_wait3A_126 = tpu.memref_squeeze %dma_wait3A_125 : memref<1x128xi32, #tpu.memory_space<vmem>> -> memref<128xi32, #tpu.memory_space<vmem>>
    %dma_wait3A_127 = arith.constant 0 : i32
    %dma_wait3A_128 = arith.constant 0 : i32
    %dma_wait3A_129 = tpu.memref_slice %arg2[%dma_wait3A_127, %dma_wait3A_128] : memref<10112x128xf32, #tpu.memory_space<hbm>> -> memref<10112x128xf32, #tpu.memory_space<hbm>>
    tpu.wait_indirect_dma semaphore(%arg11 : memref<!tpu.dma_semaphore, #tpu.memory_space<semaphore_mem>>) src(%dma_wait3A_129 : memref<10112x128xf32, #tpu.memory_space<hbm>>) dst(%dma_wait3A_123 : memref<128x128xf32, #tpu.memory_space<vmem>>)
    %dma_start3A_130 = arith.constant 1 : i32
    %dma_start3A_131 = arith.constant 1 : i32
    %dma_start3A_132 = arith.constant 0 : i32
    %dma_start3A_133 = arith.constant 0 : i32
    %dma_start3A_134 = tpu.memref_slice %arg9[%dma_start3A_131, %dma_start3A_132, %dma_start3A_133] : memref<2x128x128xf32, #tpu.memory_space<vmem>> -> memref<1x128x128xf32, #tpu.memory_space<vmem>>
    %dma_start3A_135 = tpu.memref_squeeze %dma_start3A_134 : memref<1x128x128xf32, #tpu.memory_space<vmem>> -> memref<128x128xf32, #tpu.memory_space<vmem>>
    %dma_start3A_136 = arith.constant 0 : i32
    %dma_start3A_137 = tpu.memref_slice %arg7[%dma_start3A_130, %dma_start3A_136] : memref<2x128xi32, #tpu.memory_space<vmem>> -> memref<1x128xi32, #tpu.memory_space<vmem>>
    %dma_start3A_138 = tpu.memref_squeeze %dma_start3A_137 : memref<1x128xi32, #tpu.memory_space<vmem>> -> memref<128xi32, #tpu.memory_space<vmem>>
    %dma_start3A_139 = arith.constant 0 : i32
    %dma_start3A_140 = arith.constant 0 : i32
    %dma_start3A_141 = tpu.memref_slice %arg2[%dma_start3A_139, %dma_start3A_140] : memref<10112x128xf32, #tpu.memory_space<hbm>> -> memref<10112x128xf32, #tpu.memory_space<hbm>>
    tpu.enqueue_indirect_dma source(%dma_start3A_141 : memref<10112x128xf32, #tpu.memory_space<hbm>>) target(%dma_start3A_135 : memref<128x128xf32, #tpu.memory_space<vmem>>) offsets(%dma_start3A_138 : memref<128xi32, #tpu.memory_space<vmem>>) semaphore(%arg12 : memref<!tpu.dma_semaphore, #tpu.memory_space<semaphore_mem>>)
    %dma_wait3A_142 = arith.constant 78 : i32
    %dma_wait3A_143 = arith.constant 0 : i32
    %dma_wait3A_144 = arith.constant 0 : i32
    %dma_wait3A_145 = tpu.memref_slice %arg8[%dma_wait3A_143, %dma_wait3A_144] : memref<2x128xi32, #tpu.memory_space<vmem>> -> memref<1x128xi32, #tpu.memory_space<vmem>>
    %dma_wait3A_146 = tpu.memref_squeeze %dma_wait3A_145 : memref<1x128xi32, #tpu.memory_space<vmem>> -> memref<128xi32, #tpu.memory_space<vmem>>
    %dma_wait3A_147 = arith.constant 0 : i32
    %dma_wait3A_148 = tpu.memref_slice %arg4[%add3A, %dma_wait3A_142, %dma_wait3A_147] : memref<32x80x128xi32, #tpu.memory_space<hbm>> -> memref<1x1x128xi32, #tpu.memory_space<hbm>>
    %dma_wait3A_149 = tpu.memref_squeeze %dma_wait3A_148 : memref<1x1x128xi32, #tpu.memory_space<hbm>> -> memref<128xi32, #tpu.memory_space<hbm>>
    %dma_wait3A_150 = arith.constant 0 : i32
    %dma_wait3A_151 = tpu.memref_slice %arg8[%dma_wait3A_143, %dma_wait3A_150] : memref<2x128xi32, #tpu.memory_space<vmem>> -> memref<1x128xi32, #tpu.memory_space<vmem>>
    %dma_wait3A_152 = tpu.memref_squeeze %dma_wait3A_151 : memref<1x128xi32, #tpu.memory_space<vmem>> -> memref<128xi32, #tpu.memory_space<vmem>>
    %dma_wait3A_153 = arith.constant 0 : i32
    %dma_wait3A_154 = tpu.memref_slice %arg4[%add3A, %dma_wait3A_142, %dma_wait3A_153] : memref<32x80x128xi32, #tpu.memory_space<hbm>> -> memref<1x1x128xi32, #tpu.memory_space<hbm>>
    %dma_wait3A_155 = tpu.memref_squeeze %dma_wait3A_154 : memref<1x1x128xi32, #tpu.memory_space<hbm>> -> memref<128xi32, #tpu.memory_space<hbm>>
    tpu.wait_dma2 semaphore(%arg15 : memref<!tpu.dma_semaphore, #tpu.memory_space<semaphore_mem>>) src(%dma_wait3A_155 : memref<128xi32, #tpu.memory_space<hbm>>) dst(%dma_wait3A_152 : memref<128xi32, #tpu.memory_space<vmem>>)
    %run_scoped3A_156 = arith.constant 0 : i32
    %run_scoped3A_157 = arith.constant 0 : i32
    "tpu.region"() ({
      %run_scoped3A_187 = tpu.sem_alloc : memref<!tpu.dma_semaphore, #tpu.memory_space<semaphore_mem>>
      %dma_start3A_188 = arith.constant 0 : i32
      %dma_start3A_189 = arith.constant 0 : i32
      %dma_start3A_190 = tpu.memref_slice %arg9[%run_scoped3A_156, %dma_start3A_188, %dma_start3A_189] : memref<2x128x128xf32, #tpu.memory_space<vmem>> -> memref<1x128x128xf32, #tpu.memory_space<vmem>>
      %dma_start3A_191 = tpu.memref_squeeze %dma_start3A_190 : memref<1x128x128xf32, #tpu.memory_space<vmem>> -> memref<128x128xf32, #tpu.memory_space<vmem>>
      %dma_start3A_192 = arith.constant 0 : i32
      %dma_start3A_193 = tpu.memref_slice %arg8[%run_scoped3A_157, %dma_start3A_192] : memref<2x128xi32, #tpu.memory_space<vmem>> -> memref<1x128xi32, #tpu.memory_space<vmem>>
      %dma_start3A_194 = tpu.memref_squeeze %dma_start3A_193 : memref<1x128xi32, #tpu.memory_space<vmem>> -> memref<128xi32, #tpu.memory_space<vmem>>
      %dma_start3A_195 = arith.constant 0 : i32
      %dma_start3A_196 = arith.constant 0 : i32
      %dma_start3A_197 = tpu.memref_slice %arg10[%dma_start3A_195, %dma_start3A_196] : memref<10112x128xf32, #tpu.memory_space<vmem_shared>> -> memref<10112x128xf32, #tpu.memory_space<vmem_shared>>
      tpu.enqueue_indirect_dma source(%dma_start3A_191 : memref<128x128xf32, #tpu.memory_space<vmem>>) target(%dma_start3A_197 : memref<10112x128xf32, #tpu.memory_space<vmem_shared>>) offsets(%dma_start3A_194 : memref<128xi32, #tpu.memory_space<vmem>>) semaphore(%run_scoped3A_187 : memref<!tpu.dma_semaphore, #tpu.memory_space<semaphore_mem>>) {add = true}
      %dma_wait3A_198 = arith.constant 0 : i32
      %dma_wait3A_199 = arith.constant 0 : i32
      %dma_wait3A_200 = tpu.memref_slice %arg9[%run_scoped3A_156, %dma_wait3A_198, %dma_wait3A_199] : memref<2x128x128xf32, #tpu.memory_space<vmem>> -> memref<1x128x128xf32, #tpu.memory_space<vmem>>
      %dma_wait3A_201 = tpu.memref_squeeze %dma_wait3A_200 : memref<1x128x128xf32, #tpu.memory_space<vmem>> -> memref<128x128xf32, #tpu.memory_space<vmem>>
      %dma_wait3A_202 = arith.constant 0 : i32
      %dma_wait3A_203 = tpu.memref_slice %arg8[%run_scoped3A_157, %dma_wait3A_202] : memref<2x128xi32, #tpu.memory_space<vmem>> -> memref<1x128xi32, #tpu.memory_space<vmem>>
      %dma_wait3A_204 = tpu.memref_squeeze %dma_wait3A_203 : memref<1x128xi32, #tpu.memory_space<vmem>> -> memref<128xi32, #tpu.memory_space<vmem>>
      %dma_wait3A_205 = arith.constant 0 : i32
      %dma_wait3A_206 = arith.constant 0 : i32
      %dma_wait3A_207 = tpu.memref_slice %arg10[%dma_wait3A_205, %dma_wait3A_206] : memref<10112x128xf32, #tpu.memory_space<vmem_shared>> -> memref<10112x128xf32, #tpu.memory_space<vmem_shared>>
      tpu.wait_indirect_dma semaphore(%run_scoped3A_187 : memref<!tpu.dma_semaphore, #tpu.memory_space<semaphore_mem>>) src(%dma_wait3A_201 : memref<128x128xf32, #tpu.memory_space<vmem>>) dst(%dma_wait3A_207 : memref<10112x128xf32, #tpu.memory_space<vmem_shared>>)
      tpu.yield
    }) : () -> ()
    %dma_wait3A_158 = arith.constant 1 : i32
    %dma_wait3A_159 = arith.constant 1 : i32
    %dma_wait3A_160 = arith.constant 0 : i32
    %dma_wait3A_161 = arith.constant 0 : i32
    %dma_wait3A_162 = tpu.memref_slice %arg9[%dma_wait3A_159, %dma_wait3A_160, %dma_wait3A_161] : memref<2x128x128xf32, #tpu.memory_space<vmem>> -> memref<1x128x128xf32, #tpu.memory_space<vmem>>
    %dma_wait3A_163 = tpu.memref_squeeze %dma_wait3A_162 : memref<1x128x128xf32, #tpu.memory_space<vmem>> -> memref<128x128xf32, #tpu.memory_space<vmem>>
    %dma_wait3A_164 = arith.constant 0 : i32
    %dma_wait3A_165 = tpu.memref_slice %arg7[%dma_wait3A_158, %dma_wait3A_164] : memref<2x128xi32, #tpu.memory_space<vmem>> -> memref<1x128xi32, #tpu.memory_space<vmem>>
    %dma_wait3A_166 = tpu.memref_squeeze %dma_wait3A_165 : memref<1x128xi32, #tpu.memory_space<vmem>> -> memref<128xi32, #tpu.memory_space<vmem>>
    %dma_wait3A_167 = arith.constant 0 : i32
    %dma_wait3A_168 = arith.constant 0 : i32
    %dma_wait3A_169 = tpu.memref_slice %arg2[%dma_wait3A_167, %dma_wait3A_168] : memref<10112x128xf32, #tpu.memory_space<hbm>> -> memref<10112x128xf32, #tpu.memory_space<hbm>>
    tpu.wait_indirect_dma semaphore(%arg12 : memref<!tpu.dma_semaphore, #tpu.memory_space<semaphore_mem>>) src(%dma_wait3A_169 : memref<10112x128xf32, #tpu.memory_space<hbm>>) dst(%dma_wait3A_163 : memref<128x128xf32, #tpu.memory_space<vmem>>)
    %dma_wait3A_170 = arith.constant 79 : i32
    %dma_wait3A_171 = arith.constant 1 : i32
    %dma_wait3A_172 = arith.constant 0 : i32
    %dma_wait3A_173 = tpu.memref_slice %arg8[%dma_wait3A_171, %dma_wait3A_172] : memref<2x128xi32, #tpu.memory_space<vmem>> -> memref<1x128xi32, #tpu.memory_space<vmem>>
    %dma_wait3A_174 = tpu.memref_squeeze %dma_wait3A_173 : memref<1x128xi32, #tpu.memory_space<vmem>> -> memref<128xi32, #tpu.memory_space<vmem>>
    %dma_wait3A_175 = arith.constant 0 : i32
    %dma_wait3A_176 = tpu.memref_slice %arg4[%add3A, %dma_wait3A_170, %dma_wait3A_175] : memref<32x80x128xi32, #tpu.memory_space<hbm>> -> memref<1x1x128xi32, #tpu.memory_space<hbm>>
    %dma_wait3A_177 = tpu.memref_squeeze %dma_wait3A_176 : memref<1x1x128xi32, #tpu.memory_space<hbm>> -> memref<128xi32, #tpu.memory_space<hbm>>
    %dma_wait3A_178 = arith.constant 0 : i32
    %dma_wait3A_179 = tpu.memref_slice %arg8[%dma_wait3A_171, %dma_wait3A_178] : memref<2x128xi32, #tpu.memory_space<vmem>> -> memref<1x128xi32, #tpu.memory_space<vmem>>
    %dma_wait3A_180 = tpu.memref_squeeze %dma_wait3A_179 : memref<1x128xi32, #tpu.memory_space<vmem>> -> memref<128xi32, #tpu.memory_space<vmem>>
    %dma_wait3A_181 = arith.constant 0 : i32
    %dma_wait3A_182 = tpu.memref_slice %arg4[%add3A, %dma_wait3A_170, %dma_wait3A_181] : memref<32x80x128xi32, #tpu.memory_space<hbm>> -> memref<1x1x128xi32, #tpu.memory_space<hbm>>
    %dma_wait3A_183 = tpu.memref_squeeze %dma_wait3A_182 : memref<1x1x128xi32, #tpu.memory_space<hbm>> -> memref<128xi32, #tpu.memory_space<hbm>>
    tpu.wait_dma2 semaphore(%arg16 : memref<!tpu.dma_semaphore, #tpu.memory_space<semaphore_mem>>) src(%dma_wait3A_183 : memref<128xi32, #tpu.memory_space<hbm>>) dst(%dma_wait3A_180 : memref<128xi32, #tpu.memory_space<vmem>>)
    %run_scoped3A_184 = arith.constant 1 : i32
    %run_scoped3A_185 = arith.constant 1 : i32
    "tpu.region"() ({
      %run_scoped3A_187 = tpu.sem_alloc : memref<!tpu.dma_semaphore, #tpu.memory_space<semaphore_mem>>
      %dma_start3A_188 = arith.constant 0 : i32
      %dma_start3A_189 = arith.constant 0 : i32
      %dma_start3A_190 = tpu.memref_slice %arg9[%run_scoped3A_184, %dma_start3A_188, %dma_start3A_189] : memref<2x128x128xf32, #tpu.memory_space<vmem>> -> memref<1x128x128xf32, #tpu.memory_space<vmem>>
      %dma_start3A_191 = tpu.memref_squeeze %dma_start3A_190 : memref<1x128x128xf32, #tpu.memory_space<vmem>> -> memref<128x128xf32, #tpu.memory_space<vmem>>
      %dma_start3A_192 = arith.constant 0 : i32
      %dma_start3A_193 = tpu.memref_slice %arg8[%run_scoped3A_185, %dma_start3A_192] : memref<2x128xi32, #tpu.memory_space<vmem>> -> memref<1x128xi32, #tpu.memory_space<vmem>>
      %dma_start3A_194 = tpu.memref_squeeze %dma_start3A_193 : memref<1x128xi32, #tpu.memory_space<vmem>> -> memref<128xi32, #tpu.memory_space<vmem>>
      %dma_start3A_195 = arith.constant 0 : i32
      %dma_start3A_196 = arith.constant 0 : i32
      %dma_start3A_197 = tpu.memref_slice %arg10[%dma_start3A_195, %dma_start3A_196] : memref<10112x128xf32, #tpu.memory_space<vmem_shared>> -> memref<10112x128xf32, #tpu.memory_space<vmem_shared>>
      tpu.enqueue_indirect_dma source(%dma_start3A_191 : memref<128x128xf32, #tpu.memory_space<vmem>>) target(%dma_start3A_197 : memref<10112x128xf32, #tpu.memory_space<vmem_shared>>) offsets(%dma_start3A_194 : memref<128xi32, #tpu.memory_space<vmem>>) semaphore(%run_scoped3A_187 : memref<!tpu.dma_semaphore, #tpu.memory_space<semaphore_mem>>) {add = true}
      %dma_wait3A_198 = arith.constant 0 : i32
      %dma_wait3A_199 = arith.constant 0 : i32
      %dma_wait3A_200 = tpu.memref_slice %arg9[%run_scoped3A_184, %dma_wait3A_198, %dma_wait3A_199] : memref<2x128x128xf32, #tpu.memory_space<vmem>> -> memref<1x128x128xf32, #tpu.memory_space<vmem>>
      %dma_wait3A_201 = tpu.memref_squeeze %dma_wait3A_200 : memref<1x128x128xf32, #tpu.memory_space<vmem>> -> memref<128x128xf32, #tpu.memory_space<vmem>>
      %dma_wait3A_202 = arith.constant 0 : i32
      %dma_wait3A_203 = tpu.memref_slice %arg8[%run_scoped3A_185, %dma_wait3A_202] : memref<2x128xi32, #tpu.memory_space<vmem>> -> memref<1x128xi32, #tpu.memory_space<vmem>>
      %dma_wait3A_204 = tpu.memref_squeeze %dma_wait3A_203 : memref<1x128xi32, #tpu.memory_space<vmem>> -> memref<128xi32, #tpu.memory_space<vmem>>
      %dma_wait3A_205 = arith.constant 0 : i32
      %dma_wait3A_206 = arith.constant 0 : i32
      %dma_wait3A_207 = tpu.memref_slice %arg10[%dma_wait3A_205, %dma_wait3A_206] : memref<10112x128xf32, #tpu.memory_space<vmem_shared>> -> memref<10112x128xf32, #tpu.memory_space<vmem_shared>>
      tpu.wait_indirect_dma semaphore(%run_scoped3A_187 : memref<!tpu.dma_semaphore, #tpu.memory_space<semaphore_mem>>) src(%dma_wait3A_201 : memref<128x128xf32, #tpu.memory_space<vmem>>) dst(%dma_wait3A_207 : memref<10112x128xf32, #tpu.memory_space<vmem_shared>>)
      tpu.yield
    }) : () -> ()
    %barrier3A_186 = arith.constant 0 : index
    tpu.barrier barrier_id(%barrier3A_186)
    "tpu.region"() ({
      %run_scoped3A_187 = tpu.sem_alloc : memref<!tpu.dma_semaphore, #tpu.memory_space<semaphore_mem>>
      %dma_start3A_188 = arith.constant 0 : i32
      %dma_start3A_189 = tpu.memref_slice %arg6[%arg0, %mul3A_2, %dma_start3A_188] : memref<2x10112x128xf32, #tpu.memory_space<hbm>> -> memref<1x632x128xf32, #tpu.memory_space<hbm>>
      %dma_start3A_190 = tpu.memref_squeeze %dma_start3A_189 : memref<1x632x128xf32, #tpu.memory_space<hbm>> -> memref<632x128xf32, #tpu.memory_space<hbm>>
      %dma_start3A_191 = arith.constant 0 : i32
      %dma_start3A_192 = tpu.memref_slice %arg10[%mul3A_2, %dma_start3A_191] : memref<10112x128xf32, #tpu.memory_space<vmem_shared>> -> memref<632x128xf32, #tpu.memory_space<vmem_shared>>
      tpu.enqueue_dma source(%dma_start3A_192 : memref<632x128xf32, #tpu.memory_space<vmem_shared>>) target(%dma_start3A_190 : memref<632x128xf32, #tpu.memory_space<hbm>>) target_semaphore(%run_scoped3A_187 : memref<!tpu.dma_semaphore, #tpu.memory_space<semaphore_mem>>)
      %dma_wait3A_193 = arith.constant 0 : i32
      %dma_wait3A_194 = tpu.memref_slice %arg6[%arg0, %mul3A_2, %dma_wait3A_193] : memref<2x10112x128xf32, #tpu.memory_space<hbm>> -> memref<1x632x128xf32, #tpu.memory_space<hbm>>
      %dma_wait3A_195 = tpu.memref_squeeze %dma_wait3A_194 : memref<1x632x128xf32, #tpu.memory_space<hbm>> -> memref<632x128xf32, #tpu.memory_space<hbm>>
      %dma_wait3A_196 = arith.constant 0 : i32
      %dma_wait3A_197 = tpu.memref_slice %arg10[%mul3A_2, %dma_wait3A_196] : memref<10112x128xf32, #tpu.memory_space<vmem_shared>> -> memref<632x128xf32, #tpu.memory_space<vmem_shared>>
      tpu.wait_dma2 semaphore(%run_scoped3A_187 : memref<!tpu.dma_semaphore, #tpu.memory_space<semaphore_mem>>) src(%dma_wait3A_197 : memref<632x128xf32, #tpu.memory_space<vmem_shared>>) dst(%dma_wait3A_195 : memref<632x128xf32, #tpu.memory_space<hbm>>)
      tpu.yield
    }) : () -> ()
    return
  }
}

#map = affine_map<(d0, d1) -> (0, 0)>
#map1 = affine_map<(d0, d1) -> (0, 0, 0)>
module attributes {stable_mosaic.version = 14 : i64} {
  func.func @layer_kernel(%arg0: i32, %arg1: i32, %arg2: memref<10112x128xf32, #tpu.memory_space<hbm>>, %arg3: memref<32x80x128xi32, #tpu.memory_space<hbm>>, %arg4: memref<32x80x128xi32, #tpu.memory_space<hbm>>, %arg5: memref<128x128xf32, #tpu.memory_space<hbm>>, %arg6: memref<2x10112x128xf32, #tpu.memory_space<hbm>>, %arg7: memref<2x128xi32, #tpu.memory_space<vmem>>, %arg8: memref<2x128xi32, #tpu.memory_space<vmem>>, %arg9: memref<2x128x128xf32, #tpu.memory_space<vmem>>, %arg10: memref<10112x128xf32, #tpu.memory_space<vmem_shared>>, %arg11: memref<!tpu.dma_semaphore, #tpu.memory_space<semaphore_mem>>, %arg12: memref<!tpu.dma_semaphore, #tpu.memory_space<semaphore_mem>>, %arg13: memref<!tpu.dma_semaphore, #tpu.memory_space<semaphore_mem>>, %arg14: memref<!tpu.dma_semaphore, #tpu.memory_space<semaphore_mem>>, %arg15: memref<!tpu.dma_semaphore, #tpu.memory_space<semaphore_mem>>, %arg16: memref<!tpu.dma_semaphore, #tpu.memory_space<semaphore_mem>>) attributes {dimension_semantics = [#tpu.dimension_semantics<core_parallel>, #tpu.dimension_semantics<subcore_parallel>], iteration_bounds = array<i64: 2, 16>, scalar_prefetch = 0 : i64, scratch_operands = 10 : i64, tpu.core_type = #tpu.core_type<sc_vector_subcore>, window_params = [{transform_indices = #map}, {transform_indices = #map1}, {transform_indices = #map1}, {transform_indices = #map}, {transform_indices = #map1}]} {
    %mul3A = arith.constant 16 : i32
    %mul3A_0 = arith.muli %arg0, %mul3A : i32
    %add3A = arith.addi %mul3A_0, %arg1 : i32
    %mul3A_1 = arith.constant 632 : i32
    %mul3A_2 = arith.muli %arg1, %mul3A_1 : i32
    %run_scoped3A = arith.constant 0 : i32
    "tpu.region"() ({
      %run_scoped3A_187 = tpu.sem_alloc : memref<!tpu.dma_semaphore, #tpu.memory_space<semaphore_mem>>
      %dma_start3A_188 = arith.constant 0 : i32
      %dma_start3A_189 = arith.constant 0 : i32
      %dma_start3A_190 = tpu.memref_slice %arg9[%run_scoped3A, %dma_start3A_188, %dma_start3A_189] : memref<2x128x128xf32, #tpu.memory_space<vmem>> -> memref<1x128x128xf32, #tpu.memory_space<vmem>>
      %dma_start3A_191 = tpu.memref_squeeze %dma_start3A_190 : memref<1x128x128xf32, #tpu.memory_space<vmem>> -> memref<128x128xf32, #tpu.memory_space<vmem>>
      %dma_start3A_192 = arith.constant 0 : i32
      %dma_start3A_193 = arith.constant 0 : i32
      %dma_start3A_194 = tpu.memref_slice %arg9[%run_scoped3A, %dma_start3A_192, %dma_start3A_193] : memref<2x128x128xf32, #tpu.memory_space<vmem>> -> memref<1x128x128xf32, #tpu.memory_space<vmem>>
      %dma_start3A_195 = tpu.memref_squeeze %dma_start3A_194 : memref<1x128x128xf32, #tpu.memory_space<vmem>> -> memref<128x128xf32, #tpu.memory_space<vmem>>
      tpu.enqueue_dma source(%arg5 : memref<128x128xf32, #tpu.memory_space<hbm>>) target(%dma_start3A_195 : memref<128x128xf32, #tpu.memory_space<vmem>>) target_semaphore(%run_scoped3A_187 : memref<!tpu.dma_semaphore, #tpu.memory_space<semaphore_mem>>)
      %dma_wait3A_196 = arith.constant 0 : i32
      %dma_wait3A_197 = arith.constant 0 : i32
      %dma_wait3A_198 = tpu.memref_slice %arg9[%run_scoped3A, %dma_wait3A_196, %dma_wait3A_197] : memref<2x128x128xf32, #tpu.memory_space<vmem>> -> memref<1x128x128xf32, #tpu.memory_space<vmem>>
      %dma_wait3A_199 = tpu.memref_squeeze %dma_wait3A_198 : memref<1x128x128xf32, #tpu.memory_space<vmem>> -> memref<128x128xf32, #tpu.memory_space<vmem>>
      %dma_wait3A_200 = arith.constant 0 : i32
      %dma_wait3A_201 = arith.constant 0 : i32
      %dma_wait3A_202 = tpu.memref_slice %arg9[%run_scoped3A, %dma_wait3A_200, %dma_wait3A_201] : memref<2x128x128xf32, #tpu.memory_space<vmem>> -> memref<1x128x128xf32, #tpu.memory_space<vmem>>
      %dma_wait3A_203 = tpu.memref_squeeze %dma_wait3A_202 : memref<1x128x128xf32, #tpu.memory_space<vmem>> -> memref<128x128xf32, #tpu.memory_space<vmem>>
      tpu.wait_dma2 semaphore(%run_scoped3A_187 : memref<!tpu.dma_semaphore, #tpu.memory_space<semaphore_mem>>) src(%arg5 : memref<128x128xf32, #tpu.memory_space<hbm>>) dst(%dma_wait3A_203 : memref<128x128xf32, #tpu.memory_space<vmem>>)
      tpu.yield
    }) : () -> ()
    %add3A_3 = arith.constant 0 : i32
    %add3A_4 = arith.addi %mul3A_2, %add3A_3 : i32
    %run_scoped3A_5 = arith.constant 0 : i32
    "tpu.region"() ({
      %run_scoped3A_187 = tpu.sem_alloc : memref<!tpu.dma_semaphore, #tpu.memory_space<semaphore_mem>>
      %dma_start3A_188 = arith.constant 0 : i32
      %dma_start3A_189 = arith.constant 0 : i32
      %dma_start3A_190 = tpu.memref_slice %arg9[%run_scoped3A_5, %dma_start3A_188, %dma_start3A_189] : memref<2x128x128xf32, #tpu.memory_space<vmem>> -> memref<1x128x128xf32, #tpu.memory_space<vmem>>
      %dma_start3A_191 = tpu.memref_squeeze %dma_start3A_190 : memref<1x128x128xf32, #tpu.memory_space<vmem>> -> memref<128x128xf32, #tpu.memory_space<vmem>>
      %dma_start3A_192 = arith.constant 0 : i32
      %dma_start3A_193 = tpu.memref_slice %arg10[%add3A_4, %dma_start3A_192] : memref<10112x128xf32, #tpu.memory_space<vmem_shared>> -> memref<128x128xf32, #tpu.memory_space<vmem_shared>>
      %dma_start3A_194 = arith.constant 0 : i32
      %dma_start3A_195 = tpu.memref_slice %arg10[%add3A_4, %dma_start3A_194] : memref<10112x128xf32, #tpu.memory_space<vmem_shared>> -> memref<128x128xf32, #tpu.memory_space<vmem_shared>>
      %dma_start3A_196 = arith.constant 0 : i32
      %dma_start3A_197 = arith.constant 0 : i32
      %dma_start3A_198 = tpu.memref_slice %arg9[%run_scoped3A_5, %dma_start3A_196, %dma_start3A_197] : memref<2x128x128xf32, #tpu.memory_space<vmem>> -> memref<1x128x128xf32, #tpu.memory_space<vmem>>
      %dma_start3A_199 = tpu.memref_squeeze %dma_start3A_198 : memref<1x128x128xf32, #tpu.memory_space<vmem>> -> memref<128x128xf32, #tpu.memory_space<vmem>>
      tpu.enqueue_dma source(%dma_start3A_199 : memref<128x128xf32, #tpu.memory_space<vmem>>) target(%dma_start3A_195 : memref<128x128xf32, #tpu.memory_space<vmem_shared>>) target_semaphore(%run_scoped3A_187 : memref<!tpu.dma_semaphore, #tpu.memory_space<semaphore_mem>>)
      %dma_wait3A_200 = arith.constant 0 : i32
      %dma_wait3A_201 = arith.constant 0 : i32
      %dma_wait3A_202 = tpu.memref_slice %arg9[%run_scoped3A_5, %dma_wait3A_200, %dma_wait3A_201] : memref<2x128x128xf32, #tpu.memory_space<vmem>> -> memref<1x128x128xf32, #tpu.memory_space<vmem>>
      %dma_wait3A_203 = tpu.memref_squeeze %dma_wait3A_202 : memref<1x128x128xf32, #tpu.memory_space<vmem>> -> memref<128x128xf32, #tpu.memory_space<vmem>>
      %dma_wait3A_204 = arith.constant 0 : i32
      %dma_wait3A_205 = tpu.memref_slice %arg10[%add3A_4, %dma_wait3A_204] : memref<10112x128xf32, #tpu.memory_space<vmem_shared>> -> memref<128x128xf32, #tpu.memory_space<vmem_shared>>
      %dma_wait3A_206 = arith.constant 0 : i32
      %dma_wait3A_207 = tpu.memref_slice %arg10[%add3A_4, %dma_wait3A_206] : memref<10112x128xf32, #tpu.memory_space<vmem_shared>> -> memref<128x128xf32, #tpu.memory_space<vmem_shared>>
      %dma_wait3A_208 = arith.constant 0 : i32
      %dma_wait3A_209 = arith.constant 0 : i32
      %dma_wait3A_210 = tpu.memref_slice %arg9[%run_scoped3A_5, %dma_wait3A_208, %dma_wait3A_209] : memref<2x128x128xf32, #tpu.memory_space<vmem>> -> memref<1x128x128xf32, #tpu.memory_space<vmem>>
      %dma_wait3A_211 = tpu.memref_squeeze %dma_wait3A_210 : memref<1x128x128xf32, #tpu.memory_space<vmem>> -> memref<128x128xf32, #tpu.memory_space<vmem>>
      tpu.wait_dma2 semaphore(%run_scoped3A_187 : memref<!tpu.dma_semaphore, #tpu.memory_space<semaphore_mem>>) src(%dma_wait3A_211 : memref<128x128xf32, #tpu.memory_space<vmem>>) dst(%dma_wait3A_207 : memref<128x128xf32, #tpu.memory_space<vmem_shared>>)
      tpu.yield
    }) : () -> ()
    %add3A_6 = arith.constant 128 : i32
    %add3A_7 = arith.addi %mul3A_2, %add3A_6 : i32
    %run_scoped3A_8 = arith.constant 0 : i32
    "tpu.region"() ({
      %run_scoped3A_187 = tpu.sem_alloc : memref<!tpu.dma_semaphore, #tpu.memory_space<semaphore_mem>>
      %dma_start3A_188 = arith.constant 0 : i32
      %dma_start3A_189 = arith.constant 0 : i32
      %dma_start3A_190 = tpu.memref_slice %arg9[%run_scoped3A_8, %dma_start3A_188, %dma_start3A_189] : memref<2x128x128xf32, #tpu.memory_space<vmem>> -> memref<1x128x128xf32, #tpu.memory_space<vmem>>
      %dma_start3A_191 = tpu.memref_squeeze %dma_start3A_190 : memref<1x128x128xf32, #tpu.memory_space<vmem>> -> memref<128x128xf32, #tpu.memory_space<vmem>>
      %dma_start3A_192 = arith.constant 0 : i32
      %dma_start3A_193 = tpu.memref_slice %arg10[%add3A_7, %dma_start3A_192] : memref<10112x128xf32, #tpu.memory_space<vmem_shared>> -> memref<128x128xf32, #tpu.memory_space<vmem_shared>>
      %dma_start3A_194 = arith.constant 0 : i32
      %dma_start3A_195 = tpu.memref_slice %arg10[%add3A_7, %dma_start3A_194] : memref<10112x128xf32, #tpu.memory_space<vmem_shared>> -> memref<128x128xf32, #tpu.memory_space<vmem_shared>>
      %dma_start3A_196 = arith.constant 0 : i32
      %dma_start3A_197 = arith.constant 0 : i32
      %dma_start3A_198 = tpu.memref_slice %arg9[%run_scoped3A_8, %dma_start3A_196, %dma_start3A_197] : memref<2x128x128xf32, #tpu.memory_space<vmem>> -> memref<1x128x128xf32, #tpu.memory_space<vmem>>
      %dma_start3A_199 = tpu.memref_squeeze %dma_start3A_198 : memref<1x128x128xf32, #tpu.memory_space<vmem>> -> memref<128x128xf32, #tpu.memory_space<vmem>>
      tpu.enqueue_dma source(%dma_start3A_199 : memref<128x128xf32, #tpu.memory_space<vmem>>) target(%dma_start3A_195 : memref<128x128xf32, #tpu.memory_space<vmem_shared>>) target_semaphore(%run_scoped3A_187 : memref<!tpu.dma_semaphore, #tpu.memory_space<semaphore_mem>>)
      %dma_wait3A_200 = arith.constant 0 : i32
      %dma_wait3A_201 = arith.constant 0 : i32
      %dma_wait3A_202 = tpu.memref_slice %arg9[%run_scoped3A_8, %dma_wait3A_200, %dma_wait3A_201] : memref<2x128x128xf32, #tpu.memory_space<vmem>> -> memref<1x128x128xf32, #tpu.memory_space<vmem>>
      %dma_wait3A_203 = tpu.memref_squeeze %dma_wait3A_202 : memref<1x128x128xf32, #tpu.memory_space<vmem>> -> memref<128x128xf32, #tpu.memory_space<vmem>>
      %dma_wait3A_204 = arith.constant 0 : i32
      %dma_wait3A_205 = tpu.memref_slice %arg10[%add3A_7, %dma_wait3A_204] : memref<10112x128xf32, #tpu.memory_space<vmem_shared>> -> memref<128x128xf32, #tpu.memory_space<vmem_shared>>
      %dma_wait3A_206 = arith.constant 0 : i32
      %dma_wait3A_207 = tpu.memref_slice %arg10[%add3A_7, %dma_wait3A_206] : memref<10112x128xf32, #tpu.memory_space<vmem_shared>> -> memref<128x128xf32, #tpu.memory_space<vmem_shared>>
      %dma_wait3A_208 = arith.constant 0 : i32
      %dma_wait3A_209 = arith.constant 0 : i32
      %dma_wait3A_210 = tpu.memref_slice %arg9[%run_scoped3A_8, %dma_wait3A_208, %dma_wait3A_209] : memref<2x128x128xf32, #tpu.memory_space<vmem>> -> memref<1x128x128xf32, #tpu.memory_space<vmem>>
      %dma_wait3A_211 = tpu.memref_squeeze %dma_wait3A_210 : memref<1x128x128xf32, #tpu.memory_space<vmem>> -> memref<128x128xf32, #tpu.memory_space<vmem>>
      tpu.wait_dma2 semaphore(%run_scoped3A_187 : memref<!tpu.dma_semaphore, #tpu.memory_space<semaphore_mem>>) src(%dma_wait3A_211 : memref<128x128xf32, #tpu.memory_space<vmem>>) dst(%dma_wait3A_207 : memref<128x128xf32, #tpu.memory_space<vmem_shared>>)
      tpu.yield
    }) : () -> ()
    %add3A_9 = arith.constant 256 : i32
    %add3A_10 = arith.addi %mul3A_2, %add3A_9 : i32
    %run_scoped3A_11 = arith.constant 0 : i32
    "tpu.region"() ({
      %run_scoped3A_187 = tpu.sem_alloc : memref<!tpu.dma_semaphore, #tpu.memory_space<semaphore_mem>>
      %dma_start3A_188 = arith.constant 0 : i32
      %dma_start3A_189 = arith.constant 0 : i32
      %dma_start3A_190 = tpu.memref_slice %arg9[%run_scoped3A_11, %dma_start3A_188, %dma_start3A_189] : memref<2x128x128xf32, #tpu.memory_space<vmem>> -> memref<1x128x128xf32, #tpu.memory_space<vmem>>
      %dma_start3A_191 = tpu.memref_squeeze %dma_start3A_190 : memref<1x128x128xf32, #tpu.memory_space<vmem>> -> memref<128x128xf32, #tpu.memory_space<vmem>>
      %dma_start3A_192 = arith.constant 0 : i32
      %dma_start3A_193 = tpu.memref_slice %arg10[%add3A_10, %dma_start3A_192] : memref<10112x128xf32, #tpu.memory_space<vmem_shared>> -> memref<128x128xf32, #tpu.memory_space<vmem_shared>>
      %dma_start3A_194 = arith.constant 0 : i32
      %dma_start3A_195 = tpu.memref_slice %arg10[%add3A_10, %dma_start3A_194] : memref<10112x128xf32, #tpu.memory_space<vmem_shared>> -> memref<128x128xf32, #tpu.memory_space<vmem_shared>>
      %dma_start3A_196 = arith.constant 0 : i32
      %dma_start3A_197 = arith.constant 0 : i32
      %dma_start3A_198 = tpu.memref_slice %arg9[%run_scoped3A_11, %dma_start3A_196, %dma_start3A_197] : memref<2x128x128xf32, #tpu.memory_space<vmem>> -> memref<1x128x128xf32, #tpu.memory_space<vmem>>
      %dma_start3A_199 = tpu.memref_squeeze %dma_start3A_198 : memref<1x128x128xf32, #tpu.memory_space<vmem>> -> memref<128x128xf32, #tpu.memory_space<vmem>>
      tpu.enqueue_dma source(%dma_start3A_199 : memref<128x128xf32, #tpu.memory_space<vmem>>) target(%dma_start3A_195 : memref<128x128xf32, #tpu.memory_space<vmem_shared>>) target_semaphore(%run_scoped3A_187 : memref<!tpu.dma_semaphore, #tpu.memory_space<semaphore_mem>>)
      %dma_wait3A_200 = arith.constant 0 : i32
      %dma_wait3A_201 = arith.constant 0 : i32
      %dma_wait3A_202 = tpu.memref_slice %arg9[%run_scoped3A_11, %dma_wait3A_200, %dma_wait3A_201] : memref<2x128x128xf32, #tpu.memory_space<vmem>> -> memref<1x128x128xf32, #tpu.memory_space<vmem>>
      %dma_wait3A_203 = tpu.memref_squeeze %dma_wait3A_202 : memref<1x128x128xf32, #tpu.memory_space<vmem>> -> memref<128x128xf32, #tpu.memory_space<vmem>>
      %dma_wait3A_204 = arith.constant 0 : i32
      %dma_wait3A_205 = tpu.memref_slice %arg10[%add3A_10, %dma_wait3A_204] : memref<10112x128xf32, #tpu.memory_space<vmem_shared>> -> memref<128x128xf32, #tpu.memory_space<vmem_shared>>
      %dma_wait3A_206 = arith.constant 0 : i32
      %dma_wait3A_207 = tpu.memref_slice %arg10[%add3A_10, %dma_wait3A_206] : memref<10112x128xf32, #tpu.memory_space<vmem_shared>> -> memref<128x128xf32, #tpu.memory_space<vmem_shared>>
      %dma_wait3A_208 = arith.constant 0 : i32
      %dma_wait3A_209 = arith.constant 0 : i32
      %dma_wait3A_210 = tpu.memref_slice %arg9[%run_scoped3A_11, %dma_wait3A_208, %dma_wait3A_209] : memref<2x128x128xf32, #tpu.memory_space<vmem>> -> memref<1x128x128xf32, #tpu.memory_space<vmem>>
      %dma_wait3A_211 = tpu.memref_squeeze %dma_wait3A_210 : memref<1x128x128xf32, #tpu.memory_space<vmem>> -> memref<128x128xf32, #tpu.memory_space<vmem>>
      tpu.wait_dma2 semaphore(%run_scoped3A_187 : memref<!tpu.dma_semaphore, #tpu.memory_space<semaphore_mem>>) src(%dma_wait3A_211 : memref<128x128xf32, #tpu.memory_space<vmem>>) dst(%dma_wait3A_207 : memref<128x128xf32, #tpu.memory_space<vmem_shared>>)
      tpu.yield
    }) : () -> ()
    %add3A_12 = arith.constant 384 : i32
    %add3A_13 = arith.addi %mul3A_2, %add3A_12 : i32
    %run_scoped3A_14 = arith.constant 0 : i32
    "tpu.region"() ({
      %run_scoped3A_187 = tpu.sem_alloc : memref<!tpu.dma_semaphore, #tpu.memory_space<semaphore_mem>>
      %dma_start3A_188 = arith.constant 0 : i32
      %dma_start3A_189 = arith.constant 0 : i32
      %dma_start3A_190 = tpu.memref_slice %arg9[%run_scoped3A_14, %dma_start3A_188, %dma_start3A_189] : memref<2x128x128xf32, #tpu.memory_space<vmem>> -> memref<1x128x128xf32, #tpu.memory_space<vmem>>
      %dma_start3A_191 = tpu.memref_squeeze %dma_start3A_190 : memref<1x128x128xf32, #tpu.memory_space<vmem>> -> memref<128x128xf32, #tpu.memory_space<vmem>>
      %dma_start3A_192 = arith.constant 0 : i32
      %dma_start3A_193 = tpu.memref_slice %arg10[%add3A_13, %dma_start3A_192] : memref<10112x128xf32, #tpu.memory_space<vmem_shared>> -> memref<128x128xf32, #tpu.memory_space<vmem_shared>>
      %dma_start3A_194 = arith.constant 0 : i32
      %dma_start3A_195 = tpu.memref_slice %arg10[%add3A_13, %dma_start3A_194] : memref<10112x128xf32, #tpu.memory_space<vmem_shared>> -> memref<128x128xf32, #tpu.memory_space<vmem_shared>>
      %dma_start3A_196 = arith.constant 0 : i32
      %dma_start3A_197 = arith.constant 0 : i32
      %dma_start3A_198 = tpu.memref_slice %arg9[%run_scoped3A_14, %dma_start3A_196, %dma_start3A_197] : memref<2x128x128xf32, #tpu.memory_space<vmem>> -> memref<1x128x128xf32, #tpu.memory_space<vmem>>
      %dma_start3A_199 = tpu.memref_squeeze %dma_start3A_198 : memref<1x128x128xf32, #tpu.memory_space<vmem>> -> memref<128x128xf32, #tpu.memory_space<vmem>>
      tpu.enqueue_dma source(%dma_start3A_199 : memref<128x128xf32, #tpu.memory_space<vmem>>) target(%dma_start3A_195 : memref<128x128xf32, #tpu.memory_space<vmem_shared>>) target_semaphore(%run_scoped3A_187 : memref<!tpu.dma_semaphore, #tpu.memory_space<semaphore_mem>>)
      %dma_wait3A_200 = arith.constant 0 : i32
      %dma_wait3A_201 = arith.constant 0 : i32
      %dma_wait3A_202 = tpu.memref_slice %arg9[%run_scoped3A_14, %dma_wait3A_200, %dma_wait3A_201] : memref<2x128x128xf32, #tpu.memory_space<vmem>> -> memref<1x128x128xf32, #tpu.memory_space<vmem>>
      %dma_wait3A_203 = tpu.memref_squeeze %dma_wait3A_202 : memref<1x128x128xf32, #tpu.memory_space<vmem>> -> memref<128x128xf32, #tpu.memory_space<vmem>>
      %dma_wait3A_204 = arith.constant 0 : i32
      %dma_wait3A_205 = tpu.memref_slice %arg10[%add3A_13, %dma_wait3A_204] : memref<10112x128xf32, #tpu.memory_space<vmem_shared>> -> memref<128x128xf32, #tpu.memory_space<vmem_shared>>
      %dma_wait3A_206 = arith.constant 0 : i32
      %dma_wait3A_207 = tpu.memref_slice %arg10[%add3A_13, %dma_wait3A_206] : memref<10112x128xf32, #tpu.memory_space<vmem_shared>> -> memref<128x128xf32, #tpu.memory_space<vmem_shared>>
      %dma_wait3A_208 = arith.constant 0 : i32
      %dma_wait3A_209 = arith.constant 0 : i32
      %dma_wait3A_210 = tpu.memref_slice %arg9[%run_scoped3A_14, %dma_wait3A_208, %dma_wait3A_209] : memref<2x128x128xf32, #tpu.memory_space<vmem>> -> memref<1x128x128xf32, #tpu.memory_space<vmem>>
      %dma_wait3A_211 = tpu.memref_squeeze %dma_wait3A_210 : memref<1x128x128xf32, #tpu.memory_space<vmem>> -> memref<128x128xf32, #tpu.memory_space<vmem>>
      tpu.wait_dma2 semaphore(%run_scoped3A_187 : memref<!tpu.dma_semaphore, #tpu.memory_space<semaphore_mem>>) src(%dma_wait3A_211 : memref<128x128xf32, #tpu.memory_space<vmem>>) dst(%dma_wait3A_207 : memref<128x128xf32, #tpu.memory_space<vmem_shared>>)
      tpu.yield
    }) : () -> ()
    %add3A_15 = arith.constant 512 : i32
    %add3A_16 = arith.addi %mul3A_2, %add3A_15 : i32
    %run_scoped3A_17 = arith.constant 0 : i32
    "tpu.region"() ({
      %run_scoped3A_187 = tpu.sem_alloc : memref<!tpu.dma_semaphore, #tpu.memory_space<semaphore_mem>>
      %dma_start3A_188 = arith.constant 0 : i32
      %dma_start3A_189 = arith.constant 0 : i32
      %dma_start3A_190 = tpu.memref_slice %arg9[%run_scoped3A_17, %dma_start3A_188, %dma_start3A_189] : memref<2x128x128xf32, #tpu.memory_space<vmem>> -> memref<1x128x128xf32, #tpu.memory_space<vmem>>
      %dma_start3A_191 = tpu.memref_squeeze %dma_start3A_190 : memref<1x128x128xf32, #tpu.memory_space<vmem>> -> memref<128x128xf32, #tpu.memory_space<vmem>>
      %dma_start3A_192 = arith.constant 0 : i32
      %dma_start3A_193 = arith.constant 0 : i32
      %dma_start3A_194 = tpu.memref_slice %dma_start3A_191[%dma_start3A_192, %dma_start3A_193] : memref<128x128xf32, #tpu.memory_space<vmem>> -> memref<120x128xf32, #tpu.memory_space<vmem>>
      %dma_start3A_195 = arith.constant 0 : i32
      %dma_start3A_196 = tpu.memref_slice %arg10[%add3A_16, %dma_start3A_195] : memref<10112x128xf32, #tpu.memory_space<vmem_shared>> -> memref<120x128xf32, #tpu.memory_space<vmem_shared>>
      %dma_start3A_197 = arith.constant 0 : i32
      %dma_start3A_198 = tpu.memref_slice %arg10[%add3A_16, %dma_start3A_197] : memref<10112x128xf32, #tpu.memory_space<vmem_shared>> -> memref<120x128xf32, #tpu.memory_space<vmem_shared>>
      %dma_start3A_199 = arith.constant 0 : i32
      %dma_start3A_200 = arith.constant 0 : i32
      %dma_start3A_201 = tpu.memref_slice %arg9[%run_scoped3A_17, %dma_start3A_199, %dma_start3A_200] : memref<2x128x128xf32, #tpu.memory_space<vmem>> -> memref<1x128x128xf32, #tpu.memory_space<vmem>>
      %dma_start3A_202 = tpu.memref_squeeze %dma_start3A_201 : memref<1x128x128xf32, #tpu.memory_space<vmem>> -> memref<128x128xf32, #tpu.memory_space<vmem>>
      %dma_start3A_203 = arith.constant 0 : i32
      %dma_start3A_204 = arith.constant 0 : i32
      %dma_start3A_205 = tpu.memref_slice %dma_start3A_202[%dma_start3A_203, %dma_start3A_204] : memref<128x128xf32, #tpu.memory_space<vmem>> -> memref<120x128xf32, #tpu.memory_space<vmem>>
      tpu.enqueue_dma source(%dma_start3A_205 : memref<120x128xf32, #tpu.memory_space<vmem>>) target(%dma_start3A_198 : memref<120x128xf32, #tpu.memory_space<vmem_shared>>) target_semaphore(%run_scoped3A_187 : memref<!tpu.dma_semaphore, #tpu.memory_space<semaphore_mem>>)
      %dma_wait3A_206 = arith.constant 0 : i32
      %dma_wait3A_207 = arith.constant 0 : i32
      %dma_wait3A_208 = tpu.memref_slice %arg9[%run_scoped3A_17, %dma_wait3A_206, %dma_wait3A_207] : memref<2x128x128xf32, #tpu.memory_space<vmem>> -> memref<1x128x128xf32, #tpu.memory_space<vmem>>
      %dma_wait3A_209 = tpu.memref_squeeze %dma_wait3A_208 : memref<1x128x128xf32, #tpu.memory_space<vmem>> -> memref<128x128xf32, #tpu.memory_space<vmem>>
      %dma_wait3A_210 = arith.constant 0 : i32
      %dma_wait3A_211 = arith.constant 0 : i32
      %dma_wait3A_212 = tpu.memref_slice %dma_wait3A_209[%dma_wait3A_210, %dma_wait3A_211] : memref<128x128xf32, #tpu.memory_space<vmem>> -> memref<120x128xf32, #tpu.memory_space<vmem>>
      %dma_wait3A_213 = arith.constant 0 : i32
      %dma_wait3A_214 = tpu.memref_slice %arg10[%add3A_16, %dma_wait3A_213] : memref<10112x128xf32, #tpu.memory_space<vmem_shared>> -> memref<120x128xf32, #tpu.memory_space<vmem_shared>>
      %dma_wait3A_215 = arith.constant 0 : i32
      %dma_wait3A_216 = tpu.memref_slice %arg10[%add3A_16, %dma_wait3A_215] : memref<10112x128xf32, #tpu.memory_space<vmem_shared>> -> memref<120x128xf32, #tpu.memory_space<vmem_shared>>
      %dma_wait3A_217 = arith.constant 0 : i32
      %dma_wait3A_218 = arith.constant 0 : i32
      %dma_wait3A_219 = tpu.memref_slice %arg9[%run_scoped3A_17, %dma_wait3A_217, %dma_wait3A_218] : memref<2x128x128xf32, #tpu.memory_space<vmem>> -> memref<1x128x128xf32, #tpu.memory_space<vmem>>
      %dma_wait3A_220 = tpu.memref_squeeze %dma_wait3A_219 : memref<1x128x128xf32, #tpu.memory_space<vmem>> -> memref<128x128xf32, #tpu.memory_space<vmem>>
      %dma_wait3A_221 = arith.constant 0 : i32
      %dma_wait3A_222 = arith.constant 0 : i32
      %dma_wait3A_223 = tpu.memref_slice %dma_wait3A_220[%dma_wait3A_221, %dma_wait3A_222] : memref<128x128xf32, #tpu.memory_space<vmem>> -> memref<120x128xf32, #tpu.memory_space<vmem>>
      tpu.wait_dma2 semaphore(%run_scoped3A_187 : memref<!tpu.dma_semaphore, #tpu.memory_space<semaphore_mem>>) src(%dma_wait3A_223 : memref<120x128xf32, #tpu.memory_space<vmem>>) dst(%dma_wait3A_216 : memref<120x128xf32, #tpu.memory_space<vmem_shared>>)
      tpu.yield
    }) : () -> ()
    %barrier3A = arith.constant 0 : index
    tpu.barrier barrier_id(%barrier3A)
    %dma_start3A = arith.constant 0 : i32
    %dma_start3A_18 = arith.constant 0 : i32
    %dma_start3A_19 = arith.constant 0 : i32
    %dma_start3A_20 = tpu.memref_slice %arg7[%dma_start3A_18, %dma_start3A_19] : memref<2x128xi32, #tpu.memory_space<vmem>> -> memref<1x128xi32, #tpu.memory_space<vmem>>
    %dma_start3A_21 = tpu.memref_squeeze %dma_start3A_20 : memref<1x128xi32, #tpu.memory_space<vmem>> -> memref<128xi32, #tpu.memory_space<vmem>>
    %dma_start3A_22 = arith.constant 0 : i32
    %dma_start3A_23 = tpu.memref_slice %arg3[%add3A, %dma_start3A, %dma_start3A_22] : memref<32x80x128xi32, #tpu.memory_space<hbm>> -> memref<1x1x128xi32, #tpu.memory_space<hbm>>
    %dma_start3A_24 = tpu.memref_squeeze %dma_start3A_23 : memref<1x1x128xi32, #tpu.memory_space<hbm>> -> memref<128xi32, #tpu.memory_space<hbm>>
    %dma_start3A_25 = arith.constant 0 : i32
    %dma_start3A_26 = tpu.memref_slice %arg7[%dma_start3A_18, %dma_start3A_25] : memref<2x128xi32, #tpu.memory_space<vmem>> -> memref<1x128xi32, #tpu.memory_space<vmem>>
    %dma_start3A_27 = tpu.memref_squeeze %dma_start3A_26 : memref<1x128xi32, #tpu.memory_space<vmem>> -> memref<128xi32, #tpu.memory_space<vmem>>
    %dma_start3A_28 = arith.constant 0 : i32
    %dma_start3A_29 = tpu.memref_slice %arg3[%add3A, %dma_start3A, %dma_start3A_28] : memref<32x80x128xi32, #tpu.memory_space<hbm>> -> memref<1x1x128xi32, #tpu.memory_space<hbm>>
    %dma_start3A_30 = tpu.memref_squeeze %dma_start3A_29 : memref<1x1x128xi32, #tpu.memory_space<hbm>> -> memref<128xi32, #tpu.memory_space<hbm>>
    tpu.enqueue_dma source(%dma_start3A_30 : memref<128xi32, #tpu.memory_space<hbm>>) target(%dma_start3A_27 : memref<128xi32, #tpu.memory_space<vmem>>) target_semaphore(%arg13 : memref<!tpu.dma_semaphore, #tpu.memory_space<semaphore_mem>>)
    %dma_start3A_31 = arith.constant 0 : i32
    %dma_start3A_32 = arith.constant 0 : i32
    %dma_start3A_33 = arith.constant 0 : i32
    %dma_start3A_34 = tpu.memref_slice %arg8[%dma_start3A_32, %dma_start3A_33] : memref<2x128xi32, #tpu.memory_space<vmem>> -> memref<1x128xi32, #tpu.memory_space<vmem>>
    %dma_start3A_35 = tpu.memref_squeeze %dma_start3A_34 : memref<1x128xi32, #tpu.memory_space<vmem>> -> memref<128xi32, #tpu.memory_space<vmem>>
    %dma_start3A_36 = arith.constant 0 : i32
    %dma_start3A_37 = tpu.memref_slice %arg4[%add3A, %dma_start3A_31, %dma_start3A_36] : memref<32x80x128xi32, #tpu.memory_space<hbm>> -> memref<1x1x128xi32, #tpu.memory_space<hbm>>
    %dma_start3A_38 = tpu.memref_squeeze %dma_start3A_37 : memref<1x1x128xi32, #tpu.memory_space<hbm>> -> memref<128xi32, #tpu.memory_space<hbm>>
    %dma_start3A_39 = arith.constant 0 : i32
    %dma_start3A_40 = tpu.memref_slice %arg8[%dma_start3A_32, %dma_start3A_39] : memref<2x128xi32, #tpu.memory_space<vmem>> -> memref<1x128xi32, #tpu.memory_space<vmem>>
    %dma_start3A_41 = tpu.memref_squeeze %dma_start3A_40 : memref<1x128xi32, #tpu.memory_space<vmem>> -> memref<128xi32, #tpu.memory_space<vmem>>
    %dma_start3A_42 = arith.constant 0 : i32
    %dma_start3A_43 = tpu.memref_slice %arg4[%add3A, %dma_start3A_31, %dma_start3A_42] : memref<32x80x128xi32, #tpu.memory_space<hbm>> -> memref<1x1x128xi32, #tpu.memory_space<hbm>>
    %dma_start3A_44 = tpu.memref_squeeze %dma_start3A_43 : memref<1x1x128xi32, #tpu.memory_space<hbm>> -> memref<128xi32, #tpu.memory_space<hbm>>
    tpu.enqueue_dma source(%dma_start3A_44 : memref<128xi32, #tpu.memory_space<hbm>>) target(%dma_start3A_41 : memref<128xi32, #tpu.memory_space<vmem>>) target_semaphore(%arg15 : memref<!tpu.dma_semaphore, #tpu.memory_space<semaphore_mem>>)
    %dma_start3A_45 = arith.constant 1 : i32
    %dma_start3A_46 = arith.constant 1 : i32
    %dma_start3A_47 = arith.constant 0 : i32
    %dma_start3A_48 = tpu.memref_slice %arg7[%dma_start3A_46, %dma_start3A_47] : memref<2x128xi32, #tpu.memory_space<vmem>> -> memref<1x128xi32, #tpu.memory_space<vmem>>
    %dma_start3A_49 = tpu.memref_squeeze %dma_start3A_48 : memref<1x128xi32, #tpu.memory_space<vmem>> -> memref<128xi32, #tpu.memory_space<vmem>>
    %dma_start3A_50 = arith.constant 0 : i32
    %dma_start3A_51 = tpu.memref_slice %arg3[%add3A, %dma_start3A_45, %dma_start3A_50] : memref<32x80x128xi32, #tpu.memory_space<hbm>> -> memref<1x1x128xi32, #tpu.memory_space<hbm>>
    %dma_start3A_52 = tpu.memref_squeeze %dma_start3A_51 : memref<1x1x128xi32, #tpu.memory_space<hbm>> -> memref<128xi32, #tpu.memory_space<hbm>>
    %dma_start3A_53 = arith.constant 0 : i32
    %dma_start3A_54 = tpu.memref_slice %arg7[%dma_start3A_46, %dma_start3A_53] : memref<2x128xi32, #tpu.memory_space<vmem>> -> memref<1x128xi32, #tpu.memory_space<vmem>>
    %dma_start3A_55 = tpu.memref_squeeze %dma_start3A_54 : memref<1x128xi32, #tpu.memory_space<vmem>> -> memref<128xi32, #tpu.memory_space<vmem>>
    %dma_start3A_56 = arith.constant 0 : i32
    %dma_start3A_57 = tpu.memref_slice %arg3[%add3A, %dma_start3A_45, %dma_start3A_56] : memref<32x80x128xi32, #tpu.memory_space<hbm>> -> memref<1x1x128xi32, #tpu.memory_space<hbm>>
    %dma_start3A_58 = tpu.memref_squeeze %dma_start3A_57 : memref<1x1x128xi32, #tpu.memory_space<hbm>> -> memref<128xi32, #tpu.memory_space<hbm>>
    tpu.enqueue_dma source(%dma_start3A_58 : memref<128xi32, #tpu.memory_space<hbm>>) target(%dma_start3A_55 : memref<128xi32, #tpu.memory_space<vmem>>) target_semaphore(%arg14 : memref<!tpu.dma_semaphore, #tpu.memory_space<semaphore_mem>>)
    %dma_start3A_59 = arith.constant 1 : i32
    %dma_start3A_60 = arith.constant 1 : i32
    %dma_start3A_61 = arith.constant 0 : i32
    %dma_start3A_62 = tpu.memref_slice %arg8[%dma_start3A_60, %dma_start3A_61] : memref<2x128xi32, #tpu.memory_space<vmem>> -> memref<1x128xi32, #tpu.memory_space<vmem>>
    %dma_start3A_63 = tpu.memref_squeeze %dma_start3A_62 : memref<1x128xi32, #tpu.memory_space<vmem>> -> memref<128xi32, #tpu.memory_space<vmem>>
    %dma_start3A_64 = arith.constant 0 : i32
    %dma_start3A_65 = tpu.memref_slice %arg4[%add3A, %dma_start3A_59, %dma_start3A_64] : memref<32x80x128xi32, #tpu.memory_space<hbm>> -> memref<1x1x128xi32, #tpu.memory_space<hbm>>
    %dma_start3A_66 = tpu.memref_squeeze %dma_start3A_65 : memref<1x1x128xi32, #tpu.memory_space<hbm>> -> memref<128xi32, #tpu.memory_space<hbm>>
    %dma_start3A_67 = arith.constant 0 : i32
    %dma_start3A_68 = tpu.memref_slice %arg8[%dma_start3A_60, %dma_start3A_67] : memref<2x128xi32, #tpu.memory_space<vmem>> -> memref<1x128xi32, #tpu.memory_space<vmem>>
    %dma_start3A_69 = tpu.memref_squeeze %dma_start3A_68 : memref<1x128xi32, #tpu.memory_space<vmem>> -> memref<128xi32, #tpu.memory_space<vmem>>
    %dma_start3A_70 = arith.constant 0 : i32
    %dma_start3A_71 = tpu.memref_slice %arg4[%add3A, %dma_start3A_59, %dma_start3A_70] : memref<32x80x128xi32, #tpu.memory_space<hbm>> -> memref<1x1x128xi32, #tpu.memory_space<hbm>>
    %dma_start3A_72 = tpu.memref_squeeze %dma_start3A_71 : memref<1x1x128xi32, #tpu.memory_space<hbm>> -> memref<128xi32, #tpu.memory_space<hbm>>
    tpu.enqueue_dma source(%dma_start3A_72 : memref<128xi32, #tpu.memory_space<hbm>>) target(%dma_start3A_69 : memref<128xi32, #tpu.memory_space<vmem>>) target_semaphore(%arg16 : memref<!tpu.dma_semaphore, #tpu.memory_space<semaphore_mem>>)
    %dma_wait3A = arith.constant 0 : i32
    %dma_wait3A_73 = arith.constant 0 : i32
    %dma_wait3A_74 = arith.constant 0 : i32
    %dma_wait3A_75 = tpu.memref_slice %arg7[%dma_wait3A_73, %dma_wait3A_74] : memref<2x128xi32, #tpu.memory_space<vmem>> -> memref<1x128xi32, #tpu.memory_space<vmem>>
    %dma_wait3A_76 = tpu.memref_squeeze %dma_wait3A_75 : memref<1x128xi32, #tpu.memory_space<vmem>> -> memref<128xi32, #tpu.memory_space<vmem>>
    %dma_wait3A_77 = arith.constant 0 : i32
    %dma_wait3A_78 = tpu.memref_slice %arg3[%add3A, %dma_wait3A, %dma_wait3A_77] : memref<32x80x128xi32, #tpu.memory_space<hbm>> -> memref<1x1x128xi32, #tpu.memory_space<hbm>>
    %dma_wait3A_79 = tpu.memref_squeeze %dma_wait3A_78 : memref<1x1x128xi32, #tpu.memory_space<hbm>> -> memref<128xi32, #tpu.memory_space<hbm>>
    %dma_wait3A_80 = arith.constant 0 : i32
    %dma_wait3A_81 = tpu.memref_slice %arg7[%dma_wait3A_73, %dma_wait3A_80] : memref<2x128xi32, #tpu.memory_space<vmem>> -> memref<1x128xi32, #tpu.memory_space<vmem>>
    %dma_wait3A_82 = tpu.memref_squeeze %dma_wait3A_81 : memref<1x128xi32, #tpu.memory_space<vmem>> -> memref<128xi32, #tpu.memory_space<vmem>>
    %dma_wait3A_83 = arith.constant 0 : i32
    %dma_wait3A_84 = tpu.memref_slice %arg3[%add3A, %dma_wait3A, %dma_wait3A_83] : memref<32x80x128xi32, #tpu.memory_space<hbm>> -> memref<1x1x128xi32, #tpu.memory_space<hbm>>
    %dma_wait3A_85 = tpu.memref_squeeze %dma_wait3A_84 : memref<1x1x128xi32, #tpu.memory_space<hbm>> -> memref<128xi32, #tpu.memory_space<hbm>>
    tpu.wait_dma2 semaphore(%arg13 : memref<!tpu.dma_semaphore, #tpu.memory_space<semaphore_mem>>) src(%dma_wait3A_85 : memref<128xi32, #tpu.memory_space<hbm>>) dst(%dma_wait3A_82 : memref<128xi32, #tpu.memory_space<vmem>>)
    %dma_start3A_86 = arith.constant 0 : i32
    %dma_start3A_87 = arith.constant 0 : i32
    %dma_start3A_88 = arith.constant 0 : i32
    %dma_start3A_89 = arith.constant 0 : i32
    %dma_start3A_90 = tpu.memref_slice %arg9[%dma_start3A_87, %dma_start3A_88, %dma_start3A_89] : memref<2x128x128xf32, #tpu.memory_space<vmem>> -> memref<1x128x128xf32, #tpu.memory_space<vmem>>
    %dma_start3A_91 = tpu.memref_squeeze %dma_start3A_90 : memref<1x128x128xf32, #tpu.memory_space<vmem>> -> memref<128x128xf32, #tpu.memory_space<vmem>>
    %dma_start3A_92 = arith.constant 0 : i32
    %dma_start3A_93 = tpu.memref_slice %arg7[%dma_start3A_86, %dma_start3A_92] : memref<2x128xi32, #tpu.memory_space<vmem>> -> memref<1x128xi32, #tpu.memory_space<vmem>>
    %dma_start3A_94 = tpu.memref_squeeze %dma_start3A_93 : memref<1x128xi32, #tpu.memory_space<vmem>> -> memref<128xi32, #tpu.memory_space<vmem>>
    %dma_start3A_95 = arith.constant 0 : i32
    %dma_start3A_96 = arith.constant 0 : i32
    %dma_start3A_97 = tpu.memref_slice %arg2[%dma_start3A_95, %dma_start3A_96] : memref<10112x128xf32, #tpu.memory_space<hbm>> -> memref<10112x128xf32, #tpu.memory_space<hbm>>
    tpu.enqueue_indirect_dma source(%dma_start3A_97 : memref<10112x128xf32, #tpu.memory_space<hbm>>) target(%dma_start3A_91 : memref<128x128xf32, #tpu.memory_space<vmem>>) offsets(%dma_start3A_94 : memref<128xi32, #tpu.memory_space<vmem>>) semaphore(%arg11 : memref<!tpu.dma_semaphore, #tpu.memory_space<semaphore_mem>>)
    %scan3A = arith.constant 0 : i32
    %scan3A_98 = arith.constant 0 : i32
    %scan3A_99 = arith.constant 39 : i32
    %scan3A_100 = arith.addi %scan3A_98, %scan3A_99 : i32
    %scan3A_101 = arith.constant 1 : i32
    %scan3A_102 = scf.for %scan3A_187 = %scan3A_98 to %scan3A_100 step %scan3A_101 iter_args(%scan3A_188 = %scan3A) -> (i32)  : i32 {
      %mul3A_189 = arith.constant 2 : i32
      %mul3A_190 = arith.muli %scan3A_187, %mul3A_189 : i32
      %add3A_191 = arith.constant 1 : i32
      %add3A_192 = arith.addi %mul3A_190, %add3A_191 : i32
      %dma_wait3A_193 = arith.constant 1 : i32
      %dma_wait3A_194 = arith.constant 0 : i32
      %dma_wait3A_195 = tpu.memref_slice %arg7[%dma_wait3A_193, %dma_wait3A_194] : memref<2x128xi32, #tpu.memory_space<vmem>> -> memref<1x128xi32, #tpu.memory_space<vmem>>
      %dma_wait3A_196 = tpu.memref_squeeze %dma_wait3A_195 : memref<1x128xi32, #tpu.memory_space<vmem>> -> memref<128xi32, #tpu.memory_space<vmem>>
      %dma_wait3A_197 = arith.constant 0 : i32
      %dma_wait3A_198 = tpu.memref_slice %arg3[%add3A, %add3A_192, %dma_wait3A_197] : memref<32x80x128xi32, #tpu.memory_space<hbm>> -> memref<1x1x128xi32, #tpu.memory_space<hbm>>
      %dma_wait3A_199 = tpu.memref_squeeze %dma_wait3A_198 : memref<1x1x128xi32, #tpu.memory_space<hbm>> -> memref<128xi32, #tpu.memory_space<hbm>>
      %dma_wait3A_200 = arith.constant 0 : i32
      %dma_wait3A_201 = tpu.memref_slice %arg7[%dma_wait3A_193, %dma_wait3A_200] : memref<2x128xi32, #tpu.memory_space<vmem>> -> memref<1x128xi32, #tpu.memory_space<vmem>>
      %dma_wait3A_202 = tpu.memref_squeeze %dma_wait3A_201 : memref<1x128xi32, #tpu.memory_space<vmem>> -> memref<128xi32, #tpu.memory_space<vmem>>
      %dma_wait3A_203 = arith.constant 0 : i32
      %dma_wait3A_204 = tpu.memref_slice %arg3[%add3A, %add3A_192, %dma_wait3A_203] : memref<32x80x128xi32, #tpu.memory_space<hbm>> -> memref<1x1x128xi32, #tpu.memory_space<hbm>>
      %dma_wait3A_205 = tpu.memref_squeeze %dma_wait3A_204 : memref<1x1x128xi32, #tpu.memory_space<hbm>> -> memref<128xi32, #tpu.memory_space<hbm>>
      tpu.wait_dma2 semaphore(%arg14 : memref<!tpu.dma_semaphore, #tpu.memory_space<semaphore_mem>>) src(%dma_wait3A_205 : memref<128xi32, #tpu.memory_space<hbm>>) dst(%dma_wait3A_202 : memref<128xi32, #tpu.memory_space<vmem>>)
      %dma_wait3A_206 = arith.constant 0 : i32
      %dma_wait3A_207 = arith.constant 0 : i32
      %dma_wait3A_208 = arith.constant 0 : i32
      %dma_wait3A_209 = arith.constant 0 : i32
      %dma_wait3A_210 = tpu.memref_slice %arg9[%dma_wait3A_207, %dma_wait3A_208, %dma_wait3A_209] : memref<2x128x128xf32, #tpu.memory_space<vmem>> -> memref<1x128x128xf32, #tpu.memory_space<vmem>>
      %dma_wait3A_211 = tpu.memref_squeeze %dma_wait3A_210 : memref<1x128x128xf32, #tpu.memory_space<vmem>> -> memref<128x128xf32, #tpu.memory_space<vmem>>
      %dma_wait3A_212 = arith.constant 0 : i32
      %dma_wait3A_213 = tpu.memref_slice %arg7[%dma_wait3A_206, %dma_wait3A_212] : memref<2x128xi32, #tpu.memory_space<vmem>> -> memref<1x128xi32, #tpu.memory_space<vmem>>
      %dma_wait3A_214 = tpu.memref_squeeze %dma_wait3A_213 : memref<1x128xi32, #tpu.memory_space<vmem>> -> memref<128xi32, #tpu.memory_space<vmem>>
      %dma_wait3A_215 = arith.constant 0 : i32
      %dma_wait3A_216 = arith.constant 0 : i32
      %dma_wait3A_217 = tpu.memref_slice %arg2[%dma_wait3A_215, %dma_wait3A_216] : memref<10112x128xf32, #tpu.memory_space<hbm>> -> memref<10112x128xf32, #tpu.memory_space<hbm>>
      tpu.wait_indirect_dma semaphore(%arg11 : memref<!tpu.dma_semaphore, #tpu.memory_space<semaphore_mem>>) src(%dma_wait3A_217 : memref<10112x128xf32, #tpu.memory_space<hbm>>) dst(%dma_wait3A_211 : memref<128x128xf32, #tpu.memory_space<vmem>>)
      %dma_start3A_218 = arith.constant 1 : i32
      %dma_start3A_219 = arith.constant 1 : i32
      %dma_start3A_220 = arith.constant 0 : i32
      %dma_start3A_221 = arith.constant 0 : i32
      %dma_start3A_222 = tpu.memref_slice %arg9[%dma_start3A_219, %dma_start3A_220, %dma_start3A_221] : memref<2x128x128xf32, #tpu.memory_space<vmem>> -> memref<1x128x128xf32, #tpu.memory_space<vmem>>
      %dma_start3A_223 = tpu.memref_squeeze %dma_start3A_222 : memref<1x128x128xf32, #tpu.memory_space<vmem>> -> memref<128x128xf32, #tpu.memory_space<vmem>>
      %dma_start3A_224 = arith.constant 0 : i32
      %dma_start3A_225 = tpu.memref_slice %arg7[%dma_start3A_218, %dma_start3A_224] : memref<2x128xi32, #tpu.memory_space<vmem>> -> memref<1x128xi32, #tpu.memory_space<vmem>>
      %dma_start3A_226 = tpu.memref_squeeze %dma_start3A_225 : memref<1x128xi32, #tpu.memory_space<vmem>> -> memref<128xi32, #tpu.memory_space<vmem>>
      %dma_start3A_227 = arith.constant 0 : i32
      %dma_start3A_228 = arith.constant 0 : i32
      %dma_start3A_229 = tpu.memref_slice %arg2[%dma_start3A_227, %dma_start3A_228] : memref<10112x128xf32, #tpu.memory_space<hbm>> -> memref<10112x128xf32, #tpu.memory_space<hbm>>
      tpu.enqueue_indirect_dma source(%dma_start3A_229 : memref<10112x128xf32, #tpu.memory_space<hbm>>) target(%dma_start3A_223 : memref<128x128xf32, #tpu.memory_space<vmem>>) offsets(%dma_start3A_226 : memref<128xi32, #tpu.memory_space<vmem>>) semaphore(%arg12 : memref<!tpu.dma_semaphore, #tpu.memory_space<semaphore_mem>>)
      %add3A_230 = arith.constant 2 : i32
      %add3A_231 = arith.addi %mul3A_190, %add3A_230 : i32
      %dma_start3A_232 = arith.constant 0 : i32
      %dma_start3A_233 = arith.constant 0 : i32
      %dma_start3A_234 = tpu.memref_slice %arg7[%dma_start3A_232, %dma_start3A_233] : memref<2x128xi32, #tpu.memory_space<vmem>> -> memref<1x128xi32, #tpu.memory_space<vmem>>
      %dma_start3A_235 = tpu.memref_squeeze %dma_start3A_234 : memref<1x128xi32, #tpu.memory_space<vmem>> -> memref<128xi32, #tpu.memory_space<vmem>>
      %dma_start3A_236 = arith.constant 0 : i32
      %dma_start3A_237 = tpu.memref_slice %arg3[%add3A, %add3A_231, %dma_start3A_236] : memref<32x80x128xi32, #tpu.memory_space<hbm>> -> memref<1x1x128xi32, #tpu.memory_space<hbm>>
      %dma_start3A_238 = tpu.memref_squeeze %dma_start3A_237 : memref<1x1x128xi32, #tpu.memory_space<hbm>> -> memref<128xi32, #tpu.memory_space<hbm>>
      %dma_start3A_239 = arith.constant 0 : i32
      %dma_start3A_240 = tpu.memref_slice %arg7[%dma_start3A_232, %dma_start3A_239] : memref<2x128xi32, #tpu.memory_space<vmem>> -> memref<1x128xi32, #tpu.memory_space<vmem>>
      %dma_start3A_241 = tpu.memref_squeeze %dma_start3A_240 : memref<1x128xi32, #tpu.memory_space<vmem>> -> memref<128xi32, #tpu.memory_space<vmem>>
      %dma_start3A_242 = arith.constant 0 : i32
      %dma_start3A_243 = tpu.memref_slice %arg3[%add3A, %add3A_231, %dma_start3A_242] : memref<32x80x128xi32, #tpu.memory_space<hbm>> -> memref<1x1x128xi32, #tpu.memory_space<hbm>>
      %dma_start3A_244 = tpu.memref_squeeze %dma_start3A_243 : memref<1x1x128xi32, #tpu.memory_space<hbm>> -> memref<128xi32, #tpu.memory_space<hbm>>
      tpu.enqueue_dma source(%dma_start3A_244 : memref<128xi32, #tpu.memory_space<hbm>>) target(%dma_start3A_241 : memref<128xi32, #tpu.memory_space<vmem>>) target_semaphore(%arg13 : memref<!tpu.dma_semaphore, #tpu.memory_space<semaphore_mem>>)
      %dma_wait3A_245 = arith.constant 0 : i32
      %dma_wait3A_246 = arith.constant 0 : i32
      %dma_wait3A_247 = tpu.memref_slice %arg8[%dma_wait3A_245, %dma_wait3A_246] : memref<2x128xi32, #tpu.memory_space<vmem>> -> memref<1x128xi32, #tpu.memory_space<vmem>>
      %dma_wait3A_248 = tpu.memref_squeeze %dma_wait3A_247 : memref<1x128xi32, #tpu.memory_space<vmem>> -> memref<128xi32, #tpu.memory_space<vmem>>
      %dma_wait3A_249 = arith.constant 0 : i32
      %dma_wait3A_250 = tpu.memref_slice %arg4[%add3A, %mul3A_190, %dma_wait3A_249] : memref<32x80x128xi32, #tpu.memory_space<hbm>> -> memref<1x1x128xi32, #tpu.memory_space<hbm>>
      %dma_wait3A_251 = tpu.memref_squeeze %dma_wait3A_250 : memref<1x1x128xi32, #tpu.memory_space<hbm>> -> memref<128xi32, #tpu.memory_space<hbm>>
      %dma_wait3A_252 = arith.constant 0 : i32
      %dma_wait3A_253 = tpu.memref_slice %arg8[%dma_wait3A_245, %dma_wait3A_252] : memref<2x128xi32, #tpu.memory_space<vmem>> -> memref<1x128xi32, #tpu.memory_space<vmem>>
      %dma_wait3A_254 = tpu.memref_squeeze %dma_wait3A_253 : memref<1x128xi32, #tpu.memory_space<vmem>> -> memref<128xi32, #tpu.memory_space<vmem>>
      %dma_wait3A_255 = arith.constant 0 : i32
      %dma_wait3A_256 = tpu.memref_slice %arg4[%add3A, %mul3A_190, %dma_wait3A_255] : memref<32x80x128xi32, #tpu.memory_space<hbm>> -> memref<1x1x128xi32, #tpu.memory_space<hbm>>
      %dma_wait3A_257 = tpu.memref_squeeze %dma_wait3A_256 : memref<1x1x128xi32, #tpu.memory_space<hbm>> -> memref<128xi32, #tpu.memory_space<hbm>>
      tpu.wait_dma2 semaphore(%arg15 : memref<!tpu.dma_semaphore, #tpu.memory_space<semaphore_mem>>) src(%dma_wait3A_257 : memref<128xi32, #tpu.memory_space<hbm>>) dst(%dma_wait3A_254 : memref<128xi32, #tpu.memory_space<vmem>>)
      %run_scoped3A_258 = arith.constant 0 : i32
      %run_scoped3A_259 = arith.constant 0 : i32
      "tpu.region"() ({
        %run_scoped3A_362 = tpu.sem_alloc : memref<!tpu.dma_semaphore, #tpu.memory_space<semaphore_mem>>
        %dma_start3A_363 = arith.constant 0 : i32
        %dma_start3A_364 = arith.constant 0 : i32
        %dma_start3A_365 = tpu.memref_slice %arg9[%run_scoped3A_258, %dma_start3A_363, %dma_start3A_364] : memref<2x128x128xf32, #tpu.memory_space<vmem>> -> memref<1x128x128xf32, #tpu.memory_space<vmem>>
        %dma_start3A_366 = tpu.memref_squeeze %dma_start3A_365 : memref<1x128x128xf32, #tpu.memory_space<vmem>> -> memref<128x128xf32, #tpu.memory_space<vmem>>
        %dma_start3A_367 = arith.constant 0 : i32
        %dma_start3A_368 = tpu.memref_slice %arg8[%run_scoped3A_259, %dma_start3A_367] : memref<2x128xi32, #tpu.memory_space<vmem>> -> memref<1x128xi32, #tpu.memory_space<vmem>>
        %dma_start3A_369 = tpu.memref_squeeze %dma_start3A_368 : memref<1x128xi32, #tpu.memory_space<vmem>> -> memref<128xi32, #tpu.memory_space<vmem>>
        %dma_start3A_370 = arith.constant 0 : i32
        %dma_start3A_371 = arith.constant 0 : i32
        %dma_start3A_372 = tpu.memref_slice %arg10[%dma_start3A_370, %dma_start3A_371] : memref<10112x128xf32, #tpu.memory_space<vmem_shared>> -> memref<10112x128xf32, #tpu.memory_space<vmem_shared>>
        tpu.enqueue_indirect_dma source(%dma_start3A_366 : memref<128x128xf32, #tpu.memory_space<vmem>>) target(%dma_start3A_372 : memref<10112x128xf32, #tpu.memory_space<vmem_shared>>) offsets(%dma_start3A_369 : memref<128xi32, #tpu.memory_space<vmem>>) semaphore(%run_scoped3A_362 : memref<!tpu.dma_semaphore, #tpu.memory_space<semaphore_mem>>) {add = true}
        %dma_wait3A_373 = arith.constant 0 : i32
        %dma_wait3A_374 = arith.constant 0 : i32
        %dma_wait3A_375 = tpu.memref_slice %arg9[%run_scoped3A_258, %dma_wait3A_373, %dma_wait3A_374] : memref<2x128x128xf32, #tpu.memory_space<vmem>> -> memref<1x128x128xf32, #tpu.memory_space<vmem>>
        %dma_wait3A_376 = tpu.memref_squeeze %dma_wait3A_375 : memref<1x128x128xf32, #tpu.memory_space<vmem>> -> memref<128x128xf32, #tpu.memory_space<vmem>>
        %dma_wait3A_377 = arith.constant 0 : i32
        %dma_wait3A_378 = tpu.memref_slice %arg8[%run_scoped3A_259, %dma_wait3A_377] : memref<2x128xi32, #tpu.memory_space<vmem>> -> memref<1x128xi32, #tpu.memory_space<vmem>>
        %dma_wait3A_379 = tpu.memref_squeeze %dma_wait3A_378 : memref<1x128xi32, #tpu.memory_space<vmem>> -> memref<128xi32, #tpu.memory_space<vmem>>
        %dma_wait3A_380 = arith.constant 0 : i32
        %dma_wait3A_381 = arith.constant 0 : i32
        %dma_wait3A_382 = tpu.memref_slice %arg10[%dma_wait3A_380, %dma_wait3A_381] : memref<10112x128xf32, #tpu.memory_space<vmem_shared>> -> memref<10112x128xf32, #tpu.memory_space<vmem_shared>>
        tpu.wait_indirect_dma semaphore(%run_scoped3A_362 : memref<!tpu.dma_semaphore, #tpu.memory_space<semaphore_mem>>) src(%dma_wait3A_376 : memref<128x128xf32, #tpu.memory_space<vmem>>) dst(%dma_wait3A_382 : memref<10112x128xf32, #tpu.memory_space<vmem_shared>>)
        tpu.yield
      }) : () -> ()
      %add3A_260 = arith.constant 2 : i32
      %add3A_261 = arith.addi %mul3A_190, %add3A_260 : i32
      %dma_start3A_262 = arith.constant 0 : i32
      %dma_start3A_263 = arith.constant 0 : i32
      %dma_start3A_264 = tpu.memref_slice %arg8[%dma_start3A_262, %dma_start3A_263] : memref<2x128xi32, #tpu.memory_space<vmem>> -> memref<1x128xi32, #tpu.memory_space<vmem>>
      %dma_start3A_265 = tpu.memref_squeeze %dma_start3A_264 : memref<1x128xi32, #tpu.memory_space<vmem>> -> memref<128xi32, #tpu.memory_space<vmem>>
      %dma_start3A_266 = arith.constant 0 : i32
      %dma_start3A_267 = tpu.memref_slice %arg4[%add3A, %add3A_261, %dma_start3A_266] : memref<32x80x128xi32, #tpu.memory_space<hbm>> -> memref<1x1x128xi32, #tpu.memory_space<hbm>>
      %dma_start3A_268 = tpu.memref_squeeze %dma_start3A_267 : memref<1x1x128xi32, #tpu.memory_space<hbm>> -> memref<128xi32, #tpu.memory_space<hbm>>
      %dma_start3A_269 = arith.constant 0 : i32
      %dma_start3A_270 = tpu.memref_slice %arg8[%dma_start3A_262, %dma_start3A_269] : memref<2x128xi32, #tpu.memory_space<vmem>> -> memref<1x128xi32, #tpu.memory_space<vmem>>
      %dma_start3A_271 = tpu.memref_squeeze %dma_start3A_270 : memref<1x128xi32, #tpu.memory_space<vmem>> -> memref<128xi32, #tpu.memory_space<vmem>>
      %dma_start3A_272 = arith.constant 0 : i32
      %dma_start3A_273 = tpu.memref_slice %arg4[%add3A, %add3A_261, %dma_start3A_272] : memref<32x80x128xi32, #tpu.memory_space<hbm>> -> memref<1x1x128xi32, #tpu.memory_space<hbm>>
      %dma_start3A_274 = tpu.memref_squeeze %dma_start3A_273 : memref<1x1x128xi32, #tpu.memory_space<hbm>> -> memref<128xi32, #tpu.memory_space<hbm>>
      tpu.enqueue_dma source(%dma_start3A_274 : memref<128xi32, #tpu.memory_space<hbm>>) target(%dma_start3A_271 : memref<128xi32, #tpu.memory_space<vmem>>) target_semaphore(%arg15 : memref<!tpu.dma_semaphore, #tpu.memory_space<semaphore_mem>>)
      %add3A_275 = arith.constant 1 : i32
      %add3A_276 = arith.addi %mul3A_190, %add3A_275 : i32
      %add3A_277 = arith.constant 1 : i32
      %add3A_278 = arith.addi %add3A_276, %add3A_277 : i32
      %dma_wait3A_279 = arith.constant 0 : i32
      %dma_wait3A_280 = arith.constant 0 : i32
      %dma_wait3A_281 = tpu.memref_slice %arg7[%dma_wait3A_279, %dma_wait3A_280] : memref<2x128xi32, #tpu.memory_space<vmem>> -> memref<1x128xi32, #tpu.memory_space<vmem>>
      %dma_wait3A_282 = tpu.memref_squeeze %dma_wait3A_281 : memref<1x128xi32, #tpu.memory_space<vmem>> -> memref<128xi32, #tpu.memory_space<vmem>>
      %dma_wait3A_283 = arith.constant 0 : i32
      %dma_wait3A_284 = tpu.memref_slice %arg3[%add3A, %add3A_278, %dma_wait3A_283] : memref<32x80x128xi32, #tpu.memory_space<hbm>> -> memref<1x1x128xi32, #tpu.memory_space<hbm>>
      %dma_wait3A_285 = tpu.memref_squeeze %dma_wait3A_284 : memref<1x1x128xi32, #tpu.memory_space<hbm>> -> memref<128xi32, #tpu.memory_space<hbm>>
      %dma_wait3A_286 = arith.constant 0 : i32
      %dma_wait3A_287 = tpu.memref_slice %arg7[%dma_wait3A_279, %dma_wait3A_286] : memref<2x128xi32, #tpu.memory_space<vmem>> -> memref<1x128xi32, #tpu.memory_space<vmem>>
      %dma_wait3A_288 = tpu.memref_squeeze %dma_wait3A_287 : memref<1x128xi32, #tpu.memory_space<vmem>> -> memref<128xi32, #tpu.memory_space<vmem>>
      %dma_wait3A_289 = arith.constant 0 : i32
      %dma_wait3A_290 = tpu.memref_slice %arg3[%add3A, %add3A_278, %dma_wait3A_289] : memref<32x80x128xi32, #tpu.memory_space<hbm>> -> memref<1x1x128xi32, #tpu.memory_space<hbm>>
      %dma_wait3A_291 = tpu.memref_squeeze %dma_wait3A_290 : memref<1x1x128xi32, #tpu.memory_space<hbm>> -> memref<128xi32, #tpu.memory_space<hbm>>
      tpu.wait_dma2 semaphore(%arg13 : memref<!tpu.dma_semaphore, #tpu.memory_space<semaphore_mem>>) src(%dma_wait3A_291 : memref<128xi32, #tpu.memory_space<hbm>>) dst(%dma_wait3A_288 : memref<128xi32, #tpu.memory_space<vmem>>)
      %dma_wait3A_292 = arith.constant 1 : i32
      %dma_wait3A_293 = arith.constant 1 : i32
      %dma_wait3A_294 = arith.constant 0 : i32
      %dma_wait3A_295 = arith.constant 0 : i32
      %dma_wait3A_296 = tpu.memref_slice %arg9[%dma_wait3A_293, %dma_wait3A_294, %dma_wait3A_295] : memref<2x128x128xf32, #tpu.memory_space<vmem>> -> memref<1x128x128xf32, #tpu.memory_space<vmem>>
      %dma_wait3A_297 = tpu.memref_squeeze %dma_wait3A_296 : memref<1x128x128xf32, #tpu.memory_space<vmem>> -> memref<128x128xf32, #tpu.memory_space<vmem>>
      %dma_wait3A_298 = arith.constant 0 : i32
      %dma_wait3A_299 = tpu.memref_slice %arg7[%dma_wait3A_292, %dma_wait3A_298] : memref<2x128xi32, #tpu.memory_space<vmem>> -> memref<1x128xi32, #tpu.memory_space<vmem>>
      %dma_wait3A_300 = tpu.memref_squeeze %dma_wait3A_299 : memref<1x128xi32, #tpu.memory_space<vmem>> -> memref<128xi32, #tpu.memory_space<vmem>>
      %dma_wait3A_301 = arith.constant 0 : i32
      %dma_wait3A_302 = arith.constant 0 : i32
      %dma_wait3A_303 = tpu.memref_slice %arg2[%dma_wait3A_301, %dma_wait3A_302] : memref<10112x128xf32, #tpu.memory_space<hbm>> -> memref<10112x128xf32, #tpu.memory_space<hbm>>
      tpu.wait_indirect_dma semaphore(%arg12 : memref<!tpu.dma_semaphore, #tpu.memory_space<semaphore_mem>>) src(%dma_wait3A_303 : memref<10112x128xf32, #tpu.memory_space<hbm>>) dst(%dma_wait3A_297 : memref<128x128xf32, #tpu.memory_space<vmem>>)
      %dma_start3A_304 = arith.constant 0 : i32
      %dma_start3A_305 = arith.constant 0 : i32
      %dma_start3A_306 = arith.constant 0 : i32
      %dma_start3A_307 = arith.constant 0 : i32
      %dma_start3A_308 = tpu.memref_slice %arg9[%dma_start3A_305, %dma_start3A_306, %dma_start3A_307] : memref<2x128x128xf32, #tpu.memory_space<vmem>> -> memref<1x128x128xf32, #tpu.memory_space<vmem>>
      %dma_start3A_309 = tpu.memref_squeeze %dma_start3A_308 : memref<1x128x128xf32, #tpu.memory_space<vmem>> -> memref<128x128xf32, #tpu.memory_space<vmem>>
      %dma_start3A_310 = arith.constant 0 : i32
      %dma_start3A_311 = tpu.memref_slice %arg7[%dma_start3A_304, %dma_start3A_310] : memref<2x128xi32, #tpu.memory_space<vmem>> -> memref<1x128xi32, #tpu.memory_space<vmem>>
      %dma_start3A_312 = tpu.memref_squeeze %dma_start3A_311 : memref<1x128xi32, #tpu.memory_space<vmem>> -> memref<128xi32, #tpu.memory_space<vmem>>
      %dma_start3A_313 = arith.constant 0 : i32
      %dma_start3A_314 = arith.constant 0 : i32
      %dma_start3A_315 = tpu.memref_slice %arg2[%dma_start3A_313, %dma_start3A_314] : memref<10112x128xf32, #tpu.memory_space<hbm>> -> memref<10112x128xf32, #tpu.memory_space<hbm>>
      tpu.enqueue_indirect_dma source(%dma_start3A_315 : memref<10112x128xf32, #tpu.memory_space<hbm>>) target(%dma_start3A_309 : memref<128x128xf32, #tpu.memory_space<vmem>>) offsets(%dma_start3A_312 : memref<128xi32, #tpu.memory_space<vmem>>) semaphore(%arg11 : memref<!tpu.dma_semaphore, #tpu.memory_space<semaphore_mem>>)
      %add3A_316 = arith.constant 2 : i32
      %add3A_317 = arith.addi %add3A_276, %add3A_316 : i32
      %dma_start3A_318 = arith.constant 1 : i32
      %dma_start3A_319 = arith.constant 0 : i32
      %dma_start3A_320 = tpu.memref_slice %arg7[%dma_start3A_318, %dma_start3A_319] : memref<2x128xi32, #tpu.memory_space<vmem>> -> memref<1x128xi32, #tpu.memory_space<vmem>>
      %dma_start3A_321 = tpu.memref_squeeze %dma_start3A_320 : memref<1x128xi32, #tpu.memory_space<vmem>> -> memref<128xi32, #tpu.memory_space<vmem>>
      %dma_start3A_322 = arith.constant 0 : i32
      %dma_start3A_323 = tpu.memref_slice %arg3[%add3A, %add3A_317, %dma_start3A_322] : memref<32x80x128xi32, #tpu.memory_space<hbm>> -> memref<1x1x128xi32, #tpu.memory_space<hbm>>
      %dma_start3A_324 = tpu.memref_squeeze %dma_start3A_323 : memref<1x1x128xi32, #tpu.memory_space<hbm>> -> memref<128xi32, #tpu.memory_space<hbm>>
      %dma_start3A_325 = arith.constant 0 : i32
      %dma_start3A_326 = tpu.memref_slice %arg7[%dma_start3A_318, %dma_start3A_325] : memref<2x128xi32, #tpu.memory_space<vmem>> -> memref<1x128xi32, #tpu.memory_space<vmem>>
      %dma_start3A_327 = tpu.memref_squeeze %dma_start3A_326 : memref<1x128xi32, #tpu.memory_space<vmem>> -> memref<128xi32, #tpu.memory_space<vmem>>
      %dma_start3A_328 = arith.constant 0 : i32
      %dma_start3A_329 = tpu.memref_slice %arg3[%add3A, %add3A_317, %dma_start3A_328] : memref<32x80x128xi32, #tpu.memory_space<hbm>> -> memref<1x1x128xi32, #tpu.memory_space<hbm>>
      %dma_start3A_330 = tpu.memref_squeeze %dma_start3A_329 : memref<1x1x128xi32, #tpu.memory_space<hbm>> -> memref<128xi32, #tpu.memory_space<hbm>>
      tpu.enqueue_dma source(%dma_start3A_330 : memref<128xi32, #tpu.memory_space<hbm>>) target(%dma_start3A_327 : memref<128xi32, #tpu.memory_space<vmem>>) target_semaphore(%arg14 : memref<!tpu.dma_semaphore, #tpu.memory_space<semaphore_mem>>)
      %dma_wait3A_331 = arith.constant 1 : i32
      %dma_wait3A_332 = arith.constant 0 : i32
      %dma_wait3A_333 = tpu.memref_slice %arg8[%dma_wait3A_331, %dma_wait3A_332] : memref<2x128xi32, #tpu.memory_space<vmem>> -> memref<1x128xi32, #tpu.memory_space<vmem>>
      %dma_wait3A_334 = tpu.memref_squeeze %dma_wait3A_333 : memref<1x128xi32, #tpu.memory_space<vmem>> -> memref<128xi32, #tpu.memory_space<vmem>>
      %dma_wait3A_335 = arith.constant 0 : i32
      %dma_wait3A_336 = tpu.memref_slice %arg4[%add3A, %add3A_276, %dma_wait3A_335] : memref<32x80x128xi32, #tpu.memory_space<hbm>> -> memref<1x1x128xi32, #tpu.memory_space<hbm>>
      %dma_wait3A_337 = tpu.memref_squeeze %dma_wait3A_336 : memref<1x1x128xi32, #tpu.memory_space<hbm>> -> memref<128xi32, #tpu.memory_space<hbm>>
      %dma_wait3A_338 = arith.constant 0 : i32
      %dma_wait3A_339 = tpu.memref_slice %arg8[%dma_wait3A_331, %dma_wait3A_338] : memref<2x128xi32, #tpu.memory_space<vmem>> -> memref<1x128xi32, #tpu.memory_space<vmem>>
      %dma_wait3A_340 = tpu.memref_squeeze %dma_wait3A_339 : memref<1x128xi32, #tpu.memory_space<vmem>> -> memref<128xi32, #tpu.memory_space<vmem>>
      %dma_wait3A_341 = arith.constant 0 : i32
      %dma_wait3A_342 = tpu.memref_slice %arg4[%add3A, %add3A_276, %dma_wait3A_341] : memref<32x80x128xi32, #tpu.memory_space<hbm>> -> memref<1x1x128xi32, #tpu.memory_space<hbm>>
      %dma_wait3A_343 = tpu.memref_squeeze %dma_wait3A_342 : memref<1x1x128xi32, #tpu.memory_space<hbm>> -> memref<128xi32, #tpu.memory_space<hbm>>
      tpu.wait_dma2 semaphore(%arg16 : memref<!tpu.dma_semaphore, #tpu.memory_space<semaphore_mem>>) src(%dma_wait3A_343 : memref<128xi32, #tpu.memory_space<hbm>>) dst(%dma_wait3A_340 : memref<128xi32, #tpu.memory_space<vmem>>)
      %run_scoped3A_344 = arith.constant 1 : i32
      %run_scoped3A_345 = arith.constant 1 : i32
      "tpu.region"() ({
        %run_scoped3A_362 = tpu.sem_alloc : memref<!tpu.dma_semaphore, #tpu.memory_space<semaphore_mem>>
        %dma_start3A_363 = arith.constant 0 : i32
        %dma_start3A_364 = arith.constant 0 : i32
        %dma_start3A_365 = tpu.memref_slice %arg9[%run_scoped3A_344, %dma_start3A_363, %dma_start3A_364] : memref<2x128x128xf32, #tpu.memory_space<vmem>> -> memref<1x128x128xf32, #tpu.memory_space<vmem>>
        %dma_start3A_366 = tpu.memref_squeeze %dma_start3A_365 : memref<1x128x128xf32, #tpu.memory_space<vmem>> -> memref<128x128xf32, #tpu.memory_space<vmem>>
        %dma_start3A_367 = arith.constant 0 : i32
        %dma_start3A_368 = tpu.memref_slice %arg8[%run_scoped3A_345, %dma_start3A_367] : memref<2x128xi32, #tpu.memory_space<vmem>> -> memref<1x128xi32, #tpu.memory_space<vmem>>
        %dma_start3A_369 = tpu.memref_squeeze %dma_start3A_368 : memref<1x128xi32, #tpu.memory_space<vmem>> -> memref<128xi32, #tpu.memory_space<vmem>>
        %dma_start3A_370 = arith.constant 0 : i32
        %dma_start3A_371 = arith.constant 0 : i32
        %dma_start3A_372 = tpu.memref_slice %arg10[%dma_start3A_370, %dma_start3A_371] : memref<10112x128xf32, #tpu.memory_space<vmem_shared>> -> memref<10112x128xf32, #tpu.memory_space<vmem_shared>>
        tpu.enqueue_indirect_dma source(%dma_start3A_366 : memref<128x128xf32, #tpu.memory_space<vmem>>) target(%dma_start3A_372 : memref<10112x128xf32, #tpu.memory_space<vmem_shared>>) offsets(%dma_start3A_369 : memref<128xi32, #tpu.memory_space<vmem>>) semaphore(%run_scoped3A_362 : memref<!tpu.dma_semaphore, #tpu.memory_space<semaphore_mem>>) {add = true}
        %dma_wait3A_373 = arith.constant 0 : i32
        %dma_wait3A_374 = arith.constant 0 : i32
        %dma_wait3A_375 = tpu.memref_slice %arg9[%run_scoped3A_344, %dma_wait3A_373, %dma_wait3A_374] : memref<2x128x128xf32, #tpu.memory_space<vmem>> -> memref<1x128x128xf32, #tpu.memory_space<vmem>>
        %dma_wait3A_376 = tpu.memref_squeeze %dma_wait3A_375 : memref<1x128x128xf32, #tpu.memory_space<vmem>> -> memref<128x128xf32, #tpu.memory_space<vmem>>
        %dma_wait3A_377 = arith.constant 0 : i32
        %dma_wait3A_378 = tpu.memref_slice %arg8[%run_scoped3A_345, %dma_wait3A_377] : memref<2x128xi32, #tpu.memory_space<vmem>> -> memref<1x128xi32, #tpu.memory_space<vmem>>
        %dma_wait3A_379 = tpu.memref_squeeze %dma_wait3A_378 : memref<1x128xi32, #tpu.memory_space<vmem>> -> memref<128xi32, #tpu.memory_space<vmem>>
        %dma_wait3A_380 = arith.constant 0 : i32
        %dma_wait3A_381 = arith.constant 0 : i32
        %dma_wait3A_382 = tpu.memref_slice %arg10[%dma_wait3A_380, %dma_wait3A_381] : memref<10112x128xf32, #tpu.memory_space<vmem_shared>> -> memref<10112x128xf32, #tpu.memory_space<vmem_shared>>
        tpu.wait_indirect_dma semaphore(%run_scoped3A_362 : memref<!tpu.dma_semaphore, #tpu.memory_space<semaphore_mem>>) src(%dma_wait3A_376 : memref<128x128xf32, #tpu.memory_space<vmem>>) dst(%dma_wait3A_382 : memref<10112x128xf32, #tpu.memory_space<vmem_shared>>)
        tpu.yield
      }) : () -> ()
      %add3A_346 = arith.constant 2 : i32
      %add3A_347 = arith.addi %add3A_276, %add3A_346 : i32
      %dma_start3A_348 = arith.constant 1 : i32
      %dma_start3A_349 = arith.constant 0 : i32
      %dma_start3A_350 = tpu.memref_slice %arg8[%dma_start3A_348, %dma_start3A_349] : memref<2x128xi32, #tpu.memory_space<vmem>> -> memref<1x128xi32, #tpu.memory_space<vmem>>
      %dma_start3A_351 = tpu.memref_squeeze %dma_start3A_350 : memref<1x128xi32, #tpu.memory_space<vmem>> -> memref<128xi32, #tpu.memory_space<vmem>>
      %dma_start3A_352 = arith.constant 0 : i32
      %dma_start3A_353 = tpu.memref_slice %arg4[%add3A, %add3A_347, %dma_start3A_352] : memref<32x80x128xi32, #tpu.memory_space<hbm>> -> memref<1x1x128xi32, #tpu.memory_space<hbm>>
      %dma_start3A_354 = tpu.memref_squeeze %dma_start3A_353 : memref<1x1x128xi32, #tpu.memory_space<hbm>> -> memref<128xi32, #tpu.memory_space<hbm>>
      %dma_start3A_355 = arith.constant 0 : i32
      %dma_start3A_356 = tpu.memref_slice %arg8[%dma_start3A_348, %dma_start3A_355] : memref<2x128xi32, #tpu.memory_space<vmem>> -> memref<1x128xi32, #tpu.memory_space<vmem>>
      %dma_start3A_357 = tpu.memref_squeeze %dma_start3A_356 : memref<1x128xi32, #tpu.memory_space<vmem>> -> memref<128xi32, #tpu.memory_space<vmem>>
      %dma_start3A_358 = arith.constant 0 : i32
      %dma_start3A_359 = tpu.memref_slice %arg4[%add3A, %add3A_347, %dma_start3A_358] : memref<32x80x128xi32, #tpu.memory_space<hbm>> -> memref<1x1x128xi32, #tpu.memory_space<hbm>>
      %dma_start3A_360 = tpu.memref_squeeze %dma_start3A_359 : memref<1x1x128xi32, #tpu.memory_space<hbm>> -> memref<128xi32, #tpu.memory_space<hbm>>
      tpu.enqueue_dma source(%dma_start3A_360 : memref<128xi32, #tpu.memory_space<hbm>>) target(%dma_start3A_357 : memref<128xi32, #tpu.memory_space<vmem>>) target_semaphore(%arg16 : memref<!tpu.dma_semaphore, #tpu.memory_space<semaphore_mem>>)
      %scan3A_361 = arith.constant 0 : i32
      scf.yield %scan3A_361 : i32
    }
    %scan3A_103 = arith.constant 39 : i32
    %dma_wait3A_104 = arith.constant 79 : i32
    %dma_wait3A_105 = arith.constant 1 : i32
    %dma_wait3A_106 = arith.constant 0 : i32
    %dma_wait3A_107 = tpu.memref_slice %arg7[%dma_wait3A_105, %dma_wait3A_106] : memref<2x128xi32, #tpu.memory_space<vmem>> -> memref<1x128xi32, #tpu.memory_space<vmem>>
    %dma_wait3A_108 = tpu.memref_squeeze %dma_wait3A_107 : memref<1x128xi32, #tpu.memory_space<vmem>> -> memref<128xi32, #tpu.memory_space<vmem>>
    %dma_wait3A_109 = arith.constant 0 : i32
    %dma_wait3A_110 = tpu.memref_slice %arg3[%add3A, %dma_wait3A_104, %dma_wait3A_109] : memref<32x80x128xi32, #tpu.memory_space<hbm>> -> memref<1x1x128xi32, #tpu.memory_space<hbm>>
    %dma_wait3A_111 = tpu.memref_squeeze %dma_wait3A_110 : memref<1x1x128xi32, #tpu.memory_space<hbm>> -> memref<128xi32, #tpu.memory_space<hbm>>
    %dma_wait3A_112 = arith.constant 0 : i32
    %dma_wait3A_113 = tpu.memref_slice %arg7[%dma_wait3A_105, %dma_wait3A_112] : memref<2x128xi32, #tpu.memory_space<vmem>> -> memref<1x128xi32, #tpu.memory_space<vmem>>
    %dma_wait3A_114 = tpu.memref_squeeze %dma_wait3A_113 : memref<1x128xi32, #tpu.memory_space<vmem>> -> memref<128xi32, #tpu.memory_space<vmem>>
    %dma_wait3A_115 = arith.constant 0 : i32
    %dma_wait3A_116 = tpu.memref_slice %arg3[%add3A, %dma_wait3A_104, %dma_wait3A_115] : memref<32x80x128xi32, #tpu.memory_space<hbm>> -> memref<1x1x128xi32, #tpu.memory_space<hbm>>
    %dma_wait3A_117 = tpu.memref_squeeze %dma_wait3A_116 : memref<1x1x128xi32, #tpu.memory_space<hbm>> -> memref<128xi32, #tpu.memory_space<hbm>>
    tpu.wait_dma2 semaphore(%arg14 : memref<!tpu.dma_semaphore, #tpu.memory_space<semaphore_mem>>) src(%dma_wait3A_117 : memref<128xi32, #tpu.memory_space<hbm>>) dst(%dma_wait3A_114 : memref<128xi32, #tpu.memory_space<vmem>>)
    %dma_wait3A_118 = arith.constant 0 : i32
    %dma_wait3A_119 = arith.constant 0 : i32
    %dma_wait3A_120 = arith.constant 0 : i32
    %dma_wait3A_121 = arith.constant 0 : i32
    %dma_wait3A_122 = tpu.memref_slice %arg9[%dma_wait3A_119, %dma_wait3A_120, %dma_wait3A_121] : memref<2x128x128xf32, #tpu.memory_space<vmem>> -> memref<1x128x128xf32, #tpu.memory_space<vmem>>
    %dma_wait3A_123 = tpu.memref_squeeze %dma_wait3A_122 : memref<1x128x128xf32, #tpu.memory_space<vmem>> -> memref<128x128xf32, #tpu.memory_space<vmem>>
    %dma_wait3A_124 = arith.constant 0 : i32
    %dma_wait3A_125 = tpu.memref_slice %arg7[%dma_wait3A_118, %dma_wait3A_124] : memref<2x128xi32, #tpu.memory_space<vmem>> -> memref<1x128xi32, #tpu.memory_space<vmem>>
    %dma_wait3A_126 = tpu.memref_squeeze %dma_wait3A_125 : memref<1x128xi32, #tpu.memory_space<vmem>> -> memref<128xi32, #tpu.memory_space<vmem>>
    %dma_wait3A_127 = arith.constant 0 : i32
    %dma_wait3A_128 = arith.constant 0 : i32
    %dma_wait3A_129 = tpu.memref_slice %arg2[%dma_wait3A_127, %dma_wait3A_128] : memref<10112x128xf32, #tpu.memory_space<hbm>> -> memref<10112x128xf32, #tpu.memory_space<hbm>>
    tpu.wait_indirect_dma semaphore(%arg11 : memref<!tpu.dma_semaphore, #tpu.memory_space<semaphore_mem>>) src(%dma_wait3A_129 : memref<10112x128xf32, #tpu.memory_space<hbm>>) dst(%dma_wait3A_123 : memref<128x128xf32, #tpu.memory_space<vmem>>)
    %dma_start3A_130 = arith.constant 1 : i32
    %dma_start3A_131 = arith.constant 1 : i32
    %dma_start3A_132 = arith.constant 0 : i32
    %dma_start3A_133 = arith.constant 0 : i32
    %dma_start3A_134 = tpu.memref_slice %arg9[%dma_start3A_131, %dma_start3A_132, %dma_start3A_133] : memref<2x128x128xf32, #tpu.memory_space<vmem>> -> memref<1x128x128xf32, #tpu.memory_space<vmem>>
    %dma_start3A_135 = tpu.memref_squeeze %dma_start3A_134 : memref<1x128x128xf32, #tpu.memory_space<vmem>> -> memref<128x128xf32, #tpu.memory_space<vmem>>
    %dma_start3A_136 = arith.constant 0 : i32
    %dma_start3A_137 = tpu.memref_slice %arg7[%dma_start3A_130, %dma_start3A_136] : memref<2x128xi32, #tpu.memory_space<vmem>> -> memref<1x128xi32, #tpu.memory_space<vmem>>
    %dma_start3A_138 = tpu.memref_squeeze %dma_start3A_137 : memref<1x128xi32, #tpu.memory_space<vmem>> -> memref<128xi32, #tpu.memory_space<vmem>>
    %dma_start3A_139 = arith.constant 0 : i32
    %dma_start3A_140 = arith.constant 0 : i32
    %dma_start3A_141 = tpu.memref_slice %arg2[%dma_start3A_139, %dma_start3A_140] : memref<10112x128xf32, #tpu.memory_space<hbm>> -> memref<10112x128xf32, #tpu.memory_space<hbm>>
    tpu.enqueue_indirect_dma source(%dma_start3A_141 : memref<10112x128xf32, #tpu.memory_space<hbm>>) target(%dma_start3A_135 : memref<128x128xf32, #tpu.memory_space<vmem>>) offsets(%dma_start3A_138 : memref<128xi32, #tpu.memory_space<vmem>>) semaphore(%arg12 : memref<!tpu.dma_semaphore, #tpu.memory_space<semaphore_mem>>)
    %dma_wait3A_142 = arith.constant 78 : i32
    %dma_wait3A_143 = arith.constant 0 : i32
    %dma_wait3A_144 = arith.constant 0 : i32
    %dma_wait3A_145 = tpu.memref_slice %arg8[%dma_wait3A_143, %dma_wait3A_144] : memref<2x128xi32, #tpu.memory_space<vmem>> -> memref<1x128xi32, #tpu.memory_space<vmem>>
    %dma_wait3A_146 = tpu.memref_squeeze %dma_wait3A_145 : memref<1x128xi32, #tpu.memory_space<vmem>> -> memref<128xi32, #tpu.memory_space<vmem>>
    %dma_wait3A_147 = arith.constant 0 : i32
    %dma_wait3A_148 = tpu.memref_slice %arg4[%add3A, %dma_wait3A_142, %dma_wait3A_147] : memref<32x80x128xi32, #tpu.memory_space<hbm>> -> memref<1x1x128xi32, #tpu.memory_space<hbm>>
    %dma_wait3A_149 = tpu.memref_squeeze %dma_wait3A_148 : memref<1x1x128xi32, #tpu.memory_space<hbm>> -> memref<128xi32, #tpu.memory_space<hbm>>
    %dma_wait3A_150 = arith.constant 0 : i32
    %dma_wait3A_151 = tpu.memref_slice %arg8[%dma_wait3A_143, %dma_wait3A_150] : memref<2x128xi32, #tpu.memory_space<vmem>> -> memref<1x128xi32, #tpu.memory_space<vmem>>
    %dma_wait3A_152 = tpu.memref_squeeze %dma_wait3A_151 : memref<1x128xi32, #tpu.memory_space<vmem>> -> memref<128xi32, #tpu.memory_space<vmem>>
    %dma_wait3A_153 = arith.constant 0 : i32
    %dma_wait3A_154 = tpu.memref_slice %arg4[%add3A, %dma_wait3A_142, %dma_wait3A_153] : memref<32x80x128xi32, #tpu.memory_space<hbm>> -> memref<1x1x128xi32, #tpu.memory_space<hbm>>
    %dma_wait3A_155 = tpu.memref_squeeze %dma_wait3A_154 : memref<1x1x128xi32, #tpu.memory_space<hbm>> -> memref<128xi32, #tpu.memory_space<hbm>>
    tpu.wait_dma2 semaphore(%arg15 : memref<!tpu.dma_semaphore, #tpu.memory_space<semaphore_mem>>) src(%dma_wait3A_155 : memref<128xi32, #tpu.memory_space<hbm>>) dst(%dma_wait3A_152 : memref<128xi32, #tpu.memory_space<vmem>>)
    %run_scoped3A_156 = arith.constant 0 : i32
    %run_scoped3A_157 = arith.constant 0 : i32
    "tpu.region"() ({
      %run_scoped3A_187 = tpu.sem_alloc : memref<!tpu.dma_semaphore, #tpu.memory_space<semaphore_mem>>
      %dma_start3A_188 = arith.constant 0 : i32
      %dma_start3A_189 = arith.constant 0 : i32
      %dma_start3A_190 = tpu.memref_slice %arg9[%run_scoped3A_156, %dma_start3A_188, %dma_start3A_189] : memref<2x128x128xf32, #tpu.memory_space<vmem>> -> memref<1x128x128xf32, #tpu.memory_space<vmem>>
      %dma_start3A_191 = tpu.memref_squeeze %dma_start3A_190 : memref<1x128x128xf32, #tpu.memory_space<vmem>> -> memref<128x128xf32, #tpu.memory_space<vmem>>
      %dma_start3A_192 = arith.constant 0 : i32
      %dma_start3A_193 = tpu.memref_slice %arg8[%run_scoped3A_157, %dma_start3A_192] : memref<2x128xi32, #tpu.memory_space<vmem>> -> memref<1x128xi32, #tpu.memory_space<vmem>>
      %dma_start3A_194 = tpu.memref_squeeze %dma_start3A_193 : memref<1x128xi32, #tpu.memory_space<vmem>> -> memref<128xi32, #tpu.memory_space<vmem>>
      %dma_start3A_195 = arith.constant 0 : i32
      %dma_start3A_196 = arith.constant 0 : i32
      %dma_start3A_197 = tpu.memref_slice %arg10[%dma_start3A_195, %dma_start3A_196] : memref<10112x128xf32, #tpu.memory_space<vmem_shared>> -> memref<10112x128xf32, #tpu.memory_space<vmem_shared>>
      tpu.enqueue_indirect_dma source(%dma_start3A_191 : memref<128x128xf32, #tpu.memory_space<vmem>>) target(%dma_start3A_197 : memref<10112x128xf32, #tpu.memory_space<vmem_shared>>) offsets(%dma_start3A_194 : memref<128xi32, #tpu.memory_space<vmem>>) semaphore(%run_scoped3A_187 : memref<!tpu.dma_semaphore, #tpu.memory_space<semaphore_mem>>) {add = true}
      %dma_wait3A_198 = arith.constant 0 : i32
      %dma_wait3A_199 = arith.constant 0 : i32
      %dma_wait3A_200 = tpu.memref_slice %arg9[%run_scoped3A_156, %dma_wait3A_198, %dma_wait3A_199] : memref<2x128x128xf32, #tpu.memory_space<vmem>> -> memref<1x128x128xf32, #tpu.memory_space<vmem>>
      %dma_wait3A_201 = tpu.memref_squeeze %dma_wait3A_200 : memref<1x128x128xf32, #tpu.memory_space<vmem>> -> memref<128x128xf32, #tpu.memory_space<vmem>>
      %dma_wait3A_202 = arith.constant 0 : i32
      %dma_wait3A_203 = tpu.memref_slice %arg8[%run_scoped3A_157, %dma_wait3A_202] : memref<2x128xi32, #tpu.memory_space<vmem>> -> memref<1x128xi32, #tpu.memory_space<vmem>>
      %dma_wait3A_204 = tpu.memref_squeeze %dma_wait3A_203 : memref<1x128xi32, #tpu.memory_space<vmem>> -> memref<128xi32, #tpu.memory_space<vmem>>
      %dma_wait3A_205 = arith.constant 0 : i32
      %dma_wait3A_206 = arith.constant 0 : i32
      %dma_wait3A_207 = tpu.memref_slice %arg10[%dma_wait3A_205, %dma_wait3A_206] : memref<10112x128xf32, #tpu.memory_space<vmem_shared>> -> memref<10112x128xf32, #tpu.memory_space<vmem_shared>>
      tpu.wait_indirect_dma semaphore(%run_scoped3A_187 : memref<!tpu.dma_semaphore, #tpu.memory_space<semaphore_mem>>) src(%dma_wait3A_201 : memref<128x128xf32, #tpu.memory_space<vmem>>) dst(%dma_wait3A_207 : memref<10112x128xf32, #tpu.memory_space<vmem_shared>>)
      tpu.yield
    }) : () -> ()
    %dma_wait3A_158 = arith.constant 1 : i32
    %dma_wait3A_159 = arith.constant 1 : i32
    %dma_wait3A_160 = arith.constant 0 : i32
    %dma_wait3A_161 = arith.constant 0 : i32
    %dma_wait3A_162 = tpu.memref_slice %arg9[%dma_wait3A_159, %dma_wait3A_160, %dma_wait3A_161] : memref<2x128x128xf32, #tpu.memory_space<vmem>> -> memref<1x128x128xf32, #tpu.memory_space<vmem>>
    %dma_wait3A_163 = tpu.memref_squeeze %dma_wait3A_162 : memref<1x128x128xf32, #tpu.memory_space<vmem>> -> memref<128x128xf32, #tpu.memory_space<vmem>>
    %dma_wait3A_164 = arith.constant 0 : i32
    %dma_wait3A_165 = tpu.memref_slice %arg7[%dma_wait3A_158, %dma_wait3A_164] : memref<2x128xi32, #tpu.memory_space<vmem>> -> memref<1x128xi32, #tpu.memory_space<vmem>>
    %dma_wait3A_166 = tpu.memref_squeeze %dma_wait3A_165 : memref<1x128xi32, #tpu.memory_space<vmem>> -> memref<128xi32, #tpu.memory_space<vmem>>
    %dma_wait3A_167 = arith.constant 0 : i32
    %dma_wait3A_168 = arith.constant 0 : i32
    %dma_wait3A_169 = tpu.memref_slice %arg2[%dma_wait3A_167, %dma_wait3A_168] : memref<10112x128xf32, #tpu.memory_space<hbm>> -> memref<10112x128xf32, #tpu.memory_space<hbm>>
    tpu.wait_indirect_dma semaphore(%arg12 : memref<!tpu.dma_semaphore, #tpu.memory_space<semaphore_mem>>) src(%dma_wait3A_169 : memref<10112x128xf32, #tpu.memory_space<hbm>>) dst(%dma_wait3A_163 : memref<128x128xf32, #tpu.memory_space<vmem>>)
    %dma_wait3A_170 = arith.constant 79 : i32
    %dma_wait3A_171 = arith.constant 1 : i32
    %dma_wait3A_172 = arith.constant 0 : i32
    %dma_wait3A_173 = tpu.memref_slice %arg8[%dma_wait3A_171, %dma_wait3A_172] : memref<2x128xi32, #tpu.memory_space<vmem>> -> memref<1x128xi32, #tpu.memory_space<vmem>>
    %dma_wait3A_174 = tpu.memref_squeeze %dma_wait3A_173 : memref<1x128xi32, #tpu.memory_space<vmem>> -> memref<128xi32, #tpu.memory_space<vmem>>
    %dma_wait3A_175 = arith.constant 0 : i32
    %dma_wait3A_176 = tpu.memref_slice %arg4[%add3A, %dma_wait3A_170, %dma_wait3A_175] : memref<32x80x128xi32, #tpu.memory_space<hbm>> -> memref<1x1x128xi32, #tpu.memory_space<hbm>>
    %dma_wait3A_177 = tpu.memref_squeeze %dma_wait3A_176 : memref<1x1x128xi32, #tpu.memory_space<hbm>> -> memref<128xi32, #tpu.memory_space<hbm>>
    %dma_wait3A_178 = arith.constant 0 : i32
    %dma_wait3A_179 = tpu.memref_slice %arg8[%dma_wait3A_171, %dma_wait3A_178] : memref<2x128xi32, #tpu.memory_space<vmem>> -> memref<1x128xi32, #tpu.memory_space<vmem>>
    %dma_wait3A_180 = tpu.memref_squeeze %dma_wait3A_179 : memref<1x128xi32, #tpu.memory_space<vmem>> -> memref<128xi32, #tpu.memory_space<vmem>>
    %dma_wait3A_181 = arith.constant 0 : i32
    %dma_wait3A_182 = tpu.memref_slice %arg4[%add3A, %dma_wait3A_170, %dma_wait3A_181] : memref<32x80x128xi32, #tpu.memory_space<hbm>> -> memref<1x1x128xi32, #tpu.memory_space<hbm>>
    %dma_wait3A_183 = tpu.memref_squeeze %dma_wait3A_182 : memref<1x1x128xi32, #tpu.memory_space<hbm>> -> memref<128xi32, #tpu.memory_space<hbm>>
    tpu.wait_dma2 semaphore(%arg16 : memref<!tpu.dma_semaphore, #tpu.memory_space<semaphore_mem>>) src(%dma_wait3A_183 : memref<128xi32, #tpu.memory_space<hbm>>) dst(%dma_wait3A_180 : memref<128xi32, #tpu.memory_space<vmem>>)
    %run_scoped3A_184 = arith.constant 1 : i32
    %run_scoped3A_185 = arith.constant 1 : i32
    "tpu.region"() ({
      %run_scoped3A_187 = tpu.sem_alloc : memref<!tpu.dma_semaphore, #tpu.memory_space<semaphore_mem>>
      %dma_start3A_188 = arith.constant 0 : i32
      %dma_start3A_189 = arith.constant 0 : i32
      %dma_start3A_190 = tpu.memref_slice %arg9[%run_scoped3A_184, %dma_start3A_188, %dma_start3A_189] : memref<2x128x128xf32, #tpu.memory_space<vmem>> -> memref<1x128x128xf32, #tpu.memory_space<vmem>>
      %dma_start3A_191 = tpu.memref_squeeze %dma_start3A_190 : memref<1x128x128xf32, #tpu.memory_space<vmem>> -> memref<128x128xf32, #tpu.memory_space<vmem>>
      %dma_start3A_192 = arith.constant 0 : i32
      %dma_start3A_193 = tpu.memref_slice %arg8[%run_scoped3A_185, %dma_start3A_192] : memref<2x128xi32, #tpu.memory_space<vmem>> -> memref<1x128xi32, #tpu.memory_space<vmem>>
      %dma_start3A_194 = tpu.memref_squeeze %dma_start3A_193 : memref<1x128xi32, #tpu.memory_space<vmem>> -> memref<128xi32, #tpu.memory_space<vmem>>
      %dma_start3A_195 = arith.constant 0 : i32
      %dma_start3A_196 = arith.constant 0 : i32
      %dma_start3A_197 = tpu.memref_slice %arg10[%dma_start3A_195, %dma_start3A_196] : memref<10112x128xf32, #tpu.memory_space<vmem_shared>> -> memref<10112x128xf32, #tpu.memory_space<vmem_shared>>
      tpu.enqueue_indirect_dma source(%dma_start3A_191 : memref<128x128xf32, #tpu.memory_space<vmem>>) target(%dma_start3A_197 : memref<10112x128xf32, #tpu.memory_space<vmem_shared>>) offsets(%dma_start3A_194 : memref<128xi32, #tpu.memory_space<vmem>>) semaphore(%run_scoped3A_187 : memref<!tpu.dma_semaphore, #tpu.memory_space<semaphore_mem>>) {add = true}
      %dma_wait3A_198 = arith.constant 0 : i32
      %dma_wait3A_199 = arith.constant 0 : i32
      %dma_wait3A_200 = tpu.memref_slice %arg9[%run_scoped3A_184, %dma_wait3A_198, %dma_wait3A_199] : memref<2x128x128xf32, #tpu.memory_space<vmem>> -> memref<1x128x128xf32, #tpu.memory_space<vmem>>
      %dma_wait3A_201 = tpu.memref_squeeze %dma_wait3A_200 : memref<1x128x128xf32, #tpu.memory_space<vmem>> -> memref<128x128xf32, #tpu.memory_space<vmem>>
      %dma_wait3A_202 = arith.constant 0 : i32
      %dma_wait3A_203 = tpu.memref_slice %arg8[%run_scoped3A_185, %dma_wait3A_202] : memref<2x128xi32, #tpu.memory_space<vmem>> -> memref<1x128xi32, #tpu.memory_space<vmem>>
      %dma_wait3A_204 = tpu.memref_squeeze %dma_wait3A_203 : memref<1x128xi32, #tpu.memory_space<vmem>> -> memref<128xi32, #tpu.memory_space<vmem>>
      %dma_wait3A_205 = arith.constant 0 : i32
      %dma_wait3A_206 = arith.constant 0 : i32
      %dma_wait3A_207 = tpu.memref_slice %arg10[%dma_wait3A_205, %dma_wait3A_206] : memref<10112x128xf32, #tpu.memory_space<vmem_shared>> -> memref<10112x128xf32, #tpu.memory_space<vmem_shared>>
      tpu.wait_indirect_dma semaphore(%run_scoped3A_187 : memref<!tpu.dma_semaphore, #tpu.memory_space<semaphore_mem>>) src(%dma_wait3A_201 : memref<128x128xf32, #tpu.memory_space<vmem>>) dst(%dma_wait3A_207 : memref<10112x128xf32, #tpu.memory_space<vmem_shared>>)
      tpu.yield
    }) : () -> ()
    %barrier3A_186 = arith.constant 0 : index
    tpu.barrier barrier_id(%barrier3A_186)
    "tpu.region"() ({
      %run_scoped3A_187 = tpu.sem_alloc : memref<!tpu.dma_semaphore, #tpu.memory_space<semaphore_mem>>
      %dma_start3A_188 = arith.constant 0 : i32
      %dma_start3A_189 = tpu.memref_slice %arg6[%arg0, %mul3A_2, %dma_start3A_188] : memref<2x10112x128xf32, #tpu.memory_space<hbm>> -> memref<1x632x128xf32, #tpu.memory_space<hbm>>
      %dma_start3A_190 = tpu.memref_squeeze %dma_start3A_189 : memref<1x632x128xf32, #tpu.memory_space<hbm>> -> memref<632x128xf32, #tpu.memory_space<hbm>>
      %dma_start3A_191 = arith.constant 0 : i32
      %dma_start3A_192 = tpu.memref_slice %arg10[%mul3A_2, %dma_start3A_191] : memref<10112x128xf32, #tpu.memory_space<vmem_shared>> -> memref<632x128xf32, #tpu.memory_space<vmem_shared>>
      tpu.enqueue_dma source(%dma_start3A_192 : memref<632x128xf32, #tpu.memory_space<vmem_shared>>) target(%dma_start3A_190 : memref<632x128xf32, #tpu.memory_space<hbm>>) target_semaphore(%run_scoped3A_187 : memref<!tpu.dma_semaphore, #tpu.memory_space<semaphore_mem>>)
      %dma_wait3A_193 = arith.constant 0 : i32
      %dma_wait3A_194 = tpu.memref_slice %arg6[%arg0, %mul3A_2, %dma_wait3A_193] : memref<2x10112x128xf32, #tpu.memory_space<hbm>> -> memref<1x632x128xf32, #tpu.memory_space<hbm>>
      %dma_wait3A_195 = tpu.memref_squeeze %dma_wait3A_194 : memref<1x632x128xf32, #tpu.memory_space<hbm>> -> memref<632x128xf32, #tpu.memory_space<hbm>>
      %dma_wait3A_196 = arith.constant 0 : i32
      %dma_wait3A_197 = tpu.memref_slice %arg10[%mul3A_2, %dma_wait3A_196] : memref<10112x128xf32, #tpu.memory_space<vmem_shared>> -> memref<632x128xf32, #tpu.memory_space<vmem_shared>>
      tpu.wait_dma2 semaphore(%run_scoped3A_187 : memref<!tpu.dma_semaphore, #tpu.memory_space<semaphore_mem>>) src(%dma_wait3A_197 : memref<632x128xf32, #tpu.memory_space<vmem_shared>>) dst(%dma_wait3A_195 : memref<632x128xf32, #tpu.memory_space<hbm>>)
      tpu.yield
    }) : () -> ()
    return
  }
}

module attributes {stable_mosaic.version = 14 : i64} {
  func.func @body(%arg0: i32, %arg1: memref<2528x128xf32, #tpu.memory_space<vmem>>, %arg2: memref<128x128xf32, #tpu.memory_space<vmem>>, %arg3: memref<2528x16xf32, #tpu.memory_space<vmem>>, %arg4: memref<2528x16xf32, #tpu.memory_space<vmem>>, %arg5: memref<2528x128xf32, #tpu.memory_space<vmem>>, %arg6: memref<2528x128xf32, #tpu.memory_space<vmem>>) attributes {dimension_semantics = [#tpu.dimension_semantics<arbitrary>], iteration_bounds = array<i64: 4>, scalar_prefetch = 0 : i64, scratch_operands = 0 : i64, tpu.core_type = #tpu.core_type<tc>, window_params = [{transform_indices = @transform_0, window_bounds = array<i64: 2528, 128>}, {pipeline_mode = #tpu.pipeline_mode<synchronous>, transform_indices = @transform_1, window_bounds = array<i64: 128, 128>}, {transform_indices = @transform_2, window_bounds = array<i64: 2528, 16>}, {transform_indices = @transform_3, window_bounds = array<i64: 2528, 16>}, {transform_indices = @transform_4, window_bounds = array<i64: 2528, 128>}, {transform_indices = @transform_5, window_bounds = array<i64: 2528, 128>}]} {
    %get3A = arith.constant 0 : index
    %get3A_0 = arith.constant 0 : index
    %get3A_1 = vector.load %arg3[%get3A, %get3A_0] : memref<2528x16xf32, #tpu.memory_space<vmem>>, vector<2528x1xf32>
    %get3A_2 = arith.constant 0 : index
    %get3A_3 = arith.constant 0 : index
    %get3A_4 = vector.load %arg4[%get3A_2, %get3A_3] : memref<2528x16xf32, #tpu.memory_space<vmem>>, vector<2528x1xf32>
    %add3A = arith.addf %get3A_1, %get3A_4 : vector<2528x1xf32>
    %add3A_5 = arith.constant 1.000000e+00 : f32
    %add3A_6 = vector.broadcast %add3A_5 : f32 to vector<2528x1xf32>
    %add3A_7 = arith.addf %add3A, %add3A_6 : vector<2528x1xf32>
    %rsqrt3A = math.rsqrt %add3A_7 : vector<2528x1xf32>
    %get3A_8 = arith.constant 0 : index
    %get3A_9 = arith.constant 0 : index
    %get3A_10 = vector.load %arg1[%get3A_8, %get3A_9] : memref<2528x128xf32, #tpu.memory_space<vmem>>, vector<2528x128xf32>
    %get3A_11 = arith.constant 0 : index
    %get3A_12 = arith.constant 0 : index
    %get3A_13 = vector.load %arg2[%get3A_11, %get3A_12] : memref<128x128xf32, #tpu.memory_space<vmem>>, vector<128x128xf32>
    %dot_general3A = arith.constant dense<0.000000e+00> : vector<2528x128xf32>
    %dot_general3A_14 = tpu.matmul %get3A_10, %get3A_13, %dot_general3A {dimension_numbers = #tpu.dot_dimension_numbers<[1], [0], [0], [1], [0, 0, 1, 1], [], []>, transpose_lhs_hint = false} : vector<2528x128xf32>, vector<128x128xf32>, vector<2528x128xf32> -> vector<2528x128xf32>
    %mul3A = vector.broadcast %rsqrt3A : vector<2528x1xf32> to vector<2528x128xf32>
    %mul3A_15 = arith.mulf %dot_general3A_14, %mul3A : vector<2528x128xf32>
    %swap3A = arith.constant 0 : index
    %swap3A_16 = arith.constant 0 : index
    %swap3A_17 = vector.load %arg5[%swap3A, %swap3A_16] : memref<2528x128xf32, #tpu.memory_space<vmem>>, vector<2528x128xf32>
    tpu.vector_store %arg5[%swap3A, %swap3A_16], %mul3A_15 {strides = array<i32>} : memref<2528x128xf32, #tpu.memory_space<vmem>>, vector<2528x128xf32>,
    %broadcast_in_dim3A = vector.shape_cast %rsqrt3A : vector<2528x1xf32> to vector<2528x1xf32>
    %broadcast_in_dim3A_18 = vector.broadcast %broadcast_in_dim3A : vector<2528x1xf32> to vector<2528x128xf32>
    %swap3A_19 = arith.constant 0 : index
    %swap3A_20 = arith.constant 0 : index
    %swap3A_21 = vector.load %arg6[%swap3A_19, %swap3A_20] : memref<2528x128xf32, #tpu.memory_space<vmem>>, vector<2528x128xf32>
    tpu.vector_store %arg6[%swap3A_19, %swap3A_20], %broadcast_in_dim3A_18 {strides = array<i32>} : memref<2528x128xf32, #tpu.memory_space<vmem>>, vector<2528x128xf32>,
    return
  }
  func.func @transform_0(%arg0: i32) -> (i32, i32) {
    %c0_i32 = arith.constant 0 : i32
    %c0_i32_0 = arith.constant 0 : i32
    return %arg0, %c0_i32 : i32, i32
  }
  func.func @transform_1(%arg0: i32) -> (i32, i32) {
    %c0_i32 = arith.constant 0 : i32
    %c0_i32_0 = arith.constant 0 : i32
    %c0_i32_1 = arith.constant 0 : i32
    return %c0_i32, %c0_i32_0 : i32, i32
  }
  func.func @transform_2(%arg0: i32) -> (i32, i32) {
    %c0_i32 = arith.constant 0 : i32
    %c0_i32_0 = arith.constant 0 : i32
    return %arg0, %c0_i32 : i32, i32
  }
  func.func @transform_3(%arg0: i32) -> (i32, i32) {
    %c0_i32 = arith.constant 0 : i32
    %c0_i32_0 = arith.constant 0 : i32
    return %arg0, %c0_i32 : i32, i32
  }
  func.func @transform_4(%arg0: i32) -> (i32, i32) {
    %c0_i32 = arith.constant 0 : i32
    %c0_i32_0 = arith.constant 0 : i32
    return %arg0, %c0_i32 : i32, i32
  }
  func.func @transform_5(%arg0: i32) -> (i32, i32) {
    %c0_i32 = arith.constant 0 : i32
    %c0_i32_0 = arith.constant 0 : i32
    return %arg0, %c0_i32 : i32, i32
  }
}

module attributes {stable_mosaic.version = 14 : i64} {
  func.func @body(%arg0: i32, %arg1: memref<2528x128xf32, #tpu.memory_space<vmem>>, %arg2: memref<2528x128xf32, #tpu.memory_space<vmem>>, %arg3: memref<2528x128xf32, #tpu.memory_space<vmem>>, %arg4: memref<2528x128xf32, #tpu.memory_space<vmem>>, %arg5: memref<1x128xf32, #tpu.memory_space<vmem>>, %arg6: memref<128x128xf32, #tpu.memory_space<vmem>>, %arg7: memref<2528x128xf32, #tpu.memory_space<vmem>>) attributes {dimension_semantics = [#tpu.dimension_semantics<arbitrary>], iteration_bounds = array<i64: 4>, scalar_prefetch = 0 : i64, scratch_operands = 0 : i64, tpu.core_type = #tpu.core_type<tc>, window_params = [{transform_indices = @transform_0, window_bounds = array<i64: 2528, 128>}, {transform_indices = @transform_1, window_bounds = array<i64: 2528, 128>}, {transform_indices = @transform_2, window_bounds = array<i64: 2528, 128>}, {transform_indices = @transform_3, window_bounds = array<i64: 2528, 128>}, {pipeline_mode = #tpu.pipeline_mode<synchronous>, transform_indices = @transform_4, window_bounds = array<i64: 1, 128>}, {pipeline_mode = #tpu.pipeline_mode<synchronous>, transform_indices = @transform_5, window_bounds = array<i64: 128, 128>}, {transform_indices = @transform_6, window_bounds = array<i64: 2528, 128>}]} {
    %get3A = arith.constant 0 : index
    %get3A_0 = arith.constant 0 : index
    %get3A_1 = vector.load %arg4[%get3A, %get3A_0] : memref<2528x128xf32, #tpu.memory_space<vmem>>, vector<2528x128xf32>
    %get3A_2 = arith.constant 0 : index
    %get3A_3 = arith.constant 0 : index
    %get3A_4 = vector.load %arg1[%get3A_2, %get3A_3] : memref<2528x128xf32, #tpu.memory_space<vmem>>, vector<2528x128xf32>
    %get3A_5 = arith.constant 0 : index
    %get3A_6 = arith.constant 0 : index
    %get3A_7 = vector.load %arg2[%get3A_5, %get3A_6] : memref<2528x128xf32, #tpu.memory_space<vmem>>, vector<2528x128xf32>
    %add3A = arith.addf %get3A_4, %get3A_7 : vector<2528x128xf32>
    %get3A_8 = arith.constant 0 : index
    %get3A_9 = arith.constant 0 : index
    %get3A_10 = vector.load %arg3[%get3A_8, %get3A_9] : memref<2528x128xf32, #tpu.memory_space<vmem>>, vector<2528x128xf32>
    %add3A_11 = arith.addf %add3A, %get3A_10 : vector<2528x128xf32>
    %mul3A = arith.mulf %get3A_1, %add3A_11 : vector<2528x128xf32>
    %get3A_12 = arith.constant 0 : index
    %get3A_13 = arith.constant 0 : index
    %get3A_14 = vector.load %arg5[%get3A_12, %get3A_13] : memref<1x128xf32, #tpu.memory_space<vmem>>, vector<1x128xf32>
    %add3A_15 = vector.broadcast %get3A_14 : vector<1x128xf32> to vector<2528x128xf32>
    %add3A_16 = arith.addf %mul3A, %add3A_15 : vector<2528x128xf32>
    %max3A = arith.constant 0.000000e+00 : f32
    %max3A_17 = vector.broadcast %max3A : f32 to vector<2528x128xf32>
    %max3A_18 = arith.maximumf %add3A_16, %max3A_17 : vector<2528x128xf32>
    %mul3A_19 = arith.constant 2528 : i32
    %mul3A_20 = arith.muli %arg0, %mul3A_19 : i32
    %iota3A = tpu.iota {dimensions = array<i32: 0>} : vector<2528x1xi32>
    %add3A_21 = vector.broadcast %mul3A_20 : i32 to vector<2528x1xi32>
    %add3A_22 = arith.addi %add3A_21, %iota3A : vector<2528x1xi32>
    %lt3A = arith.constant 10000 : i32
    %lt3A_23 = vector.broadcast %lt3A : i32 to vector<2528x1xi32>
    %lt3A_24 = arith.cmpi slt, %add3A_22, %lt3A_23 : vector<2528x1xi32>
    %jit3A = arith.constant 0.000000e+00 : f32
    %broadcast_in_dim3A = vector.shape_cast %lt3A_24 : vector<2528x1xi1> to vector<2528x1xi1>
    %broadcast_in_dim3A_25 = vector.broadcast %broadcast_in_dim3A : vector<2528x1xi1> to vector<2528x128xi1>
    %broadcast_in_dim3A_26 = vector.broadcast %jit3A : f32 to vector<2528x128xf32>
    %select_n3A = arith.select %broadcast_in_dim3A_25, %max3A_18, %broadcast_in_dim3A_26 : vector<2528x128xi1>, vector<2528x128xf32>
    %get3A_27 = arith.constant 0 : index
    %get3A_28 = arith.constant 0 : index
    %get3A_29 = vector.load %arg4[%get3A_27, %get3A_28] : memref<2528x128xf32, #tpu.memory_space<vmem>>, vector<2528x128xf32>
    %get3A_30 = arith.constant 0 : index
    %get3A_31 = arith.constant 0 : index
    %get3A_32 = vector.load %arg6[%get3A_30, %get3A_31] : memref<128x128xf32, #tpu.memory_space<vmem>>, vector<128x128xf32>
    %dot_general3A = arith.constant dense<0.000000e+00> : vector<2528x128xf32>
    %dot_general3A_33 = tpu.matmul %select_n3A, %get3A_32, %dot_general3A {dimension_numbers = #tpu.dot_dimension_numbers<[1], [0], [0], [1], [0, 0, 1, 1], [], []>, transpose_lhs_hint = false} : vector<2528x128xf32>, vector<128x128xf32>, vector<2528x128xf32> -> vector<2528x128xf32>
    %mul3A_34 = arith.mulf %get3A_29, %dot_general3A_33 : vector<2528x128xf32>
    %swap3A = arith.constant 0 : index
    %swap3A_35 = arith.constant 0 : index
    %swap3A_36 = vector.load %arg7[%swap3A, %swap3A_35] : memref<2528x128xf32, #tpu.memory_space<vmem>>, vector<2528x128xf32>
    tpu.vector_store %arg7[%swap3A, %swap3A_35], %mul3A_34 {strides = array<i32>} : memref<2528x128xf32, #tpu.memory_space<vmem>>, vector<2528x128xf32>,
    return
  }
  func.func @transform_0(%arg0: i32) -> (i32, i32) {
    %c0_i32 = arith.constant 0 : i32
    %c0_i32_0 = arith.constant 0 : i32
    return %arg0, %c0_i32 : i32, i32
  }
  func.func @transform_1(%arg0: i32) -> (i32, i32) {
    %c0_i32 = arith.constant 0 : i32
    %c0_i32_0 = arith.constant 0 : i32
    return %arg0, %c0_i32 : i32, i32
  }
  func.func @transform_2(%arg0: i32) -> (i32, i32) {
    %c0_i32 = arith.constant 0 : i32
    %c0_i32_0 = arith.constant 0 : i32
    return %arg0, %c0_i32 : i32, i32
  }
  func.func @transform_3(%arg0: i32) -> (i32, i32) {
    %c0_i32 = arith.constant 0 : i32
    %c0_i32_0 = arith.constant 0 : i32
    return %arg0, %c0_i32 : i32, i32
  }
  func.func @transform_4(%arg0: i32) -> (i32, i32) {
    %c0_i32 = arith.constant 0 : i32
    %c0_i32_0 = arith.constant 0 : i32
    %c0_i32_1 = arith.constant 0 : i32
    return %c0_i32, %c0_i32_0 : i32, i32
  }
  func.func @transform_5(%arg0: i32) -> (i32, i32) {
    %c0_i32 = arith.constant 0 : i32
    %c0_i32_0 = arith.constant 0 : i32
    %c0_i32_1 = arith.constant 0 : i32
    return %c0_i32, %c0_i32_0 : i32, i32
  }
  func.func @transform_6(%arg0: i32) -> (i32, i32) {
    %c0_i32 = arith.constant 0 : i32
    %c0_i32_0 = arith.constant 0 : i32
    return %arg0, %c0_i32 : i32, i32
  }
}

module attributes {stable_mosaic.version = 14 : i64} {
  func.func @body(%arg0: i32, %arg1: memref<2528x128xf32, #tpu.memory_space<vmem>>, %arg2: memref<2528x128xf32, #tpu.memory_space<vmem>>, %arg3: memref<2528x128xf32, #tpu.memory_space<vmem>>, %arg4: memref<2528x128xf32, #tpu.memory_space<vmem>>, %arg5: memref<1x128xf32, #tpu.memory_space<vmem>>, %arg6: memref<128x128xf32, #tpu.memory_space<vmem>>, %arg7: memref<1x128xf32, #tpu.memory_space<vmem>>, %arg8: memref<1x128xf32, #tpu.memory_space<vmem>>, %arg9: memref<1x128xf32, #tpu.memory_space<vmem>>) attributes {dimension_semantics = [#tpu.dimension_semantics<arbitrary>], iteration_bounds = array<i64: 4>, scalar_prefetch = 0 : i64, scratch_operands = 1 : i64, tpu.core_type = #tpu.core_type<tc>, window_params = [{transform_indices = @transform_0, window_bounds = array<i64: 2528, 128>}, {transform_indices = @transform_1, window_bounds = array<i64: 2528, 128>}, {transform_indices = @transform_2, window_bounds = array<i64: 2528, 128>}, {transform_indices = @transform_3, window_bounds = array<i64: 2528, 128>}, {pipeline_mode = #tpu.pipeline_mode<synchronous>, transform_indices = @transform_4, window_bounds = array<i64: 1, 128>}, {pipeline_mode = #tpu.pipeline_mode<synchronous>, transform_indices = @transform_5, window_bounds = array<i64: 128, 128>}, {pipeline_mode = #tpu.pipeline_mode<synchronous>, transform_indices = @transform_6, window_bounds = array<i64: 1, 128>}, {pipeline_mode = #tpu.pipeline_mode<synchronous>, transform_indices = @transform_7, window_bounds = array<i64: 1, 128>}]} {
    %eq3A = arith.constant 0 : i32
    %eq3A_0 = arith.cmpi eq, %arg0, %eq3A : i32
    %convert_element_type3A = arith.extui %eq3A_0 : i1 to i32
    %cond3A = arith.constant 0 : i32
    %cond3A_1 = arith.cmpi ne, %convert_element_type3A, %cond3A : i32
    scf.if %cond3A_1 {
      %broadcast_in_dim3A_42 = arith.constant 0.000000e+00 : f32
      %broadcast_in_dim3A_43 = vector.broadcast %broadcast_in_dim3A_42 : f32 to vector<1x128xf32>
      %swap3A_44 = arith.constant 0 : index
      %swap3A_45 = arith.constant 0 : index
      %swap3A_46 = vector.load %arg9[%swap3A_44, %swap3A_45] : memref<1x128xf32, #tpu.memory_space<vmem>>, vector<1x128xf32>
      tpu.vector_store %arg9[%swap3A_44, %swap3A_45], %broadcast_in_dim3A_43 {strides = array<i32>} : memref<1x128xf32, #tpu.memory_space<vmem>>, vector<1x128xf32>,
    } else {
    }
    %get3A = arith.constant 0 : index
    %get3A_2 = arith.constant 0 : index
    %get3A_3 = vector.load %arg4[%get3A, %get3A_2] : memref<2528x128xf32, #tpu.memory_space<vmem>>, vector<2528x128xf32>
    %get3A_4 = arith.constant 0 : index
    %get3A_5 = arith.constant 0 : index
    %get3A_6 = vector.load %arg1[%get3A_4, %get3A_5] : memref<2528x128xf32, #tpu.memory_space<vmem>>, vector<2528x128xf32>
    %get3A_7 = arith.constant 0 : index
    %get3A_8 = arith.constant 0 : index
    %get3A_9 = vector.load %arg2[%get3A_7, %get3A_8] : memref<2528x128xf32, #tpu.memory_space<vmem>>, vector<2528x128xf32>
    %add3A = arith.addf %get3A_6, %get3A_9 : vector<2528x128xf32>
    %get3A_10 = arith.constant 0 : index
    %get3A_11 = arith.constant 0 : index
    %get3A_12 = vector.load %arg3[%get3A_10, %get3A_11] : memref<2528x128xf32, #tpu.memory_space<vmem>>, vector<2528x128xf32>
    %add3A_13 = arith.addf %add3A, %get3A_12 : vector<2528x128xf32>
    %mul3A = arith.mulf %get3A_3, %add3A_13 : vector<2528x128xf32>
    %get3A_14 = arith.constant 0 : index
    %get3A_15 = arith.constant 0 : index
    %get3A_16 = vector.load %arg5[%get3A_14, %get3A_15] : memref<1x128xf32, #tpu.memory_space<vmem>>, vector<1x128xf32>
    %add3A_17 = vector.broadcast %get3A_16 : vector<1x128xf32> to vector<2528x128xf32>
    %add3A_18 = arith.addf %mul3A, %add3A_17 : vector<2528x128xf32>
    %max3A = arith.constant 0.000000e+00 : f32
    %max3A_19 = vector.broadcast %max3A : f32 to vector<2528x128xf32>
    %max3A_20 = arith.maximumf %add3A_18, %max3A_19 : vector<2528x128xf32>
    %mul3A_21 = arith.constant 2528 : i32
    %mul3A_22 = arith.muli %arg0, %mul3A_21 : i32
    %iota3A = tpu.iota {dimensions = array<i32: 0>} : vector<2528x1xi32>
    %add3A_23 = vector.broadcast %mul3A_22 : i32 to vector<2528x1xi32>
    %add3A_24 = arith.addi %add3A_23, %iota3A : vector<2528x1xi32>
    %lt3A = arith.constant 10000 : i32
    %lt3A_25 = vector.broadcast %lt3A : i32 to vector<2528x1xi32>
    %lt3A_26 = arith.cmpi slt, %add3A_24, %lt3A_25 : vector<2528x1xi32>
    %jit3A = arith.constant 0.000000e+00 : f32
    %broadcast_in_dim3A = vector.shape_cast %lt3A_26 : vector<2528x1xi1> to vector<2528x1xi1>
    %broadcast_in_dim3A_27 = vector.broadcast %broadcast_in_dim3A : vector<2528x1xi1> to vector<2528x128xi1>
    %broadcast_in_dim3A_28 = vector.broadcast %jit3A : f32 to vector<2528x128xf32>
    %select_n3A = arith.select %broadcast_in_dim3A_27, %max3A_20, %broadcast_in_dim3A_28 : vector<2528x128xi1>, vector<2528x128xf32>
    %get3A_29 = arith.constant 0 : index
    %get3A_30 = arith.constant 0 : index
    %get3A_31 = vector.load %arg9[%get3A_29, %get3A_30] : memref<1x128xf32, #tpu.memory_space<vmem>>, vector<1x128xf32>
    %reduce_sum3A = arith.constant dense<0.000000e+00> : vector<128xf32>
    %reduce_sum3A_32 = vector.multi_reduction <add>, %select_n3A, %reduce_sum3A [0] : vector<2528x128xf32> to vector<128xf32>
    %broadcast_in_dim3A_33 = vector.shape_cast %reduce_sum3A_32 : vector<128xf32> to vector<1x128xf32>
    %add3A_34 = arith.addf %get3A_31, %broadcast_in_dim3A_33 : vector<1x128xf32>
    %swap3A = arith.constant 0 : index
    %swap3A_35 = arith.constant 0 : index
    %swap3A_36 = vector.load %arg9[%swap3A, %swap3A_35] : memref<1x128xf32, #tpu.memory_space<vmem>>, vector<1x128xf32>
    tpu.vector_store %arg9[%swap3A, %swap3A_35], %add3A_34 {strides = array<i32>} : memref<1x128xf32, #tpu.memory_space<vmem>>, vector<1x128xf32>,
    %eq3A_37 = arith.constant 3 : i32
    %eq3A_38 = arith.cmpi eq, %arg0, %eq3A_37 : i32
    %convert_element_type3A_39 = arith.extui %eq3A_38 : i1 to i32
    %cond3A_40 = arith.constant 0 : i32
    %cond3A_41 = arith.cmpi ne, %convert_element_type3A_39, %cond3A_40 : i32
    scf.if %cond3A_41 {
      %get3A_42 = arith.constant 0 : index
      %get3A_43 = arith.constant 0 : index
      %get3A_44 = vector.load %arg9[%get3A_42, %get3A_43] : memref<1x128xf32, #tpu.memory_space<vmem>>, vector<1x128xf32>
      %mul3A_45 = arith.constant 9.99999974E-5 : f32
      %mul3A_46 = vector.broadcast %mul3A_45 : f32 to vector<1x128xf32>
      %mul3A_47 = arith.mulf %get3A_44, %mul3A_46 : vector<1x128xf32>
      %get3A_48 = arith.constant 0 : index
      %get3A_49 = arith.constant 0 : index
      %get3A_50 = vector.load %arg6[%get3A_48, %get3A_49] : memref<128x128xf32, #tpu.memory_space<vmem>>, vector<128x128xf32>
      %dot_general3A = arith.constant dense<0.000000e+00> : vector<1x128xf32>
      %dot_general3A_51 = tpu.matmul %mul3A_47, %get3A_50, %dot_general3A {dimension_numbers = #tpu.dot_dimension_numbers<[1], [0], [0], [1], [0, 0, 1, 1], [], []>, transpose_lhs_hint = false} : vector<1x128xf32>, vector<128x128xf32>, vector<1x128xf32> -> vector<1x128xf32>
      %get3A_52 = arith.constant 0 : index
      %get3A_53 = arith.constant 0 : index
      %get3A_54 = vector.load %arg7[%get3A_52, %get3A_53] : memref<1x128xf32, #tpu.memory_space<vmem>>, vector<1x128xf32>
      %add3A_55 = arith.addf %dot_general3A_51, %get3A_54 : vector<1x128xf32>
      %swap3A_56 = arith.constant 0 : index
      %swap3A_57 = arith.constant 0 : index
      %swap3A_58 = vector.load %arg8[%swap3A_56, %swap3A_57] : memref<1x128xf32, #tpu.memory_space<vmem>>, vector<1x128xf32>
      tpu.vector_store %arg8[%swap3A_56, %swap3A_57], %add3A_55 {strides = array<i32>} : memref<1x128xf32, #tpu.memory_space<vmem>>, vector<1x128xf32>,
    } else {
    }
    return
  }
  func.func @transform_0(%arg0: i32) -> (i32, i32) {
    %c0_i32 = arith.constant 0 : i32
    %c0_i32_0 = arith.constant 0 : i32
    return %arg0, %c0_i32 : i32, i32
  }
  func.func @transform_1(%arg0: i32) -> (i32, i32) {
    %c0_i32 = arith.constant 0 : i32
    %c0_i32_0 = arith.constant 0 : i32
    return %arg0, %c0_i32 : i32, i32
  }
  func.func @transform_2(%arg0: i32) -> (i32, i32) {
    %c0_i32 = arith.constant 0 : i32
    %c0_i32_0 = arith.constant 0 : i32
    return %arg0, %c0_i32 : i32, i32
  }
  func.func @transform_3(%arg0: i32) -> (i32, i32) {
    %c0_i32 = arith.constant 0 : i32
    %c0_i32_0 = arith.constant 0 : i32
    return %arg0, %c0_i32 : i32, i32
  }
  func.func @transform_4(%arg0: i32) -> (i32, i32) {
    %c0_i32 = arith.constant 0 : i32
    %c0_i32_0 = arith.constant 0 : i32
    %c0_i32_1 = arith.constant 0 : i32
    return %c0_i32, %c0_i32_0 : i32, i32
  }
  func.func @transform_5(%arg0: i32) -> (i32, i32) {
    %c0_i32 = arith.constant 0 : i32
    %c0_i32_0 = arith.constant 0 : i32
    %c0_i32_1 = arith.constant 0 : i32
    return %c0_i32, %c0_i32_0 : i32, i32
  }
  func.func @transform_6(%arg0: i32) -> (i32, i32) {
    %c0_i32 = arith.constant 0 : i32
    %c0_i32_0 = arith.constant 0 : i32
    %c0_i32_1 = arith.constant 0 : i32
    return %c0_i32, %c0_i32_0 : i32, i32
  }
  func.func @transform_7(%arg0: i32) -> (i32, i32) {
    %c0_i32 = arith.constant 0 : i32
    %c0_i32_0 = arith.constant 0 : i32
    %c0_i32_1 = arith.constant 0 : i32
    return %c0_i32, %c0_i32_0 : i32, i32
  }
}

</mosaic_0001>

<sc_bundles>
// kernel: kernel.11.cloned.1.call-start
scs
__scs_entry_jumppad:
0x0: {  	(pc) =	sbr.rel $0x88, $3  }
0x1: {  	(tag) =	ssettag $0x0;
	lr =	simm.s32 $0x1  }
0x2: {  	[smem:$0x3F99] =	sst lr;
	_ =	strace $0xD0000000  }
0x3: {  	_ = 	snop  }
0x4: {  	_ = 	snop  }
0x5: {  	_ = 	snop  }
0x6: {  	_ = 	snop  }
0x7: {  	_ = 	snop  }
__scs_overlays_trampoline_lowered:
0x8: {  	[smem:$0x3FA8] =	sst s0  }
0x9: {  	[smem:$0x3FA9] =	sst s1  }
0xa: {  	[smem:$0x3FAA] =	sst s2  }
0xb: {  	[smem:$0x3FAB] =	sst s3  }
0xc: {  	[smem:$0x3FAC] =	sst s4  }
0xd: {  	[smem:$0x3FAD] =	sst s5  }
0xe: {  	[smem:$0x3FAE] =	sst s6  }
0xf: {  	[smem:$0x3FAF] =	sst s7  }
0x10: {  	[smem:$0x3FB0] =	sst s8  }
0x11: {  	[smem:$0x3FB1] =	sst s9;
	s0 =	simm.s32 @!p0 $0x0  }
0x12: {  	s1 =	sld [smem:$0x3F97];
	s0 =	simm.s32 @p0 $0x1  }
0x13: {  	[smem:$0x3FB2] =	sst s0;
	s0 =	simm.s32 @!p1 $0x0  }
0x14: {  	s2 =	sld [smem:$0x3F96];
	s0 =	simm.s32 @p1 $0x1  }
0x15: {  	[smem:$0x3FB3] =	sst s0;
	s0 =	simm.s32 @!p2 $0x0  }
0x16: {  	s3 =	sld [smem:$0x3FDB];
	s0 =	simm.s32 @p2 $0x1  }
0x17: {  	s4 =	simm.s32 $0x1BF5;
	[smem:$0x3FB5] =	sst s0  }
0x18: {  	s0 =	sld [smem:$0x3F98];
	_ =	swait.ge [sflag:s4], $0x0  }
0x19: {  	s7 =	sld [smem:$0x3F99]  }
0x1a: {  	s8 =	sadd.s32 $0xFFFFE003, lr  }
0x1b: {  	s9 =	sadd.s32 $0xFFFFFEF7, lr;
	s5 =	simm.s32 $0xFFFFFFFF;
	p2 =	slt.u32 s8, $0xFFFFF086  }
0x1c: {  	p1 =	slt.u32 s9, $0xF7A;
	s5 =	simm.s32 @!p2 $0x0  }
0x1d: {  	s5 =	simm.s32 @p1 $0x1;
	p0 =	seq.s32 s7, s2  }
0x1e: {  	s7 =	smul.u32 @!p0 $0xF7A, s2;
	p2 =	seq.s32 @!p0 s5, $0x0  }
0x1f: {  	s9 =	smul.u32 $0xF7A, s1;
	s8 =	simm.s32 @!p0 $0x1BF5;
	p2 =	por !p2, p0  }
0x20: {  	[sflag:s8] =	ssyncset.s32 @!p0 $0xFFFFF086;
	s6 =	sadd.s32 @!p0 s3, s7;
	s7 =	simm.s32 @!p0 $0x108  }
0x21: {  	s3 =	sadd.s32 s3, s9;
	s6 =	sadd.s32 @!p0 $0x88, s6;
	s7 =	simm.s32 @p2 $0x1082  }
0x22: {  	[simem:s7], [sflag:s8] =	dma.local @!p0 [hbm:s6], $0xF7A  }
0x23: {  	s9 =	sor.u32 $0xD0000000, s2;
	s6 =	simm.s32 $0x108;
	_ =	swait.ge @!p0 [sflag:s8], $0x0  }
0x24: {  	s3 =	sadd.s32 $0x88, s3;
	s6 =	simm.s32 @!p1 $0x1082;
	[sflag:s4] =	ssyncset.s32 $0xFFFFF086  }
0x25: {  	[simem:s6], [sflag:s4] =	dma.local [hbm:s3], $0xF7A  }
0x26: {  	[smem:$0x3F99] =	sst s1;
	(tag) =	ssettag s2;
	_ =	strace s9  }
0x27: {  	s1 =	sld [smem:$0x3FA9]  }
0x28: {  	s2 =	sld [smem:$0x3FAA]  }
0x29: {  	s4 =	sld [smem:$0x3FAC]  }
0x2a: {  	p0 =	seq.s32 s5, $0x0;
	s5 =	sld [smem:$0x3FAD]  }
0x2b: {  	s6 =	sld [smem:$0x3FAE]  }
0x2c: {  	s7 =	sld [smem:$0x3FAF]  }
0x2d: {  	s3 =	simm.s32 $0x108;
	s8 =	sld [smem:$0x3FB0]  }
0x2e: {  	s3 =	simm.s32 @!p0 $0x1082;
	s9 =	sld [smem:$0x3FB1]  }
0x2f: {  	lr =	sadd.s32 s0, s3;
	s0 =	sld [smem:$0x3FA8]  }
0x30: {  	s3 =	sld [smem:$0x3FAB]  }
0x31: {  	[smem:$0x3FB4] =	sst s10  }
0x32: {  	s10 =	sld [smem:$0x3FB2];
	_ =	sdelay $0x3  }
0x33: {  	p0 =	seq.s32 s10, $0x1;
	s10 =	sld [smem:$0x3FB4];
	_ =	sdelay $0x3  }
0x34: {  	[smem:$0x3FB4] =	sst s10  }
0x35: {  	s10 =	sld [smem:$0x3FB3];
	_ =	sdelay $0x3  }
0x36: {  	p1 =	seq.s32 s10, $0x1;
	s10 =	sld [smem:$0x3FB4];
	_ =	sdelay $0x3  }
0x37: {  	[smem:$0x3FB4] =	sst s10  }
0x38: {  	s10 =	sld [smem:$0x3FB5]  }
0x39: {  	_ = 	snop;
	(pc) =	sbr.ind lr, $3  }
0x3a: {  	_ = 	snop  }
0x3b: {  	_ = 	snop  }
0x3c: {  	p2 =	seq.s32 s10, $0x1;
	s10 =	sld [smem:$0x3FB4]  }
0x3d: {  	_ =	shalt  }
0x3e: {  	_ =	shalt  }
0x3f: {  	_ =	shalt  }
0x40: {  	_ =	shalt  }
0x41: {  	_ =	shalt  }
0x42: {  	_ =	shalt  }
0x43: {  	_ =	shalt  }
0x44: {  	_ =	shalt  }
0x45: {  	_ =	shalt  }
0x46: {  	_ =	shalt  }
0x47: {  	_ =	shalt  }
0x48: {  	_ =	shalt  }
0x49: {  	_ =	shalt  }
0x4a: {  	_ =	shalt  }
0x4b: {  	_ =	shalt  }
0x4c: {  	_ =	shalt  }
0x4d: {  	_ =	shalt  }
0x4e: {  	_ =	shalt  }
0x4f: {  	_ =	shalt  }
0x50: {  	_ =	shalt  }
0x51: {  	_ =	shalt  }
0x52: {  	_ =	shalt  }
0x53: {  	_ =	shalt  }
0x54: {  	_ =	shalt  }
0x55: {  	_ =	shalt  }
0x56: {  	_ =	shalt  }
0x57: {  	_ =	shalt  }
0x58: {  	_ =	shalt  }
0x59: {  	_ =	shalt  }
0x5a: {  	_ =	shalt  }
0x5b: {  	_ =	shalt  }
0x5c: {  	_ =	shalt  }
0x5d: {  	_ =	shalt  }
0x5e: {  	_ =	shalt  }
0x5f: {  	_ =	shalt  }
0x60: {  	_ =	shalt  }
0x61: {  	_ =	shalt  }
0x62: {  	_ =	shalt  }
0x63: {  	_ =	shalt  }
0x64: {  	_ =	shalt  }
0x65: {  	_ =	shalt  }
0x66: {  	_ =	shalt  }
0x67: {  	_ =	shalt  }
0x68: {  	_ =	shalt  }
0x69: {  	_ =	shalt  }
0x6a: {  	_ =	shalt  }
0x6b: {  	_ =	shalt  }
0x6c: {  	_ =	shalt  }
0x6d: {  	_ =	shalt  }
0x6e: {  	_ =	shalt  }
0x6f: {  	_ =	shalt  }
0x70: {  	_ =	shalt  }
0x71: {  	_ =	shalt  }
0x72: {  	_ =	shalt  }
0x73: {  	_ =	shalt  }
0x74: {  	_ =	shalt  }
0x75: {  	_ =	shalt  }
0x76: {  	_ =	shalt  }
0x77: {  	_ =	shalt  }
0x78: {  	_ =	shalt  }
0x79: {  	_ =	shalt  }
0x7a: {  	_ =	shalt  }
0x7b: {  	_ =	shalt  }
0x7c: {  	_ =	shalt  }
0x7d: {  	_ =	shalt  }
0x7e: {  	_ =	shalt  }
0x7f: {  	_ =	shalt  }
0x80: {  	_ =	shalt  }
0x81: {  	_ =	shalt  }
0x82: {  	_ =	shalt  }
0x83: {  	_ =	shalt  }
0x84: {  	_ =	shalt  }
0x85: {  	_ =	shalt  }
0x86: {  	_ =	shalt  }
0x87: {  	_ =	shalt  }
.Lfunc_end0:
.L_simem_size_0:
called_computation.1_lowered:
.L_overlay_start_0:
0x88: {  	s2 =	sld [smem:$0x3FD9]  }
0x89: {  	s3 =	sld [smem:$0x3FFE];
	_ =	sdelay $0x1  }
0x8a: {  	s1 =	srdreg.scid  }
0x8b: {  	s0 =	sand.u32 $0x1, s1  }
0x8c: {  	s16 =	sshll.u32 s0, $0xA;
	s2 =	sadd.s32 s3, s2  }
0x8d: {  	s2 =	sadd.s32 s2, s16  }
0x8e: {  	[smem:$0x3FC0] =	sst s2  }
0x8f: {  	_ = 	snop  }
0x90: {  	(tm) =	ssettm $0x1  }
0x91: {  	s17 =	sld [smem:$0x3FFB];
	_ =	sdelay $0x3  }
0x92: {  	_ =	strace s17  }
0x93: {  	s2 =	sld [smem:$0x3FFC];
	_ =	sdelay $0x3  }
0x94: {  	_ =	strace s2  }
0x95: {  	s2 =	sld [smem:$0x3FFD];
	_ =	sdelay $0x3  }
0x96: {  	_ =	strace s2  }
0x97: {  	_ =	strace $0x8FFFFFFF  }
0x98: {  	s18 =	sld [smem:$0x3FDB];
	_ =	sdelay $0x1  }
0x99: {  	s19 =	simm.s32 $_scs_section_size  }
0x9a: {  	s4 =	simm.s32 $_size__tile_overlayer_lowered;
	s5 =	simm.s32 $_tile_overlayer_lowered  }
0x9b: {  	s22 =	simm.s32 $0x1BFF;
	s21 =	sshll.u32 s5, $0x1;
	s2 =	sadd.s32 s19, s18  }
0x9c: {  	s6 =	simm.s32 $0x0;
	s20 =	sshll.u32 s4, $0x1;
	s4 =	sadd.s32 s21, s2  }
0x9d: {  	[timem:s6], [sflag:s22] =	dma.local [hbm:s4], s20  }
0x9e: {  	_ =	swait.ge [sflag:s22], s20  }
0x9f: {  	s3 =	ssub.s32 $0x0, s20;
	[sflag:s22] =	ssyncset.done $0x0  }
0xa0: {  	[sflag:s22] =	ssyncadd.s32 s3;
	_ =	sdelay $0x1  }
0xa1: {  	s23 =	simm.s32 $0x1B8B  }
0xa2: {  	_ =	swait.ge [sflag:s23], $0x1  }
0xa3: {  	[sflag:s23] =	ssyncset.done $0x0  }
0xa4: {  	s25 =	simm.s32 $0x1B8E;
	s24 =	sld [smem:$0x3FFE];
	[sflag:s23] =	ssyncadd.s32 $0xFFFFFFFF  }
0xa5: {  	s26 =	simm.s32 $execute0_lowered;
	[smem:$0x3FD2] =	sst s25  }
0xa6: {  	s4 =	sshll.u32 s26, $0x1;
	_ =	strace $0x80000049;
	[dreg:$0x1] =	wrdreg $0xFFFFFFFF  }
0xa7: {  	s28 =	simm.s32 $_size_execute0_lowered;
	s2 =	sadd.s32 s2, s4;
	[dreg:$0x0] =	wrdreg $0x0  }
0xa8: {  	s4 =	sshll.u32 s28, $0x1;
	[dreg:$0x2] =	wrdreg s2  }
0xa9: {  	[dreg:$0x3] =	wrdreg s4  }
0xaa: {  	[dreg:$0x4] =	wrdreg $0xC0  }
0xab: {  	_ =	task [dreg:s6], $0x5FFFF  }
0xac: {  	[dreg:$0x1] =	wrdreg $0xFFFFFFFF  }
0xad: {  	[dreg:$0x0] =	wrdreg $0x60  }
0xae: {  	[dreg:$0x2] =	wrdreg s24  }
0xaf: {  	[dreg:$0x3] =	wrdreg $0x82000  }
0xb0: {  	[dreg:$0x4] =	wrdreg $0x9  }
0xb1: {  	_ =	task.clear_ibuf [dreg:s6], $0x5FFFF;
	_ =	strace $0x90000049  }
0xb2: {  	s29 =	simm.s32 $0x9;
	_ =	strace $0x8000004B  }
0xb3: {  	_ =	swait.ge [sflag:s29], $0x1  }
0xb4: {  	[sflag:s29] =	ssyncadd.s32 $0xFFFFFFFF  }
0xb5: {  	_ =	strace $0x9000004B  }
0xb6: {  	_ =	sfence  }
0xb7: {  	s30 =	sld [smem:$0x0];
	_ =	sdelay $0x2  }
0xb8: {  	s31 =	sshll.u32 s1, $0xD;
	s1 =	sshrl.u32 s1, $0x2  }
0xb9: {  	s3 =	sand.u32 $0x4000, s31;
	s1 =	sadd.s32 s1, s30  }
0xba: {  	s0 =	sor.u32 s3, s0;
	s1 =	sshll.u32 s1, $0x11  }
0xbb: {  	s0 =	sor.u32 s1, s0  }
0xbc: {  	s0 =	sadd.s32 $0x8F2B, s0  }
0xbd: {  	[sflag:s0] =	ssyncadd.remote.s32 $0x1  }
0xbe: {  	_ =	sfence.sel $0xFFFF  }
0xbf: {  	[dreg:$0x0] =	wrdreg $0xFFFFFFFF;
	(pc) =	sbr.abs _section_cstart, $3  }
0xc0: {  	[dreg:$0x1] =	wrdreg $0xFFFFFFFF  }
0xc1: {  	_ =	task.clear_ibuf [dreg:s6], $0x2FFFF;
	_ =	strace $0x9FFFFFFF  }
0xc2: {  	(tm) =	ssettm $0x7FFFFFFF  }
0xc3: {  	_ =	shalt  }
tec
execute0_lowered:
.L_overlay_start_1:
0x0: {  	(tag) =	ssettag $0x1  }
0x1: {  	s0 =	rddreg [dreg:$0x0]  }
0x2: {  	s1 =	rddreg [dreg:$0x1];
	s2 =	srdreg.scid;
	s3 =	simm.s32 $0x0  }
0x3: {  	s10 =	stileid.u32;
	s28 =	simm.s32 $0x4200;
	s29 =	simm.s32 $0x5  }
0x4: {  	s30 =	simm.s32 $0x2;
	s31 =	simm.s32 $0x6;
	s2 =	sand.u32 $0x1, s2  }
0x5: {  	[smem:$0x7FF] =	sst s3;
	s8 =	smul.u32 $0x13C00, s10;
	s4 =	sadd.s32 $0x17C00, s0  }
0x6: {  	s5 =	sadd.s32 $0x3C00, s0;
	s6 =	sadd.s32 $0xDC00, s0;
	s19 =	smul.u32 $0x4F000, s10  }
0x7: {  	s9 =	sadd.s32 $0x66C00, s0;
	s7 =	smul.u32 $0x13C000, s2;
	_ =	strace $0x8000004A  }
0x8: {  	[dreg:$0x3] =	wrdreg s9;
	s20 =	sshll.u32 s2, $0x4;
	s2 =	ssub.s32 $0x2, s2  }
0x9: {  	s9 =	sor.u32 s10, s20;
	s21 =	sshrl.u32 s2, $0x1;
	s20 =	simm.s32 $0x200  }
0xa: {  	s7 =	sadd.s32 s8, s7;
	s8 =	sshrl.u32 s19, $0x2;
	s9 =	smul.u32 $0x2800, s9  }
0xb: {  	s2 =	ssub.s32 s2, s21;
	s21 =	simm.s32 $0x7;
	s8 =	sadd.s32 s8, s1  }
0xc: {  	s7 =	sshrl.u32 s7, $0x3;
	s19 =	smax.u32 s2, $0x1;
	s22 =	sadd.s32 $0x4000, s8  }
0xd: {  	s2 =	simm.s32 $0x0;
	s23 =	sadd.s32 $0x8000, s8;
	[dreg:$0x4] =	wrdreg s22  }
0xe: {  	s0 =	sadd.s32 s7, s0;
	s24 =	sadd.s32 $0xC000, s8;
	[dreg:$0x5] =	wrdreg s23  }
0xf: {  	s25 =	sshrl.u32 s9, $0x3;
	s13 =	sadd.s32 $0x10000, s8;
	[dreg:$0x6] =	wrdreg s24  }
0x10: {  	s14 =	sadd.s32 s5, s25;
	s26 =	sor.u32 $0x10, s25;
	s15 =	sadd.s32 s6, s25  }
0x11: {  	s18 =	sadd.s32 $0x67400, s0;
	s22 =	simm.s32 $0x100;
	s23 =	simm.s32 $0x80  }
0x12: {  	s24 =	simm.s32 $0x3;
	s25 =	simm.s32 $0x4;
	s0 =	simm.s32 $0x180  }
0x13: {  	s16 =	sadd.s32 s5, s26;
	s17 =	sadd.s32 s6, s26;
	s26 =	simm.s32 $0x1  }
.LBB2_1:
0x14: {  	s7 =	rddreg [dreg:$0x3]  }
0x15: {  	[tilespmem:s20], [sflag:$0x7] =	stream.linear.gather [hbm4b:s7+s3], $0x4000, $0x38;
	[tilespmem:$0x1BE00] =	vst v63  }
0x16: {  	_ =	swait.ge [sflag:s21], $0x4000  }
0x17: {  	[sflag:s21] =	ssyncset.done $0x0  }
0x18: {  	[sflag:s21] =	ssyncadd.s32 $0xFFFFC000  }
0x19: {  	[spmem:s8] =	stream.linear.scatter [tilespmem:s20], [sflag:$0x7], $0x4000, $0x38;
	[tilespmem:$0x1BE00] =	vst v63  }
0x1a: {  	_ =	swait.ge [sflag:s21], $0x4000  }
0x1b: {  	[sflag:s21] =	ssyncset.done $0x0  }
0x1c: {  	s11 =	rddreg [dreg:$0x4];
	[sflag:s21] =	ssyncadd.s32 $0xFFFFC000  }
0x1d: {  	[spmem:s11] =	stream.linear.scatter [tilespmem:s20], [sflag:$0x7], $0x4000, $0x38;
	[tilespmem:$0x1BE00] =	vst v63  }
0x1e: {  	_ =	swait.ge [sflag:s21], $0x4000  }
0x1f: {  	[sflag:s21] =	ssyncset.done $0x0  }
0x20: {  	s12 =	rddreg [dreg:$0x5];
	[sflag:s21] =	ssyncadd.s32 $0xFFFFC000  }
0x21: {  	[spmem:s12] =	stream.linear.scatter [tilespmem:s20], [sflag:$0x7], $0x4000, $0x38;
	[tilespmem:$0x1BE00] =	vst v63  }
0x22: {  	_ =	swait.ge [sflag:s21], $0x4000  }
0x23: {  	[sflag:s21] =	ssyncset.done $0x0  }
0x24: {  	s10 =	rddreg [dreg:$0x6];
	[sflag:s21] =	ssyncadd.s32 $0xFFFFC000  }
0x25: {  	[spmem:s10] =	stream.linear.scatter [tilespmem:s20], [sflag:$0x7], $0x4000, $0x38;
	[tilespmem:$0x1BE00] =	vst v63  }
0x26: {  	_ =	swait.ge [sflag:s21], $0x4000  }
0x27: {  	[sflag:s21] =	ssyncset.done $0x0  }
0x28: {  	[sflag:s21] =	ssyncadd.s32 $0xFFFFC000  }
0x29: {  	[spmem:s13] =	stream.linear.scatter [tilespmem:s20], [sflag:$0x7], $0x3C00, $0x38;
	[tilespmem:$0x1BE00] =	vst v63  }
0x2a: {  	_ =	swait.ge [sflag:s21], $0x3C00  }
0x2b: {  	[sflag:s21] =	ssyncset.done $0x0  }
0x2c: {  	[sflag:s21] =	ssyncadd.s32 $0xFFFFC400  }
0x2d: {  	[bflag:$0x0] =	sbarrier.arrive $0xFFFF  }
0x2e: {  	[tilespmem:s3], [sflag:$0x3] =	stream.linear.gather [hbm4b:s14+s3], $0x80, $0x38;
	[tilespmem:$0x1BE00] =	vst v63  }
0x2f: {  	_ = 	snop  }
0x30: {  	[tilespmem:s22], [sflag:$0x5] =	stream.linear.gather [hbm4b:s15+s3], $0x80, $0x38;
	[tilespmem:$0x1BE00] =	vst v63  }
0x31: {  	_ = 	snop  }
0x32: {  	[tilespmem:s23], [sflag:$0x4] =	stream.linear.gather [hbm4b:s16+s3], $0x80, $0x38;
	[tilespmem:$0x1BE00] =	vst v63  }
0x33: {  	_ = 	snop  }
0x34: {  	[tilespmem:s0], [sflag:$0x6] =	stream.linear.gather [hbm4b:s17+s3], $0x80, $0x38;
	[tilespmem:$0x1BE00] =	vst v63  }
0x35: {  	_ =	swait.ge [sflag:s24], $0x80  }
0x36: {  	[sflag:s24] =	ssyncset.done $0x0  }
0x37: {  	[sflag:s24] =	ssyncadd.s32 $0xFFFFFF80  }
0x38: {  	[tilespmem:s20], [sflag:$0x1] =	stream.indirect.gather [hbm4b:s4+s23], $0x80, s3, s23, $0xb8;
	[tilespmem:$0x1BE00] =	vst v63  }
0x39: {  	_ =	swait.ge [sflag:s25], $0x80  }
0x3a: {  	s11 =	simm.s32 $0x100;
	[sflag:s25] =	ssyncset.done $0x0  }
0x3b: {  	s10 =	sand.u32 $0x7C00, s11;
	[sflag:s25] =	ssyncadd.s32 $0xFFFFFF80  }
0x3c: {  	s7 =	sand.u32 $0x300, s11;
	s10 =	sadd.s32 s9, s10;
	_ =	swait.ge [sflag:s26], $0x4000  }
0x3d: {  	s7 =	sor.u32 s7, s10;
	[sflag:s26] =	ssyncset.done $0x0  }
0x3e: {  	s7 =	sshrl.u32 s7, $0x3;
	[sflag:s26] =	ssyncadd.s32 $0xFFFFC000  }
0x3f: {  	[tilespmem:s28], [sflag:$0x2] =	stream.indirect.gather [hbm4b:s4+s23], $0x80, s23, s23, $0xb8;
	[tilespmem:$0x1BE00] =	vst v63  }
0x40: {  	s12 =	sadd.s32 s5, s7  }
0x41: {  	[tilespmem:s3], [sflag:$0x3] =	stream.linear.gather [hbm4b:s12+s3], $0x80, $0x38;
	[tilespmem:$0x1BE00] =	vst v63  }
0x42: {  	_ =	swait.ge [sflag:s29], $0x80  }
0x43: {  	[sflag:s29] =	ssyncset.done $0x0  }
0x44: {  	[sflag:s29] =	ssyncadd.s32 $0xFFFFFF80  }
0x45: {  	[spmem:s1] =	stream.indirect.scatter.add.f32 [tilespmem:s20], [sflag:$0x7], $0x80, s22, s23, $0xb8;
	[tilespmem:$0x1BE00] =	vst v63  }
0x46: {  	_ =	swait.ge [sflag:s21], $0x4000  }
0x47: {  	[sflag:s21] =	ssyncset.done $0x0  }
0x48: {  	s7 =	sadd.s32 s6, s7;
	[sflag:s21] =	ssyncadd.s32 $0xFFFFC000  }
0x49: {  	[tilespmem:s22], [sflag:$0x5] =	stream.linear.gather [hbm4b:s7+s3], $0x80, $0x38;
	[tilespmem:$0x1BE00] =	vst v63  }
0x4a: {  	_ =	swait.ge [sflag:s24], $0x80  }
0x4b: {  	[sflag:s24] =	ssyncset.done $0x0  }
0x4c: {  	s11 =	sand.u32 $0x7C00, s0;
	[sflag:s24] =	ssyncadd.s32 $0xFFFFFF80  }
0x4d: {  	s12 =	sand.u32 $0x380, s0;
	s7 =	sadd.s32 s9, s11;
	_ =	swait.ge [sflag:s30], $0x4000  }
0x4e: {  	s7 =	sor.u32 s12, s7;
	[sflag:s30] =	ssyncset.done $0x0  }
0x4f: {  	s10 =	sshrl.u32 s7, $0x3;
	[sflag:s30] =	ssyncadd.s32 $0xFFFFC000  }
0x50: {  	[tilespmem:s20], [sflag:$0x1] =	stream.indirect.gather [hbm4b:s4+s23], $0x80, s3, s23, $0xb8;
	[tilespmem:$0x1BE00] =	vst v63  }
0x51: {  	s7 =	sadd.s32 s5, s10  }
0x52: {  	[tilespmem:s23], [sflag:$0x4] =	stream.linear.gather [hbm4b:s7+s3], $0x80, $0x38;
	[tilespmem:$0x1BE00] =	vst v63  }
0x53: {  	_ =	swait.ge [sflag:s31], $0x80  }
0x54: {  	[sflag:s31] =	ssyncset.done $0x0  }
0x55: {  	[sflag:s31] =	ssyncadd.s32 $0xFFFFFF80  }
0x56: {  	[spmem:s1] =	stream.indirect.scatter.add.f32 [tilespmem:s28], [sflag:$0x7], $0x80, s0, s23, $0xb8;
	[tilespmem:$0x1BE00] =	vst v63  }
0x57: {  	_ =	swait.ge [sflag:s21], $0x4000  }
0x58: {  	s10 =	sadd.s32 s6, s10;
	s7 =	simm.s32 $0x280;
	[sflag:s21] =	ssyncset.done $0x0  }
.LBB2_2:
0x59: {  	p0 =	sne.s32 s7, $0x2780  }
0x5a: {  	[sflag:s21] =	ssyncadd.s32 $0xFFFFC000;
	s11 =	smov.u32 s7;
	s7 =	sadd.s32 $0x100, s7  }
0x5b: {  	[tilespmem:s0], [sflag:$0x6] =	stream.linear.gather [hbm4b:s10+s3], $0x80, $0x38;
	[tilespmem:$0x1BE00] =	vst v63  }
0x5c: {  	_ =	swait.ge [sflag:s25], $0x80  }
0x5d: {  	s10 =	sadd.s32 $0xFFFFFF80, s11;
	[sflag:s25] =	ssyncset.done $0x0  }
0x5e: {  	s12 =	sand.u32 $0x7C00, s10;
	s10 =	sand.u32 $0x300, s10;
	[sflag:s25] =	ssyncadd.s32 $0xFFFFFF80  }
0x5f: {  	s12 =	sadd.s32 s9, s12;
	_ =	swait.ge [sflag:s26], $0x4000  }
0x60: {  	s10 =	sor.u32 s10, s12;
	[sflag:s26] =	ssyncset.done $0x0  }
0x61: {  	s10 =	sshrl.u32 s10, $0x3;
	[sflag:s26] =	ssyncadd.s32 $0xFFFFC000  }
0x62: {  	[tilespmem:s28], [sflag:$0x2] =	stream.indirect.gather [hbm4b:s4+s23], $0x80, s23, s23, $0xb8;
	[tilespmem:$0x1BE00] =	vst v63  }
0x63: {  	s12 =	sadd.s32 s5, s10  }
0x64: {  	[tilespmem:s3], [sflag:$0x3] =	stream.linear.gather [hbm4b:s12+s3], $0x80, $0x38;
	[tilespmem:$0x1BE00] =	vst v63  }
0x65: {  	_ =	swait.ge [sflag:s29], $0x80  }
0x66: {  	[sflag:s29] =	ssyncset.done $0x0  }
0x67: {  	[sflag:s29] =	ssyncadd.s32 $0xFFFFFF80  }
0x68: {  	[spmem:s1] =	stream.indirect.scatter.add.f32 [tilespmem:s20], [sflag:$0x7], $0x80, s22, s23, $0xb8;
	[tilespmem:$0x1BE00] =	vst v63  }
0x69: {  	_ =	swait.ge [sflag:s21], $0x4000  }
0x6a: {  	s10 =	sadd.s32 s6, s10;
	[sflag:s21] =	ssyncset.done $0x0  }
0x6b: {  	[sflag:s21] =	ssyncadd.s32 $0xFFFFC000  }
0x6c: {  	[tilespmem:s22], [sflag:$0x5] =	stream.linear.gather [hbm4b:s10+s3], $0x80, $0x38;
	[tilespmem:$0x1BE00] =	vst v63  }
0x6d: {  	_ =	swait.ge [sflag:s24], $0x80  }
0x6e: {  	[sflag:s24] =	ssyncset.done $0x0  }
0x6f: {  	s10 =	sand.u32 $0x7C00, s11;
	[sflag:s24] =	ssyncadd.s32 $0xFFFFFF80  }
0x70: {  	s11 =	sand.u32 $0x380, s11;
	s10 =	sadd.s32 s9, s10;
	_ =	swait.ge [sflag:s30], $0x4000  }
0x71: {  	s10 =	sor.u32 s11, s10;
	[sflag:s30] =	ssyncset.done $0x0  }
0x72: {  	s10 =	sshrl.u32 s10, $0x3;
	[sflag:s30] =	ssyncadd.s32 $0xFFFFC000  }
0x73: {  	[tilespmem:s20], [sflag:$0x1] =	stream.indirect.gather [hbm4b:s4+s23], $0x80, s3, s23, $0xb8;
	[tilespmem:$0x1BE00] =	vst v63  }
0x74: {  	s11 =	sadd.s32 s5, s10  }
0x75: {  	[tilespmem:s23], [sflag:$0x4] =	stream.linear.gather [hbm4b:s11+s3], $0x80, $0x38;
	[tilespmem:$0x1BE00] =	vst v63  }
0x76: {  	_ =	swait.ge [sflag:s31], $0x80  }
.Ltmp0:
0x77: {  	[sflag:s31] =	ssyncset.done $0x0;
	(pc) =	sbr.rel @p0 .LBB2_2-.Ltmp0, $4  }
0x78: {  	[sflag:s31] =	ssyncadd.s32 $0xFFFFFF80  }
0x79: {  	[spmem:s1] =	stream.indirect.scatter.add.f32 [tilespmem:s28], [sflag:$0x7], $0x80, s0, s23, $0xb8;
	[tilespmem:$0x1BE00] =	vst v63  }
0x7a: {  	_ =	swait.ge [sflag:s21], $0x4000  }
0x7b: {  	s10 =	sadd.s32 s6, s10;
	[sflag:s21] =	ssyncset.done $0x0  }
0x7c: {  	[sflag:s21] =	ssyncadd.s32 $0xFFFFC000  }
0x7d: {  	[tilespmem:s0], [sflag:$0x6] =	stream.linear.gather [hbm4b:s10+s3], $0x80, $0x38;
	[tilespmem:$0x1BE00] =	vst v63  }
0x7e: {  	_ =	swait.ge [sflag:s25], $0x80  }
0x7f: {  	[sflag:s25] =	ssyncset.done $0x0  }
0x80: {  	[sflag:s25] =	ssyncadd.s32 $0xFFFFFF80  }
0x81: {  	_ =	swait.ge [sflag:s26], $0x4000  }
0x82: {  	[sflag:s26] =	ssyncset.done $0x0  }
0x83: {  	[sflag:s26] =	ssyncadd.s32 $0xFFFFC000  }
0x84: {  	[tilespmem:s28], [sflag:$0x2] =	stream.indirect.gather [hbm4b:s4+s23], $0x80, s23, s23, $0xb8;
	[tilespmem:$0x1BE00] =	vst v63  }
0x85: {  	_ =	swait.ge [sflag:s29], $0x80  }
0x86: {  	[sflag:s29] =	ssyncset.done $0x0  }
0x87: {  	[sflag:s29] =	ssyncadd.s32 $0xFFFFFF80  }
0x88: {  	[spmem:s1] =	stream.indirect.scatter.add.f32 [tilespmem:s20], [sflag:$0x7], $0x80, s22, s23, $0xb8;
	[tilespmem:$0x1BE00] =	vst v63  }
0x89: {  	_ =	swait.ge [sflag:s21], $0x4000  }
0x8a: {  	[sflag:s21] =	ssyncset.done $0x0  }
0x8b: {  	[sflag:s21] =	ssyncadd.s32 $0xFFFFC000  }
0x8c: {  	_ =	swait.ge [sflag:s30], $0x4000  }
0x8d: {  	[sflag:s30] =	ssyncset.done $0x0  }
0x8e: {  	[sflag:s30] =	ssyncadd.s32 $0xFFFFC000  }
0x8f: {  	_ =	swait.ge [sflag:s31], $0x80  }
0x90: {  	[sflag:s31] =	ssyncset.done $0x0  }
0x91: {  	[sflag:s31] =	ssyncadd.s32 $0xFFFFFF80  }
0x92: {  	[spmem:s1] =	stream.indirect.scatter.add.f32 [tilespmem:s28], [sflag:$0x7], $0x80, s0, s23, $0xb8;
	[tilespmem:$0x1BE00] =	vst v63  }
0x93: {  	s7 =	stileid.u32;
	_ =	swait.ge [sflag:s21], $0x4000  }
0x94: {  	s12 =	sshrl.u32 s8, $0x3;
	s2 =	sadd.s32 $0x1, s2;
	[sflag:s21] =	ssyncset.done $0x0  }
0x95: {  	s7 =	sshll.u32 s7, $0x6;
	p0 =	sne.s32 s2, s19;
	[sflag:s21] =	ssyncadd.s32 $0xFFFFC000  }
.Ltmp1:
0x96: {  	s7 =	sor.u32 $0x1C07, s7;
	[bflag:$0x0] =	sbarrier.arrive $0xFFFF;
	(pc) =	sbr.rel @p0 .LBB2_1-.Ltmp1, $4  }
0x97: {  	[hbm:s18], [sflag:s7] =	dma.local [spmem:s12], $0x2780  }
0x98: {  	_ =	swait.ge [sflag:s21], $0x2780  }
0x99: {  	[sflag:s21] =	ssyncset.done $0x0  }
0x9a: {  	[sflag:s21] =	ssyncadd.s32 $0xFFFFD880  }
0x9b: {  	_ =	sfence.sel $0x180000  }
0x9c: {  	[bflag:$0x0] =	sbarrier.arrive $0xFFFF  }
0x9d: {  	_ =	strace $0x9000004A  }
0x9e: {  	s0 =	stileid.u32;
	[bflag:$0x2] =	sbarrier.arrive $0xFFFF  }
0x9f: {  	p0 =	sne.s32 s0, $0x0;
	s0 =	rddreg [dreg:$0x2]  }
0xa0: {  	s0 =	sadd.s32 @!p0 $0x100000, s0  }
0xa1: {  	[sflag:s0] =	ssyncadd.tile.s32 @!p0 $0x1;
	_ =	shalt  }
.Lfunc_end2:
_tile_overlayer_lowered:
.L_overlay_start_2:
0xa2: {  	(tag) =	ssettag $0x2  }
0xa3: {  	s0 =	rddreg [dreg:$0x0];
	s2 =	stileid.u32  }
0xa4: {  	s1 =	rddreg [dreg:$0x1];
	p0 =	sne.s32 s2, $0x0  }
0xa5: {  	s3 =	rddreg [dreg:$0x2];
	[bflag:$0x3] =	sbarrier.arrive $0xFFFF;
	s2 =	simm.s32 @!p0 $0x1C07  }
0xa6: {  	[timem:s3], [sflag:s2] =	dma.local @!p0 [hbm:s0], s1  }
0xa7: {  	s0 =	simm.s32 @!p0 $0x7  }
0xa8: {  	_ =	swait.ge @!p0 [sflag:s0], s1  }
0xa9: {  	s1 =	ssub.s32 @!p0 $0x0, s1;
	[sflag:s0] =	ssyncset.done @!p0 $0x0  }
0xaa: {  	[sflag:s0] =	ssyncadd.s32 @!p0 s1  }
0xab: {  	[bflag:$0x3] =	sbarrier.arrive $0xFFFF  }
0xac: {  	_ =	shalt  }

// kernel: kernel.14.cloned.1.call-start
scs
__scs_entry_jumppad:
0x0: {  	(pc) =	sbr.rel $0x88, $3  }
0x1: {  	(tag) =	ssettag $0x0;
	lr =	simm.s32 $0x1  }
0x2: {  	[smem:$0x3F99] =	sst lr;
	_ =	strace $0xD0000000  }
0x3: {  	_ = 	snop  }
0x4: {  	_ = 	snop  }
0x5: {  	_ = 	snop  }
0x6: {  	_ = 	snop  }
0x7: {  	_ = 	snop  }
__scs_overlays_trampoline_lowered:
0x8: {  	[smem:$0x3FA8] =	sst s0  }
0x9: {  	[smem:$0x3FA9] =	sst s1  }
0xa: {  	[smem:$0x3FAA] =	sst s2  }
0xb: {  	[smem:$0x3FAB] =	sst s3  }
0xc: {  	[smem:$0x3FAC] =	sst s4  }
0xd: {  	[smem:$0x3FAD] =	sst s5  }
0xe: {  	[smem:$0x3FAE] =	sst s6  }
0xf: {  	[smem:$0x3FAF] =	sst s7  }
0x10: {  	[smem:$0x3FB0] =	sst s8  }
0x11: {  	[smem:$0x3FB1] =	sst s9;
	s0 =	simm.s32 @!p0 $0x0  }
0x12: {  	s1 =	sld [smem:$0x3F97];
	s0 =	simm.s32 @p0 $0x1  }
0x13: {  	[smem:$0x3FB2] =	sst s0;
	s0 =	simm.s32 @!p1 $0x0  }
0x14: {  	s2 =	sld [smem:$0x3F96];
	s0 =	simm.s32 @p1 $0x1  }
0x15: {  	[smem:$0x3FB3] =	sst s0;
	s0 =	simm.s32 @!p2 $0x0  }
0x16: {  	s3 =	sld [smem:$0x3FDB];
	s0 =	simm.s32 @p2 $0x1  }
0x17: {  	s4 =	simm.s32 $0x1BF5;
	[smem:$0x3FB5] =	sst s0  }
0x18: {  	s0 =	sld [smem:$0x3F98];
	_ =	swait.ge [sflag:s4], $0x0  }
0x19: {  	s7 =	sld [smem:$0x3F99]  }
0x1a: {  	s8 =	sadd.s32 $0xFFFFE003, lr  }
0x1b: {  	s9 =	sadd.s32 $0xFFFFFEF7, lr;
	s5 =	simm.s32 $0xFFFFFFFF;
	p2 =	slt.u32 s8, $0xFFFFF086  }
0x1c: {  	p1 =	slt.u32 s9, $0xF7A;
	s5 =	simm.s32 @!p2 $0x0  }
0x1d: {  	s5 =	simm.s32 @p1 $0x1;
	p0 =	seq.s32 s7, s2  }
0x1e: {  	s7 =	smul.u32 @!p0 $0xF7A, s2;
	p2 =	seq.s32 @!p0 s5, $0x0  }
0x1f: {  	s9 =	smul.u32 $0xF7A, s1;
	s8 =	simm.s32 @!p0 $0x1BF5;
	p2 =	por !p2, p0  }
0x20: {  	[sflag:s8] =	ssyncset.s32 @!p0 $0xFFFFF086;
	s6 =	sadd.s32 @!p0 s3, s7;
	s7 =	simm.s32 @!p0 $0x108  }
0x21: {  	s3 =	sadd.s32 s3, s9;
	s6 =	sadd.s32 @!p0 $0x88, s6;
	s7 =	simm.s32 @p2 $0x1082  }
0x22: {  	[simem:s7], [sflag:s8] =	dma.local @!p0 [hbm:s6], $0xF7A  }
0x23: {  	s9 =	sor.u32 $0xD0000000, s2;
	s6 =	simm.s32 $0x108;
	_ =	swait.ge @!p0 [sflag:s8], $0x0  }
0x24: {  	s3 =	sadd.s32 $0x88, s3;
	s6 =	simm.s32 @!p1 $0x1082;
	[sflag:s4] =	ssyncset.s32 $0xFFFFF086  }
0x25: {  	[simem:s6], [sflag:s4] =	dma.local [hbm:s3], $0xF7A  }
0x26: {  	[smem:$0x3F99] =	sst s1;
	(tag) =	ssettag s2;
	_ =	strace s9  }
0x27: {  	s1 =	sld [smem:$0x3FA9]  }
0x28: {  	s2 =	sld [smem:$0x3FAA]  }
0x29: {  	s4 =	sld [smem:$0x3FAC]  }
0x2a: {  	p0 =	seq.s32 s5, $0x0;
	s5 =	sld [smem:$0x3FAD]  }
0x2b: {  	s6 =	sld [smem:$0x3FAE]  }
0x2c: {  	s7 =	sld [smem:$0x3FAF]  }
0x2d: {  	s3 =	simm.s32 $0x108;
	s8 =	sld [smem:$0x3FB0]  }
0x2e: {  	s3 =	simm.s32 @!p0 $0x1082;
	s9 =	sld [smem:$0x3FB1]  }
0x2f: {  	lr =	sadd.s32 s0, s3;
	s0 =	sld [smem:$0x3FA8]  }
0x30: {  	s3 =	sld [smem:$0x3FAB]  }
0x31: {  	[smem:$0x3FB4] =	sst s10  }
0x32: {  	s10 =	sld [smem:$0x3FB2];
	_ =	sdelay $0x3  }
0x33: {  	p0 =	seq.s32 s10, $0x1;
	s10 =	sld [smem:$0x3FB4];
	_ =	sdelay $0x3  }
0x34: {  	[smem:$0x3FB4] =	sst s10  }
0x35: {  	s10 =	sld [smem:$0x3FB3];
	_ =	sdelay $0x3  }
0x36: {  	p1 =	seq.s32 s10, $0x1;
	s10 =	sld [smem:$0x3FB4];
	_ =	sdelay $0x3  }
0x37: {  	[smem:$0x3FB4] =	sst s10  }
0x38: {  	s10 =	sld [smem:$0x3FB5]  }
0x39: {  	_ = 	snop;
	(pc) =	sbr.ind lr, $3  }
0x3a: {  	_ = 	snop  }
0x3b: {  	_ = 	snop  }
0x3c: {  	p2 =	seq.s32 s10, $0x1;
	s10 =	sld [smem:$0x3FB4]  }
0x3d: {  	_ =	shalt  }
0x3e: {  	_ =	shalt  }
0x3f: {  	_ =	shalt  }
0x40: {  	_ =	shalt  }
0x41: {  	_ =	shalt  }
0x42: {  	_ =	shalt  }
0x43: {  	_ =	shalt  }
0x44: {  	_ =	shalt  }
0x45: {  	_ =	shalt  }
0x46: {  	_ =	shalt  }
0x47: {  	_ =	shalt  }
0x48: {  	_ =	shalt  }
0x49: {  	_ =	shalt  }
0x4a: {  	_ =	shalt  }
0x4b: {  	_ =	shalt  }
0x4c: {  	_ =	shalt  }
0x4d: {  	_ =	shalt  }
0x4e: {  	_ =	shalt  }
0x4f: {  	_ =	shalt  }
0x50: {  	_ =	shalt  }
0x51: {  	_ =	shalt  }
0x52: {  	_ =	shalt  }
0x53: {  	_ =	shalt  }
0x54: {  	_ =	shalt  }
0x55: {  	_ =	shalt  }
0x56: {  	_ =	shalt  }
0x57: {  	_ =	shalt  }
0x58: {  	_ =	shalt  }
0x59: {  	_ =	shalt  }
0x5a: {  	_ =	shalt  }
0x5b: {  	_ =	shalt  }
0x5c: {  	_ =	shalt  }
0x5d: {  	_ =	shalt  }
0x5e: {  	_ =	shalt  }
0x5f: {  	_ =	shalt  }
0x60: {  	_ =	shalt  }
0x61: {  	_ =	shalt  }
0x62: {  	_ =	shalt  }
0x63: {  	_ =	shalt  }
0x64: {  	_ =	shalt  }
0x65: {  	_ =	shalt  }
0x66: {  	_ =	shalt  }
0x67: {  	_ =	shalt  }
0x68: {  	_ =	shalt  }
0x69: {  	_ =	shalt  }
0x6a: {  	_ =	shalt  }
0x6b: {  	_ =	shalt  }
0x6c: {  	_ =	shalt  }
0x6d: {  	_ =	shalt  }
0x6e: {  	_ =	shalt  }
0x6f: {  	_ =	shalt  }
0x70: {  	_ =	shalt  }
0x71: {  	_ =	shalt  }
0x72: {  	_ =	shalt  }
0x73: {  	_ =	shalt  }
0x74: {  	_ =	shalt  }
0x75: {  	_ =	shalt  }
0x76: {  	_ =	shalt  }
0x77: {  	_ =	shalt  }
0x78: {  	_ =	shalt  }
0x79: {  	_ =	shalt  }
0x7a: {  	_ =	shalt  }
0x7b: {  	_ =	shalt  }
0x7c: {  	_ =	shalt  }
0x7d: {  	_ =	shalt  }
0x7e: {  	_ =	shalt  }
0x7f: {  	_ =	shalt  }
0x80: {  	_ =	shalt  }
0x81: {  	_ =	shalt  }
0x82: {  	_ =	shalt  }
0x83: {  	_ =	shalt  }
0x84: {  	_ =	shalt  }
0x85: {  	_ =	shalt  }
0x86: {  	_ =	shalt  }
0x87: {  	_ =	shalt  }
.Lfunc_end0:
.L_simem_size_0:
called_computation.2_lowered:
.L_overlay_start_0:
0x88: {  	s2 =	sld [smem:$0x3FD9]  }
0x89: {  	s3 =	sld [smem:$0x3FFE];
	_ =	sdelay $0x1  }
0x8a: {  	s1 =	srdreg.scid  }
0x8b: {  	s0 =	sand.u32 $0x1, s1  }
0x8c: {  	s16 =	sshll.u32 s0, $0xA;
	s2 =	sadd.s32 s3, s2  }
0x8d: {  	s2 =	sadd.s32 s2, s16  }
0x8e: {  	[smem:$0x3FC0] =	sst s2  }
0x8f: {  	_ = 	snop  }
0x90: {  	(tm) =	ssettm $0x1  }
0x91: {  	s17 =	sld [smem:$0x3FFB];
	_ =	sdelay $0x3  }
0x92: {  	_ =	strace s17  }
0x93: {  	s2 =	sld [smem:$0x3FFC];
	_ =	sdelay $0x3  }
0x94: {  	_ =	strace s2  }
0x95: {  	s2 =	sld [smem:$0x3FFD];
	_ =	sdelay $0x3  }
0x96: {  	_ =	strace s2  }
0x97: {  	_ =	strace $0x8FFFFFFF  }
0x98: {  	s18 =	sld [smem:$0x3FDB];
	_ =	sdelay $0x1  }
0x99: {  	s19 =	simm.s32 $_scs_section_size  }
0x9a: {  	s4 =	simm.s32 $_size__tile_overlayer_lowered;
	s5 =	simm.s32 $_tile_overlayer_lowered  }
0x9b: {  	s22 =	simm.s32 $0x1BFF;
	s21 =	sshll.u32 s5, $0x1;
	s2 =	sadd.s32 s19, s18  }
0x9c: {  	s6 =	simm.s32 $0x0;
	s20 =	sshll.u32 s4, $0x1;
	s4 =	sadd.s32 s21, s2  }
0x9d: {  	[timem:s6], [sflag:s22] =	dma.local [hbm:s4], s20  }
0x9e: {  	_ =	swait.ge [sflag:s22], s20  }
0x9f: {  	s3 =	ssub.s32 $0x0, s20;
	[sflag:s22] =	ssyncset.done $0x0  }
0xa0: {  	[sflag:s22] =	ssyncadd.s32 s3;
	_ =	sdelay $0x1  }
0xa1: {  	s23 =	simm.s32 $0x1B8B  }
0xa2: {  	_ =	swait.ge [sflag:s23], $0x1  }
0xa3: {  	[sflag:s23] =	ssyncset.done $0x0  }
0xa4: {  	s25 =	simm.s32 $0x1B8E;
	s24 =	sld [smem:$0x3FFE];
	[sflag:s23] =	ssyncadd.s32 $0xFFFFFFFF  }
0xa5: {  	s26 =	simm.s32 $execute0_lowered;
	[smem:$0x3FD2] =	sst s25  }
0xa6: {  	s4 =	sshll.u32 s26, $0x1;
	_ =	strace $0x8000004C;
	[dreg:$0x1] =	wrdreg $0xFFFFFFFF  }
0xa7: {  	s28 =	simm.s32 $_size_execute0_lowered;
	s2 =	sadd.s32 s2, s4;
	[dreg:$0x0] =	wrdreg $0x0  }
0xa8: {  	s4 =	sshll.u32 s28, $0x1;
	[dreg:$0x2] =	wrdreg s2  }
0xa9: {  	[dreg:$0x3] =	wrdreg s4  }
0xaa: {  	[dreg:$0x4] =	wrdreg $0xC0  }
0xab: {  	_ =	task [dreg:s6], $0x5FFFF  }
0xac: {  	[dreg:$0x1] =	wrdreg $0xFFFFFFFF  }
0xad: {  	[dreg:$0x0] =	wrdreg $0x60  }
0xae: {  	[dreg:$0x2] =	wrdreg s24  }
0xaf: {  	[dreg:$0x3] =	wrdreg $0x82000  }
0xb0: {  	[dreg:$0x4] =	wrdreg $0x9  }
0xb1: {  	_ =	task.clear_ibuf [dreg:s6], $0x5FFFF;
	_ =	strace $0x9000004C  }
0xb2: {  	s29 =	simm.s32 $0x9;
	_ =	strace $0x8000004E  }
0xb3: {  	_ =	swait.ge [sflag:s29], $0x1  }
0xb4: {  	[sflag:s29] =	ssyncadd.s32 $0xFFFFFFFF  }
0xb5: {  	_ =	strace $0x9000004E  }
0xb6: {  	_ =	sfence  }
0xb7: {  	s30 =	sld [smem:$0x0];
	_ =	sdelay $0x2  }
0xb8: {  	s31 =	sshll.u32 s1, $0xD;
	s1 =	sshrl.u32 s1, $0x2  }
0xb9: {  	s3 =	sand.u32 $0x4000, s31;
	s1 =	sadd.s32 s1, s30  }
0xba: {  	s0 =	sor.u32 s3, s0;
	s1 =	sshll.u32 s1, $0x11  }
0xbb: {  	s0 =	sor.u32 s1, s0  }
0xbc: {  	s0 =	sadd.s32 $0x8F2B, s0  }
0xbd: {  	[sflag:s0] =	ssyncadd.remote.s32 $0x1  }
0xbe: {  	_ =	sfence.sel $0xFFFF  }
0xbf: {  	[dreg:$0x0] =	wrdreg $0xFFFFFFFF;
	(pc) =	sbr.abs _section_cstart, $3  }
0xc0: {  	[dreg:$0x1] =	wrdreg $0xFFFFFFFF  }
0xc1: {  	_ =	task.clear_ibuf [dreg:s6], $0x2FFFF;
	_ =	strace $0x9FFFFFFF  }
0xc2: {  	(tm) =	ssettm $0x7FFFFFFF  }
0xc3: {  	_ =	shalt  }
tec
execute0_lowered:
.L_overlay_start_1:
0x0: {  	(tag) =	ssettag $0x1  }
0x1: {  	s0 =	rddreg [dreg:$0x0]  }
0x2: {  	s1 =	rddreg [dreg:$0x1];
	s2 =	srdreg.scid;
	s3 =	simm.s32 $0x0  }
0x3: {  	s10 =	stileid.u32;
	s28 =	simm.s32 $0x4200;
	s29 =	simm.s32 $0x5  }
0x4: {  	s30 =	simm.s32 $0x2;
	s31 =	simm.s32 $0x6;
	s2 =	sand.u32 $0x1, s2  }
0x5: {  	[smem:$0x7FF] =	sst s3;
	s8 =	smul.u32 $0x13C00, s10;
	s4 =	sadd.s32 $0x17C00, s0  }
0x6: {  	s5 =	sadd.s32 $0x3C00, s0;
	s6 =	sadd.s32 $0xDC00, s0;
	s19 =	smul.u32 $0x4F000, s10  }
0x7: {  	s9 =	sadd.s32 $0x66C00, s0;
	s7 =	smul.u32 $0x13C000, s2;
	_ =	strace $0x8000004D  }
0x8: {  	[dreg:$0x3] =	wrdreg s9;
	s20 =	sshll.u32 s2, $0x4;
	s2 =	ssub.s32 $0x2, s2  }
0x9: {  	s9 =	sor.u32 s10, s20;
	s21 =	sshrl.u32 s2, $0x1;
	s20 =	simm.s32 $0x200  }
0xa: {  	s7 =	sadd.s32 s8, s7;
	s8 =	sshrl.u32 s19, $0x2;
	s9 =	smul.u32 $0x2800, s9  }
0xb: {  	s2 =	ssub.s32 s2, s21;
	s21 =	simm.s32 $0x7;
	s8 =	sadd.s32 s8, s1  }
0xc: {  	s7 =	sshrl.u32 s7, $0x3;
	s19 =	smax.u32 s2, $0x1;
	s22 =	sadd.s32 $0x4000, s8  }
0xd: {  	s2 =	simm.s32 $0x0;
	s23 =	sadd.s32 $0x8000, s8;
	[dreg:$0x4] =	wrdreg s22  }
0xe: {  	s0 =	sadd.s32 s7, s0;
	s24 =	sadd.s32 $0xC000, s8;
	[dreg:$0x5] =	wrdreg s23  }
0xf: {  	s25 =	sshrl.u32 s9, $0x3;
	s13 =	sadd.s32 $0x10000, s8;
	[dreg:$0x6] =	wrdreg s24  }
0x10: {  	s14 =	sadd.s32 s5, s25;
	s26 =	sor.u32 $0x10, s25;
	s15 =	sadd.s32 s6, s25  }
0x11: {  	s18 =	sadd.s32 $0x67400, s0;
	s22 =	simm.s32 $0x100;
	s23 =	simm.s32 $0x80  }
0x12: {  	s24 =	simm.s32 $0x3;
	s25 =	simm.s32 $0x4;
	s0 =	simm.s32 $0x180  }
0x13: {  	s16 =	sadd.s32 s5, s26;
	s17 =	sadd.s32 s6, s26;
	s26 =	simm.s32 $0x1  }
.LBB2_1:
0x14: {  	s7 =	rddreg [dreg:$0x3]  }
0x15: {  	[tilespmem:s20], [sflag:$0x7] =	stream.linear.gather [hbm4b:s7+s3], $0x4000, $0x38;
	[tilespmem:$0x1BE00] =	vst v63  }
0x16: {  	_ =	swait.ge [sflag:s21], $0x4000  }
0x17: {  	[sflag:s21] =	ssyncset.done $0x0  }
0x18: {  	[sflag:s21] =	ssyncadd.s32 $0xFFFFC000  }
0x19: {  	[spmem:s8] =	stream.linear.scatter [tilespmem:s20], [sflag:$0x7], $0x4000, $0x38;
	[tilespmem:$0x1BE00] =	vst v63  }
0x1a: {  	_ =	swait.ge [sflag:s21], $0x4000  }
0x1b: {  	[sflag:s21] =	ssyncset.done $0x0  }
0x1c: {  	s11 =	rddreg [dreg:$0x4];
	[sflag:s21] =	ssyncadd.s32 $0xFFFFC000  }
0x1d: {  	[spmem:s11] =	stream.linear.scatter [tilespmem:s20], [sflag:$0x7], $0x4000, $0x38;
	[tilespmem:$0x1BE00] =	vst v63  }
0x1e: {  	_ =	swait.ge [sflag:s21], $0x4000  }
0x1f: {  	[sflag:s21] =	ssyncset.done $0x0  }
0x20: {  	s12 =	rddreg [dreg:$0x5];
	[sflag:s21] =	ssyncadd.s32 $0xFFFFC000  }
0x21: {  	[spmem:s12] =	stream.linear.scatter [tilespmem:s20], [sflag:$0x7], $0x4000, $0x38;
	[tilespmem:$0x1BE00] =	vst v63  }
0x22: {  	_ =	swait.ge [sflag:s21], $0x4000  }
0x23: {  	[sflag:s21] =	ssyncset.done $0x0  }
0x24: {  	s10 =	rddreg [dreg:$0x6];
	[sflag:s21] =	ssyncadd.s32 $0xFFFFC000  }
0x25: {  	[spmem:s10] =	stream.linear.scatter [tilespmem:s20], [sflag:$0x7], $0x4000, $0x38;
	[tilespmem:$0x1BE00] =	vst v63  }
0x26: {  	_ =	swait.ge [sflag:s21], $0x4000  }
0x27: {  	[sflag:s21] =	ssyncset.done $0x0  }
0x28: {  	[sflag:s21] =	ssyncadd.s32 $0xFFFFC000  }
0x29: {  	[spmem:s13] =	stream.linear.scatter [tilespmem:s20], [sflag:$0x7], $0x3C00, $0x38;
	[tilespmem:$0x1BE00] =	vst v63  }
0x2a: {  	_ =	swait.ge [sflag:s21], $0x3C00  }
0x2b: {  	[sflag:s21] =	ssyncset.done $0x0  }
0x2c: {  	[sflag:s21] =	ssyncadd.s32 $0xFFFFC400  }
0x2d: {  	[bflag:$0x0] =	sbarrier.arrive $0xFFFF  }
0x2e: {  	[tilespmem:s3], [sflag:$0x3] =	stream.linear.gather [hbm4b:s14+s3], $0x80, $0x38;
	[tilespmem:$0x1BE00] =	vst v63  }
0x2f: {  	_ = 	snop  }
0x30: {  	[tilespmem:s22], [sflag:$0x5] =	stream.linear.gather [hbm4b:s15+s3], $0x80, $0x38;
	[tilespmem:$0x1BE00] =	vst v63  }
0x31: {  	_ = 	snop  }
0x32: {  	[tilespmem:s23], [sflag:$0x4] =	stream.linear.gather [hbm4b:s16+s3], $0x80, $0x38;
	[tilespmem:$0x1BE00] =	vst v63  }
0x33: {  	_ = 	snop  }
0x34: {  	[tilespmem:s0], [sflag:$0x6] =	stream.linear.gather [hbm4b:s17+s3], $0x80, $0x38;
	[tilespmem:$0x1BE00] =	vst v63  }
0x35: {  	_ =	swait.ge [sflag:s24], $0x80  }
0x36: {  	[sflag:s24] =	ssyncset.done $0x0  }
0x37: {  	[sflag:s24] =	ssyncadd.s32 $0xFFFFFF80  }
0x38: {  	[tilespmem:s20], [sflag:$0x1] =	stream.indirect.gather [hbm4b:s4+s23], $0x80, s3, s23, $0xb8;
	[tilespmem:$0x1BE00] =	vst v63  }
0x39: {  	_ =	swait.ge [sflag:s25], $0x80  }
0x3a: {  	s11 =	simm.s32 $0x100;
	[sflag:s25] =	ssyncset.done $0x0  }
0x3b: {  	s10 =	sand.u32 $0x7C00, s11;
	[sflag:s25] =	ssyncadd.s32 $0xFFFFFF80  }
0x3c: {  	s7 =	sand.u32 $0x300, s11;
	s10 =	sadd.s32 s9, s10;
	_ =	swait.ge [sflag:s26], $0x4000  }
0x3d: {  	s7 =	sor.u32 s7, s10;
	[sflag:s26] =	ssyncset.done $0x0  }
0x3e: {  	s7 =	sshrl.u32 s7, $0x3;
	[sflag:s26] =	ssyncadd.s32 $0xFFFFC000  }
0x3f: {  	[tilespmem:s28], [sflag:$0x2] =	stream.indirect.gather [hbm4b:s4+s23], $0x80, s23, s23, $0xb8;
	[tilespmem:$0x1BE00] =	vst v63  }
0x40: {  	s12 =	sadd.s32 s5, s7  }
0x41: {  	[tilespmem:s3], [sflag:$0x3] =	stream.linear.gather [hbm4b:s12+s3], $0x80, $0x38;
	[tilespmem:$0x1BE00] =	vst v63  }
0x42: {  	_ =	swait.ge [sflag:s29], $0x80  }
0x43: {  	[sflag:s29] =	ssyncset.done $0x0  }
0x44: {  	[sflag:s29] =	ssyncadd.s32 $0xFFFFFF80  }
0x45: {  	[spmem:s1] =	stream.indirect.scatter.add.f32 [tilespmem:s20], [sflag:$0x7], $0x80, s22, s23, $0xb8;
	[tilespmem:$0x1BE00] =	vst v63  }
0x46: {  	_ =	swait.ge [sflag:s21], $0x4000  }
0x47: {  	[sflag:s21] =	ssyncset.done $0x0  }
0x48: {  	s7 =	sadd.s32 s6, s7;
	[sflag:s21] =	ssyncadd.s32 $0xFFFFC000  }
0x49: {  	[tilespmem:s22], [sflag:$0x5] =	stream.linear.gather [hbm4b:s7+s3], $0x80, $0x38;
	[tilespmem:$0x1BE00] =	vst v63  }
0x4a: {  	_ =	swait.ge [sflag:s24], $0x80  }
0x4b: {  	[sflag:s24] =	ssyncset.done $0x0  }
0x4c: {  	s11 =	sand.u32 $0x7C00, s0;
	[sflag:s24] =	ssyncadd.s32 $0xFFFFFF80  }
0x4d: {  	s12 =	sand.u32 $0x380, s0;
	s7 =	sadd.s32 s9, s11;
	_ =	swait.ge [sflag:s30], $0x4000  }
0x4e: {  	s7 =	sor.u32 s12, s7;
	[sflag:s30] =	ssyncset.done $0x0  }
0x4f: {  	s10 =	sshrl.u32 s7, $0x3;
	[sflag:s30] =	ssyncadd.s32 $0xFFFFC000  }
0x50: {  	[tilespmem:s20], [sflag:$0x1] =	stream.indirect.gather [hbm4b:s4+s23], $0x80, s3, s23, $0xb8;
	[tilespmem:$0x1BE00] =	vst v63  }
0x51: {  	s7 =	sadd.s32 s5, s10  }
0x52: {  	[tilespmem:s23], [sflag:$0x4] =	stream.linear.gather [hbm4b:s7+s3], $0x80, $0x38;
	[tilespmem:$0x1BE00] =	vst v63  }
0x53: {  	_ =	swait.ge [sflag:s31], $0x80  }
0x54: {  	[sflag:s31] =	ssyncset.done $0x0  }
0x55: {  	[sflag:s31] =	ssyncadd.s32 $0xFFFFFF80  }
0x56: {  	[spmem:s1] =	stream.indirect.scatter.add.f32 [tilespmem:s28], [sflag:$0x7], $0x80, s0, s23, $0xb8;
	[tilespmem:$0x1BE00] =	vst v63  }
0x57: {  	_ =	swait.ge [sflag:s21], $0x4000  }
0x58: {  	s10 =	sadd.s32 s6, s10;
	s7 =	simm.s32 $0x280;
	[sflag:s21] =	ssyncset.done $0x0  }
.LBB2_2:
0x59: {  	p0 =	sne.s32 s7, $0x2780  }
0x5a: {  	[sflag:s21] =	ssyncadd.s32 $0xFFFFC000;
	s11 =	smov.u32 s7;
	s7 =	sadd.s32 $0x100, s7  }
0x5b: {  	[tilespmem:s0], [sflag:$0x6] =	stream.linear.gather [hbm4b:s10+s3], $0x80, $0x38;
	[tilespmem:$0x1BE00] =	vst v63  }
0x5c: {  	_ =	swait.ge [sflag:s25], $0x80  }
0x5d: {  	s10 =	sadd.s32 $0xFFFFFF80, s11;
	[sflag:s25] =	ssyncset.done $0x0  }
0x5e: {  	s12 =	sand.u32 $0x7C00, s10;
	s10 =	sand.u32 $0x300, s10;
	[sflag:s25] =	ssyncadd.s32 $0xFFFFFF80  }
0x5f: {  	s12 =	sadd.s32 s9, s12;
	_ =	swait.ge [sflag:s26], $0x4000  }
0x60: {  	s10 =	sor.u32 s10, s12;
	[sflag:s26] =	ssyncset.done $0x0  }
0x61: {  	s10 =	sshrl.u32 s10, $0x3;
	[sflag:s26] =	ssyncadd.s32 $0xFFFFC000  }
0x62: {  	[tilespmem:s28], [sflag:$0x2] =	stream.indirect.gather [hbm4b:s4+s23], $0x80, s23, s23, $0xb8;
	[tilespmem:$0x1BE00] =	vst v63  }
0x63: {  	s12 =	sadd.s32 s5, s10  }
0x64: {  	[tilespmem:s3], [sflag:$0x3] =	stream.linear.gather [hbm4b:s12+s3], $0x80, $0x38;
	[tilespmem:$0x1BE00] =	vst v63  }
0x65: {  	_ =	swait.ge [sflag:s29], $0x80  }
0x66: {  	[sflag:s29] =	ssyncset.done $0x0  }
0x67: {  	[sflag:s29] =	ssyncadd.s32 $0xFFFFFF80  }
0x68: {  	[spmem:s1] =	stream.indirect.scatter.add.f32 [tilespmem:s20], [sflag:$0x7], $0x80, s22, s23, $0xb8;
	[tilespmem:$0x1BE00] =	vst v63  }
0x69: {  	_ =	swait.ge [sflag:s21], $0x4000  }
0x6a: {  	s10 =	sadd.s32 s6, s10;
	[sflag:s21] =	ssyncset.done $0x0  }
0x6b: {  	[sflag:s21] =	ssyncadd.s32 $0xFFFFC000  }
0x6c: {  	[tilespmem:s22], [sflag:$0x5] =	stream.linear.gather [hbm4b:s10+s3], $0x80, $0x38;
	[tilespmem:$0x1BE00] =	vst v63  }
0x6d: {  	_ =	swait.ge [sflag:s24], $0x80  }
0x6e: {  	[sflag:s24] =	ssyncset.done $0x0  }
0x6f: {  	s10 =	sand.u32 $0x7C00, s11;
	[sflag:s24] =	ssyncadd.s32 $0xFFFFFF80  }
0x70: {  	s11 =	sand.u32 $0x380, s11;
	s10 =	sadd.s32 s9, s10;
	_ =	swait.ge [sflag:s30], $0x4000  }
0x71: {  	s10 =	sor.u32 s11, s10;
	[sflag:s30] =	ssyncset.done $0x0  }
0x72: {  	s10 =	sshrl.u32 s10, $0x3;
	[sflag:s30] =	ssyncadd.s32 $0xFFFFC000  }
0x73: {  	[tilespmem:s20], [sflag:$0x1] =	stream.indirect.gather [hbm4b:s4+s23], $0x80, s3, s23, $0xb8;
	[tilespmem:$0x1BE00] =	vst v63  }
0x74: {  	s11 =	sadd.s32 s5, s10  }
0x75: {  	[tilespmem:s23], [sflag:$0x4] =	stream.linear.gather [hbm4b:s11+s3], $0x80, $0x38;
	[tilespmem:$0x1BE00] =	vst v63  }
0x76: {  	_ =	swait.ge [sflag:s31], $0x80  }
.Ltmp0:
0x77: {  	[sflag:s31] =	ssyncset.done $0x0;
	(pc) =	sbr.rel @p0 .LBB2_2-.Ltmp0, $4  }
0x78: {  	[sflag:s31] =	ssyncadd.s32 $0xFFFFFF80  }
0x79: {  	[spmem:s1] =	stream.indirect.scatter.add.f32 [tilespmem:s28], [sflag:$0x7], $0x80, s0, s23, $0xb8;
	[tilespmem:$0x1BE00] =	vst v63  }
0x7a: {  	_ =	swait.ge [sflag:s21], $0x4000  }
0x7b: {  	s10 =	sadd.s32 s6, s10;
	[sflag:s21] =	ssyncset.done $0x0  }
0x7c: {  	[sflag:s21] =	ssyncadd.s32 $0xFFFFC000  }
0x7d: {  	[tilespmem:s0], [sflag:$0x6] =	stream.linear.gather [hbm4b:s10+s3], $0x80, $0x38;
	[tilespmem:$0x1BE00] =	vst v63  }
0x7e: {  	_ =	swait.ge [sflag:s25], $0x80  }
0x7f: {  	[sflag:s25] =	ssyncset.done $0x0  }
0x80: {  	[sflag:s25] =	ssyncadd.s32 $0xFFFFFF80  }
0x81: {  	_ =	swait.ge [sflag:s26], $0x4000  }
0x82: {  	[sflag:s26] =	ssyncset.done $0x0  }
0x83: {  	[sflag:s26] =	ssyncadd.s32 $0xFFFFC000  }
0x84: {  	[tilespmem:s28], [sflag:$0x2] =	stream.indirect.gather [hbm4b:s4+s23], $0x80, s23, s23, $0xb8;
	[tilespmem:$0x1BE00] =	vst v63  }
0x85: {  	_ =	swait.ge [sflag:s29], $0x80  }
0x86: {  	[sflag:s29] =	ssyncset.done $0x0  }
0x87: {  	[sflag:s29] =	ssyncadd.s32 $0xFFFFFF80  }
0x88: {  	[spmem:s1] =	stream.indirect.scatter.add.f32 [tilespmem:s20], [sflag:$0x7], $0x80, s22, s23, $0xb8;
	[tilespmem:$0x1BE00] =	vst v63  }
0x89: {  	_ =	swait.ge [sflag:s21], $0x4000  }
0x8a: {  	[sflag:s21] =	ssyncset.done $0x0  }
0x8b: {  	[sflag:s21] =	ssyncadd.s32 $0xFFFFC000  }
0x8c: {  	_ =	swait.ge [sflag:s30], $0x4000  }
0x8d: {  	[sflag:s30] =	ssyncset.done $0x0  }
0x8e: {  	[sflag:s30] =	ssyncadd.s32 $0xFFFFC000  }
0x8f: {  	_ =	swait.ge [sflag:s31], $0x80  }
0x90: {  	[sflag:s31] =	ssyncset.done $0x0  }
0x91: {  	[sflag:s31] =	ssyncadd.s32 $0xFFFFFF80  }
0x92: {  	[spmem:s1] =	stream.indirect.scatter.add.f32 [tilespmem:s28], [sflag:$0x7], $0x80, s0, s23, $0xb8;
	[tilespmem:$0x1BE00] =	vst v63  }
0x93: {  	s7 =	stileid.u32;
	_ =	swait.ge [sflag:s21], $0x4000  }
0x94: {  	s12 =	sshrl.u32 s8, $0x3;
	s2 =	sadd.s32 $0x1, s2;
	[sflag:s21] =	ssyncset.done $0x0  }
0x95: {  	s7 =	sshll.u32 s7, $0x6;
	p0 =	sne.s32 s2, s19;
	[sflag:s21] =	ssyncadd.s32 $0xFFFFC000  }
.Ltmp1:
0x96: {  	s7 =	sor.u32 $0x1C07, s7;
	[bflag:$0x0] =	sbarrier.arrive $0xFFFF;
	(pc) =	sbr.rel @p0 .LBB2_1-.Ltmp1, $4  }
0x97: {  	[hbm:s18], [sflag:s7] =	dma.local [spmem:s12], $0x2780  }
0x98: {  	_ =	swait.ge [sflag:s21], $0x2780  }
0x99: {  	[sflag:s21] =	ssyncset.done $0x0  }
0x9a: {  	[sflag:s21] =	ssyncadd.s32 $0xFFFFD880  }
0x9b: {  	_ =	sfence.sel $0x180000  }
0x9c: {  	[bflag:$0x0] =	sbarrier.arrive $0xFFFF  }
0x9d: {  	_ =	strace $0x9000004D  }
0x9e: {  	s0 =	stileid.u32;
	[bflag:$0x2] =	sbarrier.arrive $0xFFFF  }
0x9f: {  	p0 =	sne.s32 s0, $0x0;
	s0 =	rddreg [dreg:$0x2]  }
0xa0: {  	s0 =	sadd.s32 @!p0 $0x100000, s0  }
0xa1: {  	[sflag:s0] =	ssyncadd.tile.s32 @!p0 $0x1;
	_ =	shalt  }
.Lfunc_end2:
_tile_overlayer_lowered:
.L_overlay_start_2:
0xa2: {  	(tag) =	ssettag $0x2  }
0xa3: {  	s0 =	rddreg [dreg:$0x0];
	s2 =	stileid.u32  }
0xa4: {  	s1 =	rddreg [dreg:$0x1];
	p0 =	sne.s32 s2, $0x0  }
0xa5: {  	s3 =	rddreg [dreg:$0x2];
	[bflag:$0x3] =	sbarrier.arrive $0xFFFF;
	s2 =	simm.s32 @!p0 $0x1C07  }
0xa6: {  	[timem:s3], [sflag:s2] =	dma.local @!p0 [hbm:s0], s1  }
0xa7: {  	s0 =	simm.s32 @!p0 $0x7  }
0xa8: {  	_ =	swait.ge @!p0 [sflag:s0], s1  }
0xa9: {  	s1 =	ssub.s32 @!p0 $0x0, s1;
	[sflag:s0] =	ssyncset.done @!p0 $0x0  }
0xaa: {  	[sflag:s0] =	ssyncadd.s32 @!p0 s1  }
0xab: {  	[bflag:$0x3] =	sbarrier.arrive $0xFFFF  }
0xac: {  	_ =	shalt  }

// kernel: kernel.8.cloned.1.call-start
scs
__scs_entry_jumppad:
0x0: {  	(pc) =	sbr.rel $0x88, $3  }
0x1: {  	(tag) =	ssettag $0x0;
	lr =	simm.s32 $0x1  }
0x2: {  	[smem:$0x3F99] =	sst lr;
	_ =	strace $0xD0000000  }
0x3: {  	_ = 	snop  }
0x4: {  	_ = 	snop  }
0x5: {  	_ = 	snop  }
0x6: {  	_ = 	snop  }
0x7: {  	_ = 	snop  }
__scs_overlays_trampoline_lowered:
0x8: {  	[smem:$0x3FA8] =	sst s0  }
0x9: {  	[smem:$0x3FA9] =	sst s1  }
0xa: {  	[smem:$0x3FAA] =	sst s2  }
0xb: {  	[smem:$0x3FAB] =	sst s3  }
0xc: {  	[smem:$0x3FAC] =	sst s4  }
0xd: {  	[smem:$0x3FAD] =	sst s5  }
0xe: {  	[smem:$0x3FAE] =	sst s6  }
0xf: {  	[smem:$0x3FAF] =	sst s7  }
0x10: {  	[smem:$0x3FB0] =	sst s8  }
0x11: {  	[smem:$0x3FB1] =	sst s9;
	s0 =	simm.s32 @!p0 $0x0  }
0x12: {  	s1 =	sld [smem:$0x3F97];
	s0 =	simm.s32 @p0 $0x1  }
0x13: {  	[smem:$0x3FB2] =	sst s0;
	s0 =	simm.s32 @!p1 $0x0  }
0x14: {  	s2 =	sld [smem:$0x3F96];
	s0 =	simm.s32 @p1 $0x1  }
0x15: {  	[smem:$0x3FB3] =	sst s0;
	s0 =	simm.s32 @!p2 $0x0  }
0x16: {  	s3 =	sld [smem:$0x3FDB];
	s0 =	simm.s32 @p2 $0x1  }
0x17: {  	s4 =	simm.s32 $0x1BF5;
	[smem:$0x3FB5] =	sst s0  }
0x18: {  	s0 =	sld [smem:$0x3F98];
	_ =	swait.ge [sflag:s4], $0x0  }
0x19: {  	s7 =	sld [smem:$0x3F99]  }
0x1a: {  	s8 =	sadd.s32 $0xFFFFE003, lr  }
0x1b: {  	s9 =	sadd.s32 $0xFFFFFEF7, lr;
	s5 =	simm.s32 $0xFFFFFFFF;
	p2 =	slt.u32 s8, $0xFFFFF086  }
0x1c: {  	p1 =	slt.u32 s9, $0xF7A;
	s5 =	simm.s32 @!p2 $0x0  }
0x1d: {  	s5 =	simm.s32 @p1 $0x1;
	p0 =	seq.s32 s7, s2  }
0x1e: {  	s7 =	smul.u32 @!p0 $0xF7A, s2;
	p2 =	seq.s32 @!p0 s5, $0x0  }
0x1f: {  	s9 =	smul.u32 $0xF7A, s1;
	s8 =	simm.s32 @!p0 $0x1BF5;
	p2 =	por !p2, p0  }
0x20: {  	[sflag:s8] =	ssyncset.s32 @!p0 $0xFFFFF086;
	s6 =	sadd.s32 @!p0 s3, s7;
	s7 =	simm.s32 @!p0 $0x108  }
0x21: {  	s3 =	sadd.s32 s3, s9;
	s6 =	sadd.s32 @!p0 $0x88, s6;
	s7 =	simm.s32 @p2 $0x1082  }
0x22: {  	[simem:s7], [sflag:s8] =	dma.local @!p0 [hbm:s6], $0xF7A  }
0x23: {  	s9 =	sor.u32 $0xD0000000, s2;
	s6 =	simm.s32 $0x108;
	_ =	swait.ge @!p0 [sflag:s8], $0x0  }
0x24: {  	s3 =	sadd.s32 $0x88, s3;
	s6 =	simm.s32 @!p1 $0x1082;
	[sflag:s4] =	ssyncset.s32 $0xFFFFF086  }
0x25: {  	[simem:s6], [sflag:s4] =	dma.local [hbm:s3], $0xF7A  }
0x26: {  	[smem:$0x3F99] =	sst s1;
	(tag) =	ssettag s2;
	_ =	strace s9  }
0x27: {  	s1 =	sld [smem:$0x3FA9]  }
0x28: {  	s2 =	sld [smem:$0x3FAA]  }
0x29: {  	s4 =	sld [smem:$0x3FAC]  }
0x2a: {  	p0 =	seq.s32 s5, $0x0;
	s5 =	sld [smem:$0x3FAD]  }
0x2b: {  	s6 =	sld [smem:$0x3FAE]  }
0x2c: {  	s7 =	sld [smem:$0x3FAF]  }
0x2d: {  	s3 =	simm.s32 $0x108;
	s8 =	sld [smem:$0x3FB0]  }
0x2e: {  	s3 =	simm.s32 @!p0 $0x1082;
	s9 =	sld [smem:$0x3FB1]  }
0x2f: {  	lr =	sadd.s32 s0, s3;
	s0 =	sld [smem:$0x3FA8]  }
0x30: {  	s3 =	sld [smem:$0x3FAB]  }
0x31: {  	[smem:$0x3FB4] =	sst s10  }
0x32: {  	s10 =	sld [smem:$0x3FB2];
	_ =	sdelay $0x3  }
0x33: {  	p0 =	seq.s32 s10, $0x1;
	s10 =	sld [smem:$0x3FB4];
	_ =	sdelay $0x3  }
0x34: {  	[smem:$0x3FB4] =	sst s10  }
0x35: {  	s10 =	sld [smem:$0x3FB3];
	_ =	sdelay $0x3  }
0x36: {  	p1 =	seq.s32 s10, $0x1;
	s10 =	sld [smem:$0x3FB4];
	_ =	sdelay $0x3  }
0x37: {  	[smem:$0x3FB4] =	sst s10  }
0x38: {  	s10 =	sld [smem:$0x3FB5]  }
0x39: {  	_ = 	snop;
	(pc) =	sbr.ind lr, $3  }
0x3a: {  	_ = 	snop  }
0x3b: {  	_ = 	snop  }
0x3c: {  	p2 =	seq.s32 s10, $0x1;
	s10 =	sld [smem:$0x3FB4]  }
0x3d: {  	_ =	shalt  }
0x3e: {  	_ =	shalt  }
0x3f: {  	_ =	shalt  }
0x40: {  	_ =	shalt  }
0x41: {  	_ =	shalt  }
0x42: {  	_ =	shalt  }
0x43: {  	_ =	shalt  }
0x44: {  	_ =	shalt  }
0x45: {  	_ =	shalt  }
0x46: {  	_ =	shalt  }
0x47: {  	_ =	shalt  }
0x48: {  	_ =	shalt  }
0x49: {  	_ =	shalt  }
0x4a: {  	_ =	shalt  }
0x4b: {  	_ =	shalt  }
0x4c: {  	_ =	shalt  }
0x4d: {  	_ =	shalt  }
0x4e: {  	_ =	shalt  }
0x4f: {  	_ =	shalt  }
0x50: {  	_ =	shalt  }
0x51: {  	_ =	shalt  }
0x52: {  	_ =	shalt  }
0x53: {  	_ =	shalt  }
0x54: {  	_ =	shalt  }
0x55: {  	_ =	shalt  }
0x56: {  	_ =	shalt  }
0x57: {  	_ =	shalt  }
0x58: {  	_ =	shalt  }
0x59: {  	_ =	shalt  }
0x5a: {  	_ =	shalt  }
0x5b: {  	_ =	shalt  }
0x5c: {  	_ =	shalt  }
0x5d: {  	_ =	shalt  }
0x5e: {  	_ =	shalt  }
0x5f: {  	_ =	shalt  }
0x60: {  	_ =	shalt  }
0x61: {  	_ =	shalt  }
0x62: {  	_ =	shalt  }
0x63: {  	_ =	shalt  }
0x64: {  	_ =	shalt  }
0x65: {  	_ =	shalt  }
0x66: {  	_ =	shalt  }
0x67: {  	_ =	shalt  }
0x68: {  	_ =	shalt  }
0x69: {  	_ =	shalt  }
0x6a: {  	_ =	shalt  }
0x6b: {  	_ =	shalt  }
0x6c: {  	_ =	shalt  }
0x6d: {  	_ =	shalt  }
0x6e: {  	_ =	shalt  }
0x6f: {  	_ =	shalt  }
0x70: {  	_ =	shalt  }
0x71: {  	_ =	shalt  }
0x72: {  	_ =	shalt  }
0x73: {  	_ =	shalt  }
0x74: {  	_ =	shalt  }
0x75: {  	_ =	shalt  }
0x76: {  	_ =	shalt  }
0x77: {  	_ =	shalt  }
0x78: {  	_ =	shalt  }
0x79: {  	_ =	shalt  }
0x7a: {  	_ =	shalt  }
0x7b: {  	_ =	shalt  }
0x7c: {  	_ =	shalt  }
0x7d: {  	_ =	shalt  }
0x7e: {  	_ =	shalt  }
0x7f: {  	_ =	shalt  }
0x80: {  	_ =	shalt  }
0x81: {  	_ =	shalt  }
0x82: {  	_ =	shalt  }
0x83: {  	_ =	shalt  }
0x84: {  	_ =	shalt  }
0x85: {  	_ =	shalt  }
0x86: {  	_ =	shalt  }
0x87: {  	_ =	shalt  }
.Lfunc_end0:
.L_simem_size_0:
called_computation_lowered:
.L_overlay_start_0:
0x88: {  	s2 =	sld [smem:$0x3FD9]  }
0x89: {  	s3 =	sld [smem:$0x3FFE];
	_ =	sdelay $0x1  }
0x8a: {  	s1 =	srdreg.scid  }
0x8b: {  	s0 =	sand.u32 $0x1, s1  }
0x8c: {  	s16 =	sshll.u32 s0, $0xA;
	s2 =	sadd.s32 s3, s2  }
0x8d: {  	s2 =	sadd.s32 s2, s16  }
0x8e: {  	[smem:$0x3FC0] =	sst s2  }
0x8f: {  	_ = 	snop  }
0x90: {  	(tm) =	ssettm $0x1  }
0x91: {  	s17 =	sld [smem:$0x3FFB];
	_ =	sdelay $0x3  }
0x92: {  	_ =	strace s17  }
0x93: {  	s2 =	sld [smem:$0x3FFC];
	_ =	sdelay $0x3  }
0x94: {  	_ =	strace s2  }
0x95: {  	s2 =	sld [smem:$0x3FFD];
	_ =	sdelay $0x3  }
0x96: {  	_ =	strace s2  }
0x97: {  	_ =	strace $0x8FFFFFFF  }
0x98: {  	s18 =	sld [smem:$0x3FDB];
	_ =	sdelay $0x1  }
0x99: {  	s19 =	simm.s32 $_scs_section_size  }
0x9a: {  	s4 =	simm.s32 $_size__tile_overlayer_lowered;
	s5 =	simm.s32 $_tile_overlayer_lowered  }
0x9b: {  	s22 =	simm.s32 $0x1BFF;
	s21 =	sshll.u32 s5, $0x1;
	s2 =	sadd.s32 s19, s18  }
0x9c: {  	s6 =	simm.s32 $0x0;
	s20 =	sshll.u32 s4, $0x1;
	s4 =	sadd.s32 s21, s2  }
0x9d: {  	[timem:s6], [sflag:s22] =	dma.local [hbm:s4], s20  }
0x9e: {  	_ =	swait.ge [sflag:s22], s20  }
0x9f: {  	s3 =	ssub.s32 $0x0, s20;
	[sflag:s22] =	ssyncset.done $0x0  }
0xa0: {  	[sflag:s22] =	ssyncadd.s32 s3;
	_ =	sdelay $0x1  }
0xa1: {  	s23 =	simm.s32 $0x1B8B  }
0xa2: {  	_ =	swait.ge [sflag:s23], $0x1  }
0xa3: {  	[sflag:s23] =	ssyncset.done $0x0  }
0xa4: {  	s25 =	simm.s32 $0x1B8E;
	s24 =	sld [smem:$0x3FFE];
	[sflag:s23] =	ssyncadd.s32 $0xFFFFFFFF  }
0xa5: {  	s26 =	simm.s32 $execute0_lowered;
	[smem:$0x3FD2] =	sst s25  }
0xa6: {  	s4 =	sshll.u32 s26, $0x1;
	_ =	strace $0x80000046;
	[dreg:$0x1] =	wrdreg $0xFFFFFFFF  }
0xa7: {  	s28 =	simm.s32 $_size_execute0_lowered;
	s2 =	sadd.s32 s2, s4;
	[dreg:$0x0] =	wrdreg $0x0  }
0xa8: {  	s4 =	sshll.u32 s28, $0x1;
	[dreg:$0x2] =	wrdreg s2  }
0xa9: {  	[dreg:$0x3] =	wrdreg s4  }
0xaa: {  	[dreg:$0x4] =	wrdreg $0xC0  }
0xab: {  	_ =	task [dreg:s6], $0x5FFFF  }
0xac: {  	[dreg:$0x1] =	wrdreg $0xFFFFFFFF  }
0xad: {  	[dreg:$0x0] =	wrdreg $0x60  }
0xae: {  	[dreg:$0x2] =	wrdreg s24  }
0xaf: {  	[dreg:$0x3] =	wrdreg $0x68000  }
0xb0: {  	[dreg:$0x4] =	wrdreg $0x9  }
0xb1: {  	_ =	task.clear_ibuf [dreg:s6], $0x5FFFF;
	_ =	strace $0x90000046  }
0xb2: {  	s29 =	simm.s32 $0x9;
	_ =	strace $0x80000048  }
0xb3: {  	_ =	swait.ge [sflag:s29], $0x1  }
0xb4: {  	[sflag:s29] =	ssyncadd.s32 $0xFFFFFFFF  }
0xb5: {  	_ =	strace $0x90000048  }
0xb6: {  	_ =	sfence  }
0xb7: {  	s30 =	sld [smem:$0x0];
	_ =	sdelay $0x2  }
0xb8: {  	s31 =	sshll.u32 s1, $0xD;
	s1 =	sshrl.u32 s1, $0x2  }
0xb9: {  	s3 =	sand.u32 $0x4000, s31;
	s1 =	sadd.s32 s1, s30  }
0xba: {  	s0 =	sor.u32 s3, s0;
	s1 =	sshll.u32 s1, $0x11  }
0xbb: {  	s0 =	sor.u32 s1, s0  }
0xbc: {  	s0 =	sadd.s32 $0x8F2B, s0  }
0xbd: {  	[sflag:s0] =	ssyncadd.remote.s32 $0x1  }
0xbe: {  	_ =	sfence.sel $0xFFFF  }
0xbf: {  	[dreg:$0x0] =	wrdreg $0xFFFFFFFF;
	(pc) =	sbr.abs _section_cstart, $3  }
0xc0: {  	[dreg:$0x1] =	wrdreg $0xFFFFFFFF  }
0xc1: {  	_ =	task.clear_ibuf [dreg:s6], $0x2FFFF;
	_ =	strace $0x9FFFFFFF  }
0xc2: {  	(tm) =	ssettm $0x7FFFFFFF  }
0xc3: {  	_ =	shalt  }
tec
execute0_lowered:
.L_overlay_start_1:
0x0: {  	(tag) =	ssettag $0x1  }
0x1: {  	s0 =	srdreg.scid;
	s10 =	rddreg [dreg:$0x0]  }
0x2: {  	s2 =	rddreg [dreg:$0x1];
	s3 =	simm.s32 $0x0;
	s14 =	simm.s32 $0x2800  }
0x3: {  	s15 =	simm.s32 $0x2;
	s16 =	simm.s32 $0x80;
	s5 =	sand.u32 $0x1, s0  }
0x4: {  	s17 =	simm.s32 $0x1;
	s0 =	stileid.u32;
	s6 =	smul.u32 $0x13C000, s5  }
0x5: {  	s20 =	simm.s32 $0x0;
	[smem:$0x7FF] =	sst s3;
	s7 =	smul.u32 $0x13C00, s0  }
0x6: {  	s1 =	sshll.u32 s5, $0x4;
	s8 =	smul.u32 $0x4F000, s0;
	s29 =	ssub.s32 $0x2, s5  }
0x7: {  	s18 =	sshll.u32 s0, $0x6;
	s1 =	sor.u32 s0, s1;
	s31 =	sshrl.u32 s29, $0x1  }
0x8: {  	s18 =	sor.u32 $0x1C02, s18;
	s4 =	smul.u32 $0x500, s1;
	s1 =	rddreg [dreg:$0x2]  }
0x9: {  	_ =	strace $0x80000047;
	s6 =	sadd.s32 s7, s6;
	s30 =	sshrl.u32 s8, $0x2  }
0xa: {  	s13 =	ssub.s32 s29, s31;
	s6 =	sshrl.u32 s6, $0x3;
	s5 =	sadd.s32 s30, s2  }
0xb: {  	s13 =	smax.u32 s13, $0x1;
	s11 =	sadd.s32 s4, s10;
	s4 =	sadd.s32 $0x17C00, s10  }
0xc: {  	s12 =	sadd.s32 s6, s10;
	s6 =	sadd.s32 $0x4000, s5;
	s7 =	sadd.s32 $0x8000, s5  }
0xd: {  	s8 =	sadd.s32 $0xC000, s5;
	s9 =	sadd.s32 $0x10000, s5;
	s10 =	sadd.s32 $0x18400, s10  }
0xe: {  	s19 =	sshrl.u32 s5, $0x3;
	s11 =	sadd.s32 $0xDC00, s11;
	s12 =	sadd.s32 $0x18C00, s12  }
.LBB2_1:
0xf: {  	[tilespmem:s14], [sflag:$0x2] =	stream.linear.gather [hbm4b:s4+s3], $0x4000, $0x38;
	[tilespmem:$0x8F80] =	vst v63  }
0x10: {  	_ =	swait.ge [sflag:s15], $0x4000  }
0x11: {  	[sflag:s15] =	ssyncset.done $0x0  }
0x12: {  	[sflag:s15] =	ssyncadd.s32 $0xFFFFC000  }
0x13: {  	[spmem:s5] =	stream.linear.scatter [tilespmem:s14], [sflag:$0x2], $0x4000, $0x38;
	[tilespmem:$0x8F80] =	vst v63  }
0x14: {  	_ =	swait.ge [sflag:s15], $0x4000  }
0x15: {  	[sflag:s15] =	ssyncset.done $0x0  }
0x16: {  	[sflag:s15] =	ssyncadd.s32 $0xFFFFC000  }
0x17: {  	[spmem:s6] =	stream.linear.scatter [tilespmem:s14], [sflag:$0x2], $0x4000, $0x38;
	[tilespmem:$0x8F80] =	vst v63  }
0x18: {  	_ =	swait.ge [sflag:s15], $0x4000  }
0x19: {  	[sflag:s15] =	ssyncset.done $0x0  }
0x1a: {  	[sflag:s15] =	ssyncadd.s32 $0xFFFFC000  }
0x1b: {  	[spmem:s7] =	stream.linear.scatter [tilespmem:s14], [sflag:$0x2], $0x4000, $0x38;
	[tilespmem:$0x8F80] =	vst v63  }
0x1c: {  	_ =	swait.ge [sflag:s15], $0x4000  }
0x1d: {  	[sflag:s15] =	ssyncset.done $0x0  }
0x1e: {  	[sflag:s15] =	ssyncadd.s32 $0xFFFFC000  }
0x1f: {  	[spmem:s8] =	stream.linear.scatter [tilespmem:s14], [sflag:$0x2], $0x4000, $0x38;
	[tilespmem:$0x8F80] =	vst v63  }
0x20: {  	_ =	swait.ge [sflag:s15], $0x4000  }
0x21: {  	[sflag:s15] =	ssyncset.done $0x0  }
0x22: {  	[sflag:s15] =	ssyncadd.s32 $0xFFFFC000  }
0x23: {  	[spmem:s9] =	stream.linear.scatter [tilespmem:s14], [sflag:$0x2], $0x3C00, $0x38;
	[tilespmem:$0x8F80] =	vst v63  }
0x24: {  	_ =	swait.ge [sflag:s15], $0x3C00  }
0x25: {  	[sflag:s15] =	ssyncset.done $0x0  }
0x26: {  	[sflag:s15] =	ssyncadd.s32 $0xFFFFC400  }
0x27: {  	[tilespmem:s14], [sflag:$0x2] =	stream.linear.gather [hbm4b:s10+s3], $0x4000, $0x38;
	[tilespmem:$0x8F80] =	vst v63  }
0x28: {  	_ =	swait.ge [sflag:s15], $0x4000  }
0x29: {  	[sflag:s15] =	ssyncset.done $0x0  }
0x2a: {  	[sflag:s15] =	ssyncadd.s32 $0xFFFFC000  }
0x2b: {  	[bflag:$0x0] =	sbarrier.arrive $0xFFFF  }
0x2c: {  	[tilespmem:s3], [sflag:$0x2] =	stream.linear.gather [hbm4b:s11+s3], $0x2800, $0x38;
	[tilespmem:$0x8F80] =	vst v63  }
0x2d: {  	_ =	swait.ge [sflag:s15], $0x2800  }
0x2e: {  	[sflag:s15] =	ssyncset.done $0x0  }
0x2f: {  	s21 =	simm.s32 $0x0;
	[sflag:s15] =	ssyncadd.s32 $0xFFFFD800  }
0x30: {  	[spmem:s2] =	stream.indirect.scatter.add.f32 [tilespmem:s14], [sflag:$0x1], $0x10, s21, s16, $0xb8;
	[tilespmem:$0x8F80] =	vst v63  }
0x31: {  	s25 =	simm.s32 $0x80  }
0x32: {  	[spmem:s2] =	stream.indirect.scatter.add.f32 [tilespmem:s14], [sflag:$0x1], $0x10, s25, s16, $0xb8;
	[tilespmem:$0x8F80] =	vst v63  }
0x33: {  	s26 =	simm.s32 $0x100  }
0x34: {  	[spmem:s2] =	stream.indirect.scatter.add.f32 [tilespmem:s14], [sflag:$0x1], $0x10, s26, s16, $0xb8;
	[tilespmem:$0x8F80] =	vst v63  }
0x35: {  	s28 =	simm.s32 $0x180  }
0x36: {  	[spmem:s2] =	stream.indirect.scatter.add.f32 [tilespmem:s14], [sflag:$0x1], $0x10, s28, s16, $0xb8;
	[tilespmem:$0x8F80] =	vst v63  }
0x37: {  	s29 =	simm.s32 $0x200  }
0x38: {  	[spmem:s2] =	stream.indirect.scatter.add.f32 [tilespmem:s14], [sflag:$0x1], $0x10, s29, s16, $0xb8;
	[tilespmem:$0x8F80] =	vst v63  }
0x39: {  	s30 =	simm.s32 $0x280  }
0x3a: {  	[spmem:s2] =	stream.indirect.scatter.add.f32 [tilespmem:s14], [sflag:$0x1], $0x10, s30, s16, $0xb8;
	[tilespmem:$0x8F80] =	vst v63  }
0x3b: {  	s31 =	simm.s32 $0x300  }
0x3c: {  	[spmem:s2] =	stream.indirect.scatter.add.f32 [tilespmem:s14], [sflag:$0x1], $0x10, s31, s16, $0xb8;
	[tilespmem:$0x8F80] =	vst v63  }
0x3d: {  	s22 =	simm.s32 $0x380  }
0x3e: {  	[spmem:s2] =	stream.indirect.scatter.add.f32 [tilespmem:s14], [sflag:$0x1], $0x10, s22, s16, $0xb8;
	[tilespmem:$0x8F80] =	vst v63  }
0x3f: {  	s23 =	simm.s32 $0x400  }
0x40: {  	[spmem:s2] =	stream.indirect.scatter.add.f32 [tilespmem:s14], [sflag:$0x1], $0x10, s23, s16, $0xb8;
	[tilespmem:$0x8F80] =	vst v63  }
0x41: {  	s24 =	simm.s32 $0x480  }
0x42: {  	[spmem:s2] =	stream.indirect.scatter.add.f32 [tilespmem:s14], [sflag:$0x1], $0x10, s24, s16, $0xb8;
	[tilespmem:$0x8F80] =	vst v63  }
0x43: {  	s25 =	simm.s32 $0x500  }
0x44: {  	[spmem:s2] =	stream.indirect.scatter.add.f32 [tilespmem:s14], [sflag:$0x1], $0x10, s25, s16, $0xb8;
	[tilespmem:$0x8F80] =	vst v63  }
0x45: {  	s26 =	simm.s32 $0x580  }
0x46: {  	[spmem:s2] =	stream.indirect.scatter.add.f32 [tilespmem:s14], [sflag:$0x1], $0x10, s26, s16, $0xb8;
	[tilespmem:$0x8F80] =	vst v63  }
0x47: {  	s28 =	simm.s32 $0x600  }
0x48: {  	[spmem:s2] =	stream.indirect.scatter.add.f32 [tilespmem:s14], [sflag:$0x1], $0x10, s28, s16, $0xb8;
	[tilespmem:$0x8F80] =	vst v63  }
0x49: {  	s29 =	simm.s32 $0x680  }
0x4a: {  	[spmem:s2] =	stream.indirect.scatter.add.f32 [tilespmem:s14], [sflag:$0x1], $0x10, s29, s16, $0xb8;
	[tilespmem:$0x8F80] =	vst v63  }
0x4b: {  	s30 =	simm.s32 $0x700  }
0x4c: {  	[spmem:s2] =	stream.indirect.scatter.add.f32 [tilespmem:s14], [sflag:$0x1], $0x10, s30, s16, $0xb8;
	[tilespmem:$0x8F80] =	vst v63  }
0x4d: {  	s31 =	simm.s32 $0x780  }
0x4e: {  	[spmem:s2] =	stream.indirect.scatter.add.f32 [tilespmem:s14], [sflag:$0x1], $0x10, s31, s16, $0xb8;
	[tilespmem:$0x8F80] =	vst v63  }
0x4f: {  	_ =	swait.ge [sflag:s17], $0x800  }
0x50: {  	[sflag:s17] =	ssyncset.done $0x0  }
0x51: {  	[sflag:s17] =	ssyncadd.s32 $0xFFFFF800  }
0x52: {  	_ =	swait.ge [sflag:s17], $0x800  }
0x53: {  	[sflag:s17] =	ssyncset.done $0x0  }
0x54: {  	[sflag:s17] =	ssyncadd.s32 $0xFFFFF800  }
0x55: {  	_ =	swait.ge [sflag:s17], $0x800  }
0x56: {  	[sflag:s17] =	ssyncset.done $0x0  }
0x57: {  	[sflag:s17] =	ssyncadd.s32 $0xFFFFF800  }
0x58: {  	_ =	swait.ge [sflag:s17], $0x800  }
0x59: {  	[sflag:s17] =	ssyncset.done $0x0  }
0x5a: {  	[sflag:s17] =	ssyncadd.s32 $0xFFFFF800  }
0x5b: {  	_ =	swait.ge [sflag:s17], $0x800  }
0x5c: {  	[sflag:s17] =	ssyncset.done $0x0  }
0x5d: {  	[sflag:s17] =	ssyncadd.s32 $0xFFFFF800  }
0x5e: {  	_ =	swait.ge [sflag:s17], $0x800  }
0x5f: {  	[sflag:s17] =	ssyncset.done $0x0  }
0x60: {  	[sflag:s17] =	ssyncadd.s32 $0xFFFFF800  }
0x61: {  	_ =	swait.ge [sflag:s17], $0x800  }
0x62: {  	[sflag:s17] =	ssyncset.done $0x0  }
0x63: {  	[sflag:s17] =	ssyncadd.s32 $0xFFFFF800  }
0x64: {  	_ =	swait.ge [sflag:s17], $0x800  }
0x65: {  	[sflag:s17] =	ssyncset.done $0x0  }
0x66: {  	[sflag:s17] =	ssyncadd.s32 $0xFFFFF800  }
0x67: {  	_ =	swait.ge [sflag:s17], $0x800  }
0x68: {  	[sflag:s17] =	ssyncset.done $0x0  }
0x69: {  	[sflag:s17] =	ssyncadd.s32 $0xFFFFF800  }
0x6a: {  	_ =	swait.ge [sflag:s17], $0x800  }
0x6b: {  	[sflag:s17] =	ssyncset.done $0x0  }
0x6c: {  	[sflag:s17] =	ssyncadd.s32 $0xFFFFF800  }
0x6d: {  	_ =	swait.ge [sflag:s17], $0x800  }
0x6e: {  	[sflag:s17] =	ssyncset.done $0x0  }
0x6f: {  	[sflag:s17] =	ssyncadd.s32 $0xFFFFF800  }
0x70: {  	_ =	swait.ge [sflag:s17], $0x800  }
0x71: {  	[sflag:s17] =	ssyncset.done $0x0  }
0x72: {  	[sflag:s17] =	ssyncadd.s32 $0xFFFFF800  }
0x73: {  	_ =	swait.ge [sflag:s17], $0x800  }
0x74: {  	[sflag:s17] =	ssyncset.done $0x0  }
0x75: {  	[sflag:s17] =	ssyncadd.s32 $0xFFFFF800  }
0x76: {  	_ =	swait.ge [sflag:s17], $0x800  }
0x77: {  	[sflag:s17] =	ssyncset.done $0x0  }
0x78: {  	[sflag:s17] =	ssyncadd.s32 $0xFFFFF800  }
0x79: {  	_ =	swait.ge [sflag:s17], $0x800  }
0x7a: {  	[sflag:s17] =	ssyncset.done $0x0  }
0x7b: {  	[sflag:s17] =	ssyncadd.s32 $0xFFFFF800  }
0x7c: {  	_ =	swait.ge [sflag:s17], $0x800  }
0x7d: {  	s21 =	simm.s32 $0x2000;
	s24 =	simm.s32 $0x4000;
	[sflag:s17] =	ssyncset.done $0x0  }
.LBB2_2:
0x7e: {  	s23 =	sshra.s32 s21, $0x2  }
0x7f: {  	[sflag:s17] =	ssyncadd.s32 $0xFFFFF800;
	s21 =	smov.u32 s24;
	s22 =	sadd.s32 $0x2000, s24  }
0x80: {  	[spmem:s2] =	stream.indirect.scatter.add.f32 [tilespmem:s14], [sflag:$0x1], $0x10, s23, s16, $0xb8;
	[tilespmem:$0x8F80] =	vst v63  }
0x81: {  	p0 =	sne.s32 s24, $0x8000;
	s24 =	sadd.s32 $0x80, s23  }
0x82: {  	[spmem:s2] =	stream.indirect.scatter.add.f32 [tilespmem:s14], [sflag:$0x1], $0x10, s24, s16, $0xb8;
	[tilespmem:$0x8F80] =	vst v63  }
0x83: {  	s24 =	sadd.s32 $0x100, s23  }
0x84: {  	[spmem:s2] =	stream.indirect.scatter.add.f32 [tilespmem:s14], [sflag:$0x1], $0x10, s24, s16, $0xb8;
	[tilespmem:$0x8F80] =	vst v63  }
0x85: {  	s24 =	sadd.s32 $0x180, s23  }
0x86: {  	[spmem:s2] =	stream.indirect.scatter.add.f32 [tilespmem:s14], [sflag:$0x1], $0x10, s24, s16, $0xb8;
	[tilespmem:$0x8F80] =	vst v63  }
0x87: {  	s24 =	sadd.s32 $0x200, s23  }
0x88: {  	[spmem:s2] =	stream.indirect.scatter.add.f32 [tilespmem:s14], [sflag:$0x1], $0x10, s24, s16, $0xb8;
	[tilespmem:$0x8F80] =	vst v63  }
0x89: {  	s24 =	sadd.s32 $0x280, s23  }
0x8a: {  	[spmem:s2] =	stream.indirect.scatter.add.f32 [tilespmem:s14], [sflag:$0x1], $0x10, s24, s16, $0xb8;
	[tilespmem:$0x8F80] =	vst v63  }
0x8b: {  	s24 =	sadd.s32 $0x300, s23  }
0x8c: {  	[spmem:s2] =	stream.indirect.scatter.add.f32 [tilespmem:s14], [sflag:$0x1], $0x10, s24, s16, $0xb8;
	[tilespmem:$0x8F80] =	vst v63  }
0x8d: {  	s24 =	sadd.s32 $0x380, s23  }
0x8e: {  	[spmem:s2] =	stream.indirect.scatter.add.f32 [tilespmem:s14], [sflag:$0x1], $0x10, s24, s16, $0xb8;
	[tilespmem:$0x8F80] =	vst v63  }
0x8f: {  	s24 =	sadd.s32 $0x400, s23  }
0x90: {  	[spmem:s2] =	stream.indirect.scatter.add.f32 [tilespmem:s14], [sflag:$0x1], $0x10, s24, s16, $0xb8;
	[tilespmem:$0x8F80] =	vst v63  }
0x91: {  	s24 =	sadd.s32 $0x480, s23  }
0x92: {  	[spmem:s2] =	stream.indirect.scatter.add.f32 [tilespmem:s14], [sflag:$0x1], $0x10, s24, s16, $0xb8;
	[tilespmem:$0x8F80] =	vst v63  }
0x93: {  	s24 =	sadd.s32 $0x500, s23  }
0x94: {  	[spmem:s2] =	stream.indirect.scatter.add.f32 [tilespmem:s14], [sflag:$0x1], $0x10, s24, s16, $0xb8;
	[tilespmem:$0x8F80] =	vst v63  }
0x95: {  	s24 =	sadd.s32 $0x580, s23  }
0x96: {  	[spmem:s2] =	stream.indirect.scatter.add.f32 [tilespmem:s14], [sflag:$0x1], $0x10, s24, s16, $0xb8;
	[tilespmem:$0x8F80] =	vst v63  }
0x97: {  	s24 =	sadd.s32 $0x600, s23  }
0x98: {  	[spmem:s2] =	stream.indirect.scatter.add.f32 [tilespmem:s14], [sflag:$0x1], $0x10, s24, s16, $0xb8;
	[tilespmem:$0x8F80] =	vst v63  }
0x99: {  	s24 =	sadd.s32 $0x680, s23  }
0x9a: {  	[spmem:s2] =	stream.indirect.scatter.add.f32 [tilespmem:s14], [sflag:$0x1], $0x10, s24, s16, $0xb8;
	[tilespmem:$0x8F80] =	vst v63  }
0x9b: {  	s24 =	sadd.s32 $0x700, s23  }
0x9c: {  	[spmem:s2] =	stream.indirect.scatter.add.f32 [tilespmem:s14], [sflag:$0x1], $0x10, s24, s16, $0xb8;
	[tilespmem:$0x8F80] =	vst v63  }
0x9d: {  	s23 =	sadd.s32 $0x780, s23  }
0x9e: {  	[spmem:s2] =	stream.indirect.scatter.add.f32 [tilespmem:s14], [sflag:$0x1], $0x10, s23, s16, $0xb8;
	[tilespmem:$0x8F80] =	vst v63  }
0x9f: {  	_ =	swait.ge [sflag:s17], $0x800  }
0xa0: {  	[sflag:s17] =	ssyncset.done $0x0  }
0xa1: {  	[sflag:s17] =	ssyncadd.s32 $0xFFFFF800  }
0xa2: {  	_ =	swait.ge [sflag:s17], $0x800  }
0xa3: {  	[sflag:s17] =	ssyncset.done $0x0  }
0xa4: {  	[sflag:s17] =	ssyncadd.s32 $0xFFFFF800  }
0xa5: {  	_ =	swait.ge [sflag:s17], $0x800  }
0xa6: {  	[sflag:s17] =	ssyncset.done $0x0  }
0xa7: {  	[sflag:s17] =	ssyncadd.s32 $0xFFFFF800  }
0xa8: {  	_ =	swait.ge [sflag:s17], $0x800  }
0xa9: {  	[sflag:s17] =	ssyncset.done $0x0  }
0xaa: {  	[sflag:s17] =	ssyncadd.s32 $0xFFFFF800  }
0xab: {  	_ =	swait.ge [sflag:s17], $0x800  }
0xac: {  	[sflag:s17] =	ssyncset.done $0x0  }
0xad: {  	[sflag:s17] =	ssyncadd.s32 $0xFFFFF800  }
0xae: {  	_ =	swait.ge [sflag:s17], $0x800  }
0xaf: {  	[sflag:s17] =	ssyncset.done $0x0  }
0xb0: {  	[sflag:s17] =	ssyncadd.s32 $0xFFFFF800  }
0xb1: {  	_ =	swait.ge [sflag:s17], $0x800  }
0xb2: {  	[sflag:s17] =	ssyncset.done $0x0  }
0xb3: {  	[sflag:s17] =	ssyncadd.s32 $0xFFFFF800  }
0xb4: {  	_ =	swait.ge [sflag:s17], $0x800  }
0xb5: {  	[sflag:s17] =	ssyncset.done $0x0  }
0xb6: {  	[sflag:s17] =	ssyncadd.s32 $0xFFFFF800  }
0xb7: {  	_ =	swait.ge [sflag:s17], $0x800  }
0xb8: {  	[sflag:s17] =	ssyncset.done $0x0  }
0xb9: {  	[sflag:s17] =	ssyncadd.s32 $0xFFFFF800  }
0xba: {  	_ =	swait.ge [sflag:s17], $0x800  }
0xbb: {  	[sflag:s17] =	ssyncset.done $0x0  }
0xbc: {  	[sflag:s17] =	ssyncadd.s32 $0xFFFFF800  }
0xbd: {  	_ =	swait.ge [sflag:s17], $0x800  }
0xbe: {  	[sflag:s17] =	ssyncset.done $0x0  }
0xbf: {  	[sflag:s17] =	ssyncadd.s32 $0xFFFFF800  }
0xc0: {  	_ =	swait.ge [sflag:s17], $0x800  }
0xc1: {  	[sflag:s17] =	ssyncset.done $0x0  }
0xc2: {  	[sflag:s17] =	ssyncadd.s32 $0xFFFFF800  }
0xc3: {  	_ =	swait.ge [sflag:s17], $0x800  }
0xc4: {  	[sflag:s17] =	ssyncset.done $0x0  }
0xc5: {  	[sflag:s17] =	ssyncadd.s32 $0xFFFFF800  }
0xc6: {  	_ =	swait.ge [sflag:s17], $0x800  }
0xc7: {  	[sflag:s17] =	ssyncset.done $0x0  }
0xc8: {  	[sflag:s17] =	ssyncadd.s32 $0xFFFFF800  }
.Ltmp0:
0xc9: {  	_ =	swait.ge [sflag:s17], $0x800;
	(pc) =	sbr.rel @p0 .LBB2_2-.Ltmp0, $4  }
0xca: {  	[sflag:s17] =	ssyncset.done $0x0  }
0xcb: {  	[sflag:s17] =	ssyncadd.s32 $0xFFFFF800  }
0xcc: {  	_ =	swait.ge [sflag:s17], $0x800  }
0xcd: {  	s24 =	smov.u32 s22;
	[sflag:s17] =	ssyncset.done $0x0  }
0xce: {  	s21 =	sshra.s32 s21, $0x2;
	[sflag:s17] =	ssyncadd.s32 $0xFFFFF800  }
0xcf: {  	[spmem:s2] =	stream.indirect.scatter.add.f32 [tilespmem:s14], [sflag:$0x1], $0x10, s21, s16, $0xb8;
	[tilespmem:$0x8F80] =	vst v63  }
0xd0: {  	s22 =	sadd.s32 $0x80, s21  }
0xd1: {  	[spmem:s2] =	stream.indirect.scatter.add.f32 [tilespmem:s14], [sflag:$0x1], $0x10, s22, s16, $0xb8;
	[tilespmem:$0x8F80] =	vst v63  }
0xd2: {  	s26 =	sadd.s32 $0x100, s21  }
0xd3: {  	[spmem:s2] =	stream.indirect.scatter.add.f32 [tilespmem:s14], [sflag:$0x1], $0x10, s26, s16, $0xb8;
	[tilespmem:$0x8F80] =	vst v63  }
0xd4: {  	s28 =	sadd.s32 $0x180, s21  }
0xd5: {  	[spmem:s2] =	stream.indirect.scatter.add.f32 [tilespmem:s14], [sflag:$0x1], $0x10, s28, s16, $0xb8;
	[tilespmem:$0x8F80] =	vst v63  }
0xd6: {  	s29 =	sadd.s32 $0x200, s21  }
0xd7: {  	[spmem:s2] =	stream.indirect.scatter.add.f32 [tilespmem:s14], [sflag:$0x1], $0x10, s29, s16, $0xb8;
	[tilespmem:$0x8F80] =	vst v63  }
0xd8: {  	s30 =	sadd.s32 $0x280, s21  }
0xd9: {  	[spmem:s2] =	stream.indirect.scatter.add.f32 [tilespmem:s14], [sflag:$0x1], $0x10, s30, s16, $0xb8;
	[tilespmem:$0x8F80] =	vst v63  }
0xda: {  	s31 =	sadd.s32 $0x300, s21  }
0xdb: {  	[spmem:s2] =	stream.indirect.scatter.add.f32 [tilespmem:s14], [sflag:$0x1], $0x10, s31, s16, $0xb8;
	[tilespmem:$0x8F80] =	vst v63  }
0xdc: {  	s23 =	sadd.s32 $0x380, s21  }
0xdd: {  	[spmem:s2] =	stream.indirect.scatter.add.f32 [tilespmem:s14], [sflag:$0x1], $0x10, s23, s16, $0xb8;
	[tilespmem:$0x8F80] =	vst v63  }
0xde: {  	s24 =	sadd.s32 $0x400, s21  }
0xdf: {  	[spmem:s2] =	stream.indirect.scatter.add.f32 [tilespmem:s14], [sflag:$0x1], $0x10, s24, s16, $0xb8;
	[tilespmem:$0x8F80] =	vst v63  }
0xe0: {  	s25 =	sadd.s32 $0x480, s21  }
0xe1: {  	[spmem:s2] =	stream.indirect.scatter.add.f32 [tilespmem:s14], [sflag:$0x1], $0x10, s25, s16, $0xb8;
	[tilespmem:$0x8F80] =	vst v63  }
0xe2: {  	s26 =	sadd.s32 $0x500, s21  }
0xe3: {  	[spmem:s2] =	stream.indirect.scatter.add.f32 [tilespmem:s14], [sflag:$0x1], $0x10, s26, s16, $0xb8;
	[tilespmem:$0x8F80] =	vst v63  }
0xe4: {  	s28 =	sadd.s32 $0x580, s21  }
0xe5: {  	[spmem:s2] =	stream.indirect.scatter.add.f32 [tilespmem:s14], [sflag:$0x1], $0x10, s28, s16, $0xb8;
	[tilespmem:$0x8F80] =	vst v63  }
0xe6: {  	s29 =	sadd.s32 $0x600, s21  }
0xe7: {  	[spmem:s2] =	stream.indirect.scatter.add.f32 [tilespmem:s14], [sflag:$0x1], $0x10, s29, s16, $0xb8;
	[tilespmem:$0x8F80] =	vst v63  }
0xe8: {  	s30 =	sadd.s32 $0x680, s21  }
0xe9: {  	[spmem:s2] =	stream.indirect.scatter.add.f32 [tilespmem:s14], [sflag:$0x1], $0x10, s30, s16, $0xb8;
	[tilespmem:$0x8F80] =	vst v63  }
0xea: {  	s31 =	sadd.s32 $0x700, s21  }
0xeb: {  	[spmem:s2] =	stream.indirect.scatter.add.f32 [tilespmem:s14], [sflag:$0x1], $0x10, s31, s16, $0xb8;
	[tilespmem:$0x8F80] =	vst v63  }
0xec: {  	s21 =	sadd.s32 $0x780, s21  }
0xed: {  	[spmem:s2] =	stream.indirect.scatter.add.f32 [tilespmem:s14], [sflag:$0x1], $0x10, s21, s16, $0xb8;
	[tilespmem:$0x8F80] =	vst v63  }
0xee: {  	_ =	swait.ge [sflag:s17], $0x800  }
0xef: {  	[sflag:s17] =	ssyncset.done $0x0  }
0xf0: {  	[sflag:s17] =	ssyncadd.s32 $0xFFFFF800  }
0xf1: {  	_ =	swait.ge [sflag:s17], $0x800  }
0xf2: {  	[sflag:s17] =	ssyncset.done $0x0  }
0xf3: {  	[sflag:s17] =	ssyncadd.s32 $0xFFFFF800  }
0xf4: {  	_ =	swait.ge [sflag:s17], $0x800  }
0xf5: {  	[sflag:s17] =	ssyncset.done $0x0  }
0xf6: {  	[sflag:s17] =	ssyncadd.s32 $0xFFFFF800  }
0xf7: {  	_ =	swait.ge [sflag:s17], $0x800  }
0xf8: {  	[sflag:s17] =	ssyncset.done $0x0  }
0xf9: {  	[sflag:s17] =	ssyncadd.s32 $0xFFFFF800  }
0xfa: {  	_ =	swait.ge [sflag:s17], $0x800  }
0xfb: {  	[sflag:s17] =	ssyncset.done $0x0  }
0xfc: {  	[sflag:s17] =	ssyncadd.s32 $0xFFFFF800  }
0xfd: {  	_ =	swait.ge [sflag:s17], $0x800  }
0xfe: {  	[sflag:s17] =	ssyncset.done $0x0  }
0xff: {  	[sflag:s17] =	ssyncadd.s32 $0xFFFFF800  }
0x100: {  	_ =	swait.ge [sflag:s17], $0x800  }
0x101: {  	[sflag:s17] =	ssyncset.done $0x0  }
0x102: {  	[sflag:s17] =	ssyncadd.s32 $0xFFFFF800  }
0x103: {  	_ =	swait.ge [sflag:s17], $0x800  }
0x104: {  	[sflag:s17] =	ssyncset.done $0x0  }
0x105: {  	[sflag:s17] =	ssyncadd.s32 $0xFFFFF800  }
0x106: {  	_ =	swait.ge [sflag:s17], $0x800  }
0x107: {  	[sflag:s17] =	ssyncset.done $0x0  }
0x108: {  	[sflag:s17] =	ssyncadd.s32 $0xFFFFF800  }
0x109: {  	_ =	swait.ge [sflag:s17], $0x800  }
0x10a: {  	[sflag:s17] =	ssyncset.done $0x0  }
0x10b: {  	[sflag:s17] =	ssyncadd.s32 $0xFFFFF800  }
0x10c: {  	_ =	swait.ge [sflag:s17], $0x800  }
0x10d: {  	[sflag:s17] =	ssyncset.done $0x0  }
0x10e: {  	[sflag:s17] =	ssyncadd.s32 $0xFFFFF800  }
0x10f: {  	_ =	swait.ge [sflag:s17], $0x800  }
0x110: {  	[sflag:s17] =	ssyncset.done $0x0  }
0x111: {  	[sflag:s17] =	ssyncadd.s32 $0xFFFFF800  }
0x112: {  	_ =	swait.ge [sflag:s17], $0x800  }
0x113: {  	[sflag:s17] =	ssyncset.done $0x0  }
0x114: {  	[sflag:s17] =	ssyncadd.s32 $0xFFFFF800  }
0x115: {  	_ =	swait.ge [sflag:s17], $0x800  }
0x116: {  	[sflag:s17] =	ssyncset.done $0x0  }
0x117: {  	[sflag:s17] =	ssyncadd.s32 $0xFFFFF800  }
0x118: {  	_ =	swait.ge [sflag:s17], $0x800  }
0x119: {  	[sflag:s17] =	ssyncset.done $0x0  }
0x11a: {  	[sflag:s17] =	ssyncadd.s32 $0xFFFFF800  }
0x11b: {  	_ =	swait.ge [sflag:s17], $0x800  }
0x11c: {  	s20 =	sadd.s32 $0x1, s20;
	[sflag:s17] =	ssyncset.done $0x0  }
0x11d: {  	p0 =	sne.s32 s20, s13;
	[sflag:s17] =	ssyncadd.s32 $0xFFFFF800  }
.Ltmp1:
0x11e: {  	[bflag:$0x0] =	sbarrier.arrive $0xFFFF;
	(pc) =	sbr.rel @p0 .LBB2_1-.Ltmp1, $4  }
0x11f: {  	[hbm:s12], [sflag:s18] =	dma.local [spmem:s19], $0x2780  }
0x120: {  	_ =	swait.ge [sflag:s15], $0x2780  }
0x121: {  	[sflag:s15] =	ssyncset.done $0x0  }
0x122: {  	[sflag:s15] =	ssyncadd.s32 $0xFFFFD880  }
0x123: {  	_ =	sfence.sel $0x180000  }
0x124: {  	[bflag:$0x0] =	sbarrier.arrive $0xFFFF  }
0x125: {  	p0 =	sne.s32 s0, $0x0;
	_ =	strace $0x90000047  }
0x126: {  	s0 =	sadd.s32 @!p0 $0x100000, s1;
	[bflag:$0x2] =	sbarrier.arrive $0xFFFF  }
0x127: {  	[sflag:s0] =	ssyncadd.tile.s32 @!p0 $0x1;
	_ =	shalt  }
.Lfunc_end2:
_tile_overlayer_lowered:
.L_overlay_start_2:
0x128: {  	(tag) =	ssettag $0x2  }
0x129: {  	s0 =	rddreg [dreg:$0x0];
	s2 =	stileid.u32  }
0x12a: {  	s1 =	rddreg [dreg:$0x1];
	p0 =	sne.s32 s2, $0x0  }
0x12b: {  	s3 =	rddreg [dreg:$0x2];
	[bflag:$0x3] =	sbarrier.arrive $0xFFFF;
	s2 =	simm.s32 @!p0 $0x1C02  }
0x12c: {  	[timem:s3], [sflag:s2] =	dma.local @!p0 [hbm:s0], s1  }
0x12d: {  	s0 =	simm.s32 @!p0 $0x2  }
0x12e: {  	_ =	swait.ge @!p0 [sflag:s0], s1  }
0x12f: {  	s1 =	ssub.s32 @!p0 $0x0, s1;
	[sflag:s0] =	ssyncset.done @!p0 $0x0  }
0x130: {  	[sflag:s0] =	ssyncadd.s32 @!p0 s1  }
0x131: {  	[bflag:$0x3] =	sbarrier.arrive $0xFFFF  }
0x132: {  	_ =	shalt  }

</sc_bundles>
